<compile_context>
chip_gen: v7x
topology: tpu7x:2x2x1
jax: 0.10.2.dev20260603
libtpu: 0.0.44.dev20260713+nightly
codegen_flags: <defaults>
</compile_context>

<pallas_src>
import functools

import jax
import jax.numpy as jnp
import numpy as np
from jax import lax
from jax.experimental import pallas as pl
from jax.experimental.pallas import tpu as pltpu
from jax.experimental.pallas import tpu_sc as plsc

_N = 8 * 16 * 196
_F = 128
_HW = 196
_C = 192
_D = 256
_K = 1024
_G = 8

_FPB = 8
_NB = _F // _FPB
_BM = _FPB * _HW

_NC = 2
_NS = 16
_NW = _NC * _NS
_BPW = _N // _NW
_CHUNK = 392
_NCHUNK = _BPW // _CHUNK


def _encode_body(z_ref, w1t_ref, b1_ref, w2t_ref, b2_ref, gamma_ref,
                 beta_ref, cb_ref, idx_ref):
    gs = _D // _G
    cb = cb_ref[...]
    cbn = jnp.sum(cb * cb, axis=1, keepdims=True)
    idx_parts = []
    for f in range(_FPB):
        zf = z_ref[f * _C:(f + 1) * _C, :]
        h = jnp.dot(w1t_ref[...], zf, preferred_element_type=jnp.float32)
        h = jnp.maximum(h + b1_ref[...], 0.0)
        h = jnp.dot(w2t_ref[...], h, preferred_element_type=jnp.float32)
        h = jnp.maximum(h + b2_ref[...], 0.0)
        parts = []
        for g in range(_G):
            seg = h[g * gs:(g + 1) * gs, :]
            m = jnp.mean(seg, axis=0, keepdims=True)
            d = seg - m
            v = jnp.mean(d * d, axis=0, keepdims=True)
            parts.append(d * lax.rsqrt(v + 1e-5))
        hc = jnp.concatenate(parts, axis=0)
        hq = hc * gamma_ref[...] + beta_ref[...]
        hqn = jnp.sum(hq * hq, axis=0, keepdims=True)
        m = jnp.dot(cb, hq, preferred_element_type=jnp.float32)
        d2 = (hqn - 2.0 * m) + cbn
        dmin = jnp.min(d2, axis=0, keepdims=True)
        row = lax.broadcasted_iota(jnp.int32, d2.shape, 0)
        idx_parts.append(jnp.min(jnp.where(d2 == dmin, row, _K), axis=0))
    idx = jnp.concatenate(idx_parts)
    idx_ref[...] = idx.astype(jnp.int32).reshape(1, 1, _BM)


def _decode_body(zq_ref, wout_ref, bout_ref, out_ref):
    yt = lax.dot_general(
        wout_ref[...], zq_ref[...], (((0,), (1,)), ((), ())),
        preferred_element_type=jnp.float32,
    ) + bout_ref[...]
    for f in range(_FPB):
        out_ref[f] = yt[:, f * _HW:(f + 1) * _HW]


def _gather_body(table_hbm, idx_hbm, out_hbm, idx_v, rows_v, sem):
    wid = lax.axis_index("s") * _NC + lax.axis_index("c")
    base = wid * _BPW
    wpr = _BM // _BPW
    pltpu.sync_copy(idx_hbm.at[wid // wpr, 0], idx_v)
    voff = (wid % wpr) * _BPW

    for c in range(_NCHUNK):
        pltpu.async_copy(
            table_hbm.at[idx_v.at[pl.ds(voff + c * _CHUNK, _CHUNK)]],
            rows_v, sem,
        ).wait()
        pltpu.sync_copy(rows_v,
                        out_hbm.at[pl.ds(base + c * _CHUNK, _CHUNK)])


def kernel(z, W1, b1, W2, b2, gamma, beta, codebook, W_out, b_out):
    B, T = z.shape[0], z.shape[1]
    zt = jnp.swapaxes(z, 2, 3).reshape(_F * _C, _HW)

    idx3 = pl.pallas_call(
        _encode_body,
        grid=(_NB,),
        in_specs=[
            pl.BlockSpec((_FPB * _C, _HW), lambda i: (i, 0)),
            pl.BlockSpec((_D, _C), lambda i: (0, 0)),
            pl.BlockSpec((_D, 1), lambda i: (0, 0)),
            pl.BlockSpec((_D, _D), lambda i: (0, 0)),
            pl.BlockSpec((_D, 1), lambda i: (0, 0)),
            pl.BlockSpec((_D, 1), lambda i: (0, 0)),
            pl.BlockSpec((_D, 1), lambda i: (0, 0)),
            pl.BlockSpec((_K, _D), lambda i: (0, 0)),
        ],
        out_specs=pl.BlockSpec((1, 1, _BM), lambda i: (i, 0, 0)),
        out_shape=jax.ShapeDtypeStruct((_NB, 1, _BM), jnp.int32),
    )(
        zt, W1.T, b1.reshape(_D, 1), W2.T, b2.reshape(_D, 1),
        gamma.reshape(_D, 1), beta.reshape(_D, 1), codebook,
    )

    mesh = plsc.VectorSubcoreMesh(
        core_axis_name="c", subcore_axis_name="s",
        num_cores=_NC, num_subcores=_NS,
    )
    gather = functools.partial(
        pl.kernel,
        out_type=jax.ShapeDtypeStruct((_N, _D), jnp.float32),
        mesh=mesh,
        scratch_types=[
            pltpu.VMEM((_BM,), jnp.int32),
            pltpu.VMEM((_CHUNK, _D), jnp.float32),
            pltpu.SemaphoreType.DMA,
        ],
    )(_gather_body)
    zq_flat = gather(codebook, idx3)

    out_t = pl.pallas_call(
        _decode_body,
        grid=(_NB,),
        in_specs=[
            pl.BlockSpec((_BM, _D), lambda i: (i, 0)),
            pl.BlockSpec((_D, _C), lambda i: (0, 0)),
            pl.BlockSpec((_C, 1), lambda i: (0, 0)),
        ],
        out_specs=pl.BlockSpec((_FPB, _C, _HW), lambda i: (i, 0, 0)),
        out_shape=jax.ShapeDtypeStruct((_F, _C, _HW), jnp.float32),
    )(zq_flat, W_out, b_out.reshape(_C, 1))

    return jnp.swapaxes(out_t.reshape(B, T, _C, _HW), 2, 3)

# --- scband reference (transcript-rebuilt; emitter-appended) ---
"""Pipeline reference for scband-stvqvae-78898549227596 (READ-ONLY COPY).

The authoritative reference and input builder live on the scoring server;
editing this copy changes nothing except your own understanding.
"""

import jax, jax.numpy as jnp
import numpy as np


def group_norm(h, gamma, beta, num_groups=8, eps=1e-5):
    lead = h.shape[:-1]
    C = h.shape[-1]
    hg = h.reshape(lead + (num_groups, C // num_groups))
    mean = hg.mean(axis=-1, keepdims=True)
    var = hg.var(axis=-1, keepdims=True)
    hg = (hg - mean) / jnp.sqrt(var + eps)
    h = hg.reshape(lead + (C,))
    return h * gamma + beta


def setup_inputs(seed: int = 0) -> dict:
    key = jax.random.key(seed)
    ks = jax.random.split(key, 10)
    B, T, HW, C = 8, 16, 196, 192
    D = 256
    K = 1024
    return {
        "z": jax.random.normal(ks[0], (B, T, HW, C), jnp.float32),
        "W1": jax.random.normal(ks[1], (C, D), jnp.float32) * 0.05,
        "b1": jnp.zeros((D,), jnp.float32),
        "W2": jax.random.normal(ks[2], (D, D), jnp.float32) * 0.05,
        "b2": jnp.zeros((D,), jnp.float32),
        "gamma": jnp.ones((D,), jnp.float32),
        "beta": jnp.zeros((D,), jnp.float32),
        "codebook": jax.random.normal(ks[3], (K, D), jnp.float32) * 0.05,
        "W_out": jax.random.normal(ks[4], (D, C), jnp.float32) * 0.05,
        "b_out": jnp.zeros((C,), jnp.float32),
    }


def reference(z, W1, b1, W2, b2, gamma, beta, codebook, W_out, b_out):
    # space-time VQ-VAE tokenizer: per-token MLP encoder (num_linear_layers=2,
    # d_linear=256), group norm (num_groups=8), nearest-codebook quantization
    # with straight-through estimator, linear decode back to num_channels.
    h = jax.nn.relu(z @ W1 + b1)
    h = jax.nn.relu(h @ W2 + b2)
    h = group_norm(h, gamma, beta, num_groups=8)
    D = h.shape[-1]
    flat = h.reshape(-1, D)
    # squared L2 distances to codebook entries
    d2 = (
        jnp.sum(flat * flat, axis=-1, keepdims=True)
        - 2.0 * flat @ codebook.T
        + jnp.sum(codebook * codebook, axis=-1)
    )
    idx = jnp.argmin(d2, axis=-1)
    zq = jnp.take(codebook, idx, axis=0).reshape(h.shape)
    # straight-through estimator
    zq_st = h + jax.lax.stop_gradient(zq - h)
    out = zq_st @ W_out + b_out
    return out

if __name__ == "__main__":
    import jax
    _d = setup_inputs()
    print(jax.jit(kernel)(*tuple(_d.values())))

</pallas_src>

<mosaic_0001>
#map = affine_map<(d0, d1) -> (0, 0)>
#map1 = affine_map<(d0, d1) -> (0, 0, 0)>
module attributes {stable_mosaic.version = 14 : i64} {
  func.func @_gather_body(%arg0: i32, %arg1: i32, %arg2: memref<1024x256xf32, #tpu.memory_space<hbm>>, %arg3: memref<16x1x1568xi32, #tpu.memory_space<hbm>>, %arg4: memref<25088x256xf32, #tpu.memory_space<hbm>>, %arg5: memref<1568xi32, #tpu.memory_space<vmem>>, %arg6: memref<392x256xf32, #tpu.memory_space<vmem>>, %arg7: memref<!tpu.dma_semaphore, #tpu.memory_space<semaphore_mem>>) attributes {dimension_semantics = [#tpu.dimension_semantics<core_parallel>, #tpu.dimension_semantics<subcore_parallel>], iteration_bounds = array<i64: 2, 16>, scalar_prefetch = 0 : i64, scratch_operands = 3 : i64, tpu.core_type = #tpu.core_type<sc_vector_subcore>, window_params = [{transform_indices = #map}, {transform_indices = #map1}, {transform_indices = #map}]} {
    %mul3A = arith.constant 2 : i32
    %mul3A_0 = arith.muli %arg1, %mul3A : i32
    %add3A = arith.addi %mul3A_0, %arg0 : i32
    %mul3A_1 = arith.constant 784 : i32
    %mul3A_2 = arith.muli %add3A, %mul3A_1 : i32
    %jit3A = arith.constant 2 : i32
    %div3A = arith.divsi %add3A, %jit3A : i32
    %sign3A = arith.constant 0 : i32
    %sign3A_3 = arith.cmpi sgt, %add3A, %sign3A : i32
    %sign3A_4 = arith.extui %sign3A_3 : i1 to i32
    %sign3A_5 = arith.constant 0 : i32
    %sign3A_6 = arith.cmpi slt, %add3A, %sign3A_5 : i32
    %sign3A_7 = arith.extui %sign3A_6 : i1 to i32
    %sign3A_8 = arith.subi %sign3A_4, %sign3A_7 : i32
    %sign3A_9 = arith.constant 0 : i32
    %sign3A_10 = arith.cmpi sgt, %jit3A, %sign3A_9 : i32
    %sign3A_11 = arith.extui %sign3A_10 : i1 to i32
    %sign3A_12 = arith.constant 0 : i32
    %sign3A_13 = arith.cmpi slt, %jit3A, %sign3A_12 : i32
    %sign3A_14 = arith.extui %sign3A_13 : i1 to i32
    %sign3A_15 = arith.subi %sign3A_11, %sign3A_14 : i32
    %ne3A = arith.cmpi ne, %sign3A_8, %sign3A_15 : i32
    %rem3A = arith.remsi %add3A, %jit3A : i32
    %ne3A_16 = arith.constant 0 : i32
    %ne3A_17 = arith.cmpi ne, %rem3A, %ne3A_16 : i32
    %and3A = arith.andi %ne3A, %ne3A_17 : i1
    %sub3A = arith.constant 1 : i32
    %sub3A_18 = arith.subi %div3A, %sub3A : i32
    %select_n3A = arith.select %and3A, %sub3A_18, %div3A : i32
    %run_scoped3A = arith.constant 0 : i32
    "tpu.region"() ({
      %run_scoped3A_57 = tpu.sem_alloc : memref<!tpu.dma_semaphore, #tpu.memory_space<semaphore_mem>>
      %dma_start3A_58 = arith.constant 0 : i32
      %dma_start3A_59 = tpu.memref_slice %arg3[%select_n3A, %run_scoped3A, %dma_start3A_58] : memref<16x1x1568xi32, #tpu.memory_space<hbm>> -> memref<1x1x1568xi32, #tpu.memory_space<hbm>>
      %dma_start3A_60 = tpu.memref_squeeze %dma_start3A_59 : memref<1x1x1568xi32, #tpu.memory_space<hbm>> -> memref<1568xi32, #tpu.memory_space<hbm>>
      %dma_start3A_61 = arith.constant 0 : i32
      %dma_start3A_62 = tpu.memref_slice %arg3[%select_n3A, %run_scoped3A, %dma_start3A_61] : memref<16x1x1568xi32, #tpu.memory_space<hbm>> -> memref<1x1x1568xi32, #tpu.memory_space<hbm>>
      %dma_start3A_63 = tpu.memref_squeeze %dma_start3A_62 : memref<1x1x1568xi32, #tpu.memory_space<hbm>> -> memref<1568xi32, #tpu.memory_space<hbm>>
      tpu.enqueue_dma source(%dma_start3A_63 : memref<1568xi32, #tpu.memory_space<hbm>>) target(%arg5 : memref<1568xi32, #tpu.memory_space<vmem>>) target_semaphore(%run_scoped3A_57 : memref<!tpu.dma_semaphore, #tpu.memory_space<semaphore_mem>>)
      %dma_wait3A_64 = arith.constant 0 : i32
      %dma_wait3A_65 = tpu.memref_slice %arg3[%select_n3A, %run_scoped3A, %dma_wait3A_64] : memref<16x1x1568xi32, #tpu.memory_space<hbm>> -> memref<1x1x1568xi32, #tpu.memory_space<hbm>>
      %dma_wait3A_66 = tpu.memref_squeeze %dma_wait3A_65 : memref<1x1x1568xi32, #tpu.memory_space<hbm>> -> memref<1568xi32, #tpu.memory_space<hbm>>
      %dma_wait3A_67 = arith.constant 0 : i32
      %dma_wait3A_68 = tpu.memref_slice %arg3[%select_n3A, %run_scoped3A, %dma_wait3A_67] : memref<16x1x1568xi32, #tpu.memory_space<hbm>> -> memref<1x1x1568xi32, #tpu.memory_space<hbm>>
      %dma_wait3A_69 = tpu.memref_squeeze %dma_wait3A_68 : memref<1x1x1568xi32, #tpu.memory_space<hbm>> -> memref<1568xi32, #tpu.memory_space<hbm>>
      tpu.wait_dma2 semaphore(%run_scoped3A_57 : memref<!tpu.dma_semaphore, #tpu.memory_space<semaphore_mem>>) src(%dma_wait3A_69 : memref<1568xi32, #tpu.memory_space<hbm>>) dst(%arg5 : memref<1568xi32, #tpu.memory_space<vmem>>)
      tpu.yield
    }) : () -> ()
    %jit3A_19 = arith.constant 2 : i32
    %eq3A = arith.constant 0 : i32
    %eq3A_20 = arith.cmpi eq, %jit3A_19, %eq3A : i32
    %jit3A_21 = arith.constant 1 : i32
    %select_n3A_22 = arith.select %eq3A_20, %jit3A_21, %jit3A_19 : i32
    %rem3A_23 = arith.remsi %add3A, %select_n3A_22 : i32
    %ne3A_24 = arith.constant 0 : i32
    %ne3A_25 = arith.cmpi ne, %rem3A_23, %ne3A_24 : i32
    %lt3A = arith.constant 0 : i32
    %lt3A_26 = arith.cmpi slt, %rem3A_23, %lt3A : i32
    %lt3A_27 = arith.constant 0 : i32
    %lt3A_28 = arith.cmpi slt, %select_n3A_22, %lt3A_27 : i32
    %ne3A_29 = arith.xori %lt3A_26, %lt3A_28 : i1
    %and3A_30 = arith.andi %ne3A_29, %ne3A_25 : i1
    %add3A_31 = arith.addi %rem3A_23, %select_n3A_22 : i32
    %select_n3A_32 = arith.select %and3A_30, %add3A_31, %rem3A_23 : i32
    %mul3A_33 = arith.constant 784 : i32
    %mul3A_34 = arith.muli %select_n3A_32, %mul3A_33 : i32
    %add3A_35 = arith.constant 0 : i32
    %add3A_36 = arith.addi %mul3A_34, %add3A_35 : i32
    %dma_start3A = tpu.memref_slice %arg5[%add3A_36] : memref<1568xi32, #tpu.memory_space<vmem>> -> memref<392xi32, #tpu.memory_space<vmem>>
    %dma_start3A_37 = arith.constant 0 : i32
    %dma_start3A_38 = arith.constant 0 : i32
    %dma_start3A_39 = tpu.memref_slice %arg2[%dma_start3A_37, %dma_start3A_38] : memref<1024x256xf32, #tpu.memory_space<hbm>> -> memref<1024x256xf32, #tpu.memory_space<hbm>>
    tpu.enqueue_indirect_dma source(%dma_start3A_39 : memref<1024x256xf32, #tpu.memory_space<hbm>>) target(%arg6 : memref<392x256xf32, #tpu.memory_space<vmem>>) offsets(%dma_start3A : memref<392xi32, #tpu.memory_space<vmem>>) semaphore(%arg7 : memref<!tpu.dma_semaphore, #tpu.memory_space<semaphore_mem>>)
    %dma_wait3A = tpu.memref_slice %arg5[%add3A_36] : memref<1568xi32, #tpu.memory_space<vmem>> -> memref<392xi32, #tpu.memory_space<vmem>>
    %dma_wait3A_40 = arith.constant 0 : i32
    %dma_wait3A_41 = arith.constant 0 : i32
    %dma_wait3A_42 = tpu.memref_slice %arg2[%dma_wait3A_40, %dma_wait3A_41] : memref<1024x256xf32, #tpu.memory_space<hbm>> -> memref<1024x256xf32, #tpu.memory_space<hbm>>
    tpu.wait_indirect_dma semaphore(%arg7 : memref<!tpu.dma_semaphore, #tpu.memory_space<semaphore_mem>>) src(%dma_wait3A_42 : memref<1024x256xf32, #tpu.memory_space<hbm>>) dst(%arg6 : memref<392x256xf32, #tpu.memory_space<vmem>>)
    %add3A_43 = arith.constant 0 : i32
    %add3A_44 = arith.addi %mul3A_2, %add3A_43 : i32
    "tpu.region"() ({
      %run_scoped3A_57 = tpu.sem_alloc : memref<!tpu.dma_semaphore, #tpu.memory_space<semaphore_mem>>
      %dma_start3A_58 = arith.constant 0 : i32
      %dma_start3A_59 = tpu.memref_slice %arg4[%add3A_44, %dma_start3A_58] : memref<25088x256xf32, #tpu.memory_space<hbm>> -> memref<392x256xf32, #tpu.memory_space<hbm>>
      %dma_start3A_60 = arith.constant 0 : i32
      %dma_start3A_61 = tpu.memref_slice %arg4[%add3A_44, %dma_start3A_60] : memref<25088x256xf32, #tpu.memory_space<hbm>> -> memref<392x256xf32, #tpu.memory_space<hbm>>
      tpu.enqueue_dma source(%arg6 : memref<392x256xf32, #tpu.memory_space<vmem>>) target(%dma_start3A_61 : memref<392x256xf32, #tpu.memory_space<hbm>>) target_semaphore(%run_scoped3A_57 : memref<!tpu.dma_semaphore, #tpu.memory_space<semaphore_mem>>)
      %dma_wait3A_62 = arith.constant 0 : i32
      %dma_wait3A_63 = tpu.memref_slice %arg4[%add3A_44, %dma_wait3A_62] : memref<25088x256xf32, #tpu.memory_space<hbm>> -> memref<392x256xf32, #tpu.memory_space<hbm>>
      %dma_wait3A_64 = arith.constant 0 : i32
      %dma_wait3A_65 = tpu.memref_slice %arg4[%add3A_44, %dma_wait3A_64] : memref<25088x256xf32, #tpu.memory_space<hbm>> -> memref<392x256xf32, #tpu.memory_space<hbm>>
      tpu.wait_dma2 semaphore(%run_scoped3A_57 : memref<!tpu.dma_semaphore, #tpu.memory_space<semaphore_mem>>) src(%arg6 : memref<392x256xf32, #tpu.memory_space<vmem>>) dst(%dma_wait3A_65 : memref<392x256xf32, #tpu.memory_space<hbm>>)
      tpu.yield
    }) : () -> ()
    %add3A_45 = arith.constant 392 : i32
    %add3A_46 = arith.addi %mul3A_34, %add3A_45 : i32
    %dma_start3A_47 = tpu.memref_slice %arg5[%add3A_46] : memref<1568xi32, #tpu.memory_space<vmem>> -> memref<392xi32, #tpu.memory_space<vmem>>
    %dma_start3A_48 = arith.constant 0 : i32
    %dma_start3A_49 = arith.constant 0 : i32
    %dma_start3A_50 = tpu.memref_slice %arg2[%dma_start3A_48, %dma_start3A_49] : memref<1024x256xf32, #tpu.memory_space<hbm>> -> memref<1024x256xf32, #tpu.memory_space<hbm>>
    tpu.enqueue_indirect_dma source(%dma_start3A_50 : memref<1024x256xf32, #tpu.memory_space<hbm>>) target(%arg6 : memref<392x256xf32, #tpu.memory_space<vmem>>) offsets(%dma_start3A_47 : memref<392xi32, #tpu.memory_space<vmem>>) semaphore(%arg7 : memref<!tpu.dma_semaphore, #tpu.memory_space<semaphore_mem>>)
    %dma_wait3A_51 = tpu.memref_slice %arg5[%add3A_46] : memref<1568xi32, #tpu.memory_space<vmem>> -> memref<392xi32, #tpu.memory_space<vmem>>
    %dma_wait3A_52 = arith.constant 0 : i32
    %dma_wait3A_53 = arith.constant 0 : i32
    %dma_wait3A_54 = tpu.memref_slice %arg2[%dma_wait3A_52, %dma_wait3A_53] : memref<1024x256xf32, #tpu.memory_space<hbm>> -> memref<1024x256xf32, #tpu.memory_space<hbm>>
    tpu.wait_indirect_dma semaphore(%arg7 : memref<!tpu.dma_semaphore, #tpu.memory_space<semaphore_mem>>) src(%dma_wait3A_54 : memref<1024x256xf32, #tpu.memory_space<hbm>>) dst(%arg6 : memref<392x256xf32, #tpu.memory_space<vmem>>)
    %add3A_55 = arith.constant 392 : i32
    %add3A_56 = arith.addi %mul3A_2, %add3A_55 : i32
    "tpu.region"() ({
      %run_scoped3A_57 = tpu.sem_alloc : memref<!tpu.dma_semaphore, #tpu.memory_space<semaphore_mem>>
      %dma_start3A_58 = arith.constant 0 : i32
      %dma_start3A_59 = tpu.memref_slice %arg4[%add3A_56, %dma_start3A_58] : memref<25088x256xf32, #tpu.memory_space<hbm>> -> memref<392x256xf32, #tpu.memory_space<hbm>>
      %dma_start3A_60 = arith.constant 0 : i32
      %dma_start3A_61 = tpu.memref_slice %arg4[%add3A_56, %dma_start3A_60] : memref<25088x256xf32, #tpu.memory_space<hbm>> -> memref<392x256xf32, #tpu.memory_space<hbm>>
      tpu.enqueue_dma source(%arg6 : memref<392x256xf32, #tpu.memory_space<vmem>>) target(%dma_start3A_61 : memref<392x256xf32, #tpu.memory_space<hbm>>) target_semaphore(%run_scoped3A_57 : memref<!tpu.dma_semaphore, #tpu.memory_space<semaphore_mem>>)
      %dma_wait3A_62 = arith.constant 0 : i32
      %dma_wait3A_63 = tpu.memref_slice %arg4[%add3A_56, %dma_wait3A_62] : memref<25088x256xf32, #tpu.memory_space<hbm>> -> memref<392x256xf32, #tpu.memory_space<hbm>>
      %dma_wait3A_64 = arith.constant 0 : i32
      %dma_wait3A_65 = tpu.memref_slice %arg4[%add3A_56, %dma_wait3A_64] : memref<25088x256xf32, #tpu.memory_space<hbm>> -> memref<392x256xf32, #tpu.memory_space<hbm>>
      tpu.wait_dma2 semaphore(%run_scoped3A_57 : memref<!tpu.dma_semaphore, #tpu.memory_space<semaphore_mem>>) src(%arg6 : memref<392x256xf32, #tpu.memory_space<vmem>>) dst(%dma_wait3A_65 : memref<392x256xf32, #tpu.memory_space<hbm>>)
      tpu.yield
    }) : () -> ()
    return
  }
}

module attributes {stable_mosaic.version = 14 : i64} {
  func.func @_decode_body(%arg0: i32, %arg1: memref<1568x256xf32, #tpu.memory_space<vmem>>, %arg2: memref<256x192xf32, #tpu.memory_space<vmem>>, %arg3: memref<192x1xf32, #tpu.memory_space<vmem>>, %arg4: memref<8x192x196xf32, #tpu.memory_space<vmem>>) attributes {dimension_semantics = [#tpu.dimension_semantics<arbitrary>], iteration_bounds = array<i64: 16>, scalar_prefetch = 0 : i64, scratch_operands = 0 : i64, tpu.core_type = #tpu.core_type<tc>, window_params = [{transform_indices = @transform_0, window_bounds = array<i64: 1568, 256>}, {pipeline_mode = #tpu.pipeline_mode<synchronous>, transform_indices = @transform_1, window_bounds = array<i64: 256, 192>}, {pipeline_mode = #tpu.pipeline_mode<synchronous>, transform_indices = @transform_2, window_bounds = array<i64: 192, 1>}, {transform_indices = @transform_3, window_bounds = array<i64: 8, 192, 196>}]} {
    %get3A = arith.constant 0 : index
    %get3A_0 = arith.constant 0 : index
    %get3A_1 = vector.load %arg2[%get3A, %get3A_0] : memref<256x192xf32, #tpu.memory_space<vmem>>, vector<256x192xf32>
    %get3A_2 = arith.constant 0 : index
    %get3A_3 = arith.constant 0 : index
    %get3A_4 = vector.load %arg1[%get3A_2, %get3A_3] : memref<1568x256xf32, #tpu.memory_space<vmem>>, vector<1568x256xf32>
    %dot_general3A = arith.constant dense<0.000000e+00> : vector<192x1568xf32>
    %dot_general3A_5 = tpu.matmul %get3A_1, %get3A_4, %dot_general3A {dimension_numbers = #tpu.dot_dimension_numbers<[0], [1], [1], [0], [0, 1, 1, 0], [], []>, transpose_lhs_hint = false} : vector<256x192xf32>, vector<1568x256xf32>, vector<192x1568xf32> -> vector<192x1568xf32>
    %get3A_6 = arith.constant 0 : index
    %get3A_7 = arith.constant 0 : index
    %get3A_8 = vector.load %arg3[%get3A_6, %get3A_7] : memref<192x1xf32, #tpu.memory_space<vmem>>, vector<192x1xf32>
    %add3A = vector.broadcast %get3A_8 : vector<192x1xf32> to vector<192x1568xf32>
    %add3A_9 = arith.addf %dot_general3A_5, %add3A : vector<192x1568xf32>
    %slice3A = vector.extract_strided_slice %add3A_9 {offsets = [0, 0], sizes = [192, 196], strides = [1, 1]} : vector<192x1568xf32> to vector<192x196xf32>
    %swap3A = arith.constant 0 : index
    %swap3A_10 = arith.constant 0 : index
    %swap3A_11 = arith.constant 0 : index
    %swap3A_12 = vector.load %arg4[%swap3A, %swap3A_10, %swap3A_11] : memref<8x192x196xf32, #tpu.memory_space<vmem>>, vector<1x192x196xf32>
    %swap3A_13 = vector.shape_cast %swap3A_12 : vector<1x192x196xf32> to vector<192x196xf32>
    %swap3A_14 = vector.shape_cast %slice3A : vector<192x196xf32> to vector<1x192x196xf32>
    tpu.vector_store %arg4[%swap3A, %swap3A_10, %swap3A_11], %swap3A_14 {strides = array<i32>} : memref<8x192x196xf32, #tpu.memory_space<vmem>>, vector<1x192x196xf32>,
    %slice3A_15 = vector.extract_strided_slice %add3A_9 {offsets = [0, 196], sizes = [192, 196], strides = [1, 1]} : vector<192x1568xf32> to vector<192x196xf32>
    %swap3A_16 = arith.constant 1 : index
    %swap3A_17 = arith.constant 0 : index
    %swap3A_18 = arith.constant 0 : index
    %swap3A_19 = vector.load %arg4[%swap3A_16, %swap3A_17, %swap3A_18] : memref<8x192x196xf32, #tpu.memory_space<vmem>>, vector<1x192x196xf32>
    %swap3A_20 = vector.shape_cast %swap3A_19 : vector<1x192x196xf32> to vector<192x196xf32>
    %swap3A_21 = vector.shape_cast %slice3A_15 : vector<192x196xf32> to vector<1x192x196xf32>
    tpu.vector_store %arg4[%swap3A_16, %swap3A_17, %swap3A_18], %swap3A_21 {strides = array<i32>} : memref<8x192x196xf32, #tpu.memory_space<vmem>>, vector<1x192x196xf32>,
    %slice3A_22 = vector.extract_strided_slice %add3A_9 {offsets = [0, 392], sizes = [192, 196], strides = [1, 1]} : vector<192x1568xf32> to vector<192x196xf32>
    %swap3A_23 = arith.constant 2 : index
    %swap3A_24 = arith.constant 0 : index
    %swap3A_25 = arith.constant 0 : index
    %swap3A_26 = vector.load %arg4[%swap3A_23, %swap3A_24, %swap3A_25] : memref<8x192x196xf32, #tpu.memory_space<vmem>>, vector<1x192x196xf32>
    %swap3A_27 = vector.shape_cast %swap3A_26 : vector<1x192x196xf32> to vector<192x196xf32>
    %swap3A_28 = vector.shape_cast %slice3A_22 : vector<192x196xf32> to vector<1x192x196xf32>
    tpu.vector_store %arg4[%swap3A_23, %swap3A_24, %swap3A_25], %swap3A_28 {strides = array<i32>} : memref<8x192x196xf32, #tpu.memory_space<vmem>>, vector<1x192x196xf32>,
    %slice3A_29 = vector.extract_strided_slice %add3A_9 {offsets = [0, 588], sizes = [192, 196], strides = [1, 1]} : vector<192x1568xf32> to vector<192x196xf32>
    %swap3A_30 = arith.constant 3 : index
    %swap3A_31 = arith.constant 0 : index
    %swap3A_32 = arith.constant 0 : index
    %swap3A_33 = vector.load %arg4[%swap3A_30, %swap3A_31, %swap3A_32] : memref<8x192x196xf32, #tpu.memory_space<vmem>>, vector<1x192x196xf32>
    %swap3A_34 = vector.shape_cast %swap3A_33 : vector<1x192x196xf32> to vector<192x196xf32>
    %swap3A_35 = vector.shape_cast %slice3A_29 : vector<192x196xf32> to vector<1x192x196xf32>
    tpu.vector_store %arg4[%swap3A_30, %swap3A_31, %swap3A_32], %swap3A_35 {strides = array<i32>} : memref<8x192x196xf32, #tpu.memory_space<vmem>>, vector<1x192x196xf32>,
    %slice3A_36 = vector.extract_strided_slice %add3A_9 {offsets = [0, 784], sizes = [192, 196], strides = [1, 1]} : vector<192x1568xf32> to vector<192x196xf32>
    %swap3A_37 = arith.constant 4 : index
    %swap3A_38 = arith.constant 0 : index
    %swap3A_39 = arith.constant 0 : index
    %swap3A_40 = vector.load %arg4[%swap3A_37, %swap3A_38, %swap3A_39] : memref<8x192x196xf32, #tpu.memory_space<vmem>>, vector<1x192x196xf32>
    %swap3A_41 = vector.shape_cast %swap3A_40 : vector<1x192x196xf32> to vector<192x196xf32>
    %swap3A_42 = vector.shape_cast %slice3A_36 : vector<192x196xf32> to vector<1x192x196xf32>
    tpu.vector_store %arg4[%swap3A_37, %swap3A_38, %swap3A_39], %swap3A_42 {strides = array<i32>} : memref<8x192x196xf32, #tpu.memory_space<vmem>>, vector<1x192x196xf32>,
    %slice3A_43 = vector.extract_strided_slice %add3A_9 {offsets = [0, 980], sizes = [192, 196], strides = [1, 1]} : vector<192x1568xf32> to vector<192x196xf32>
    %swap3A_44 = arith.constant 5 : index
    %swap3A_45 = arith.constant 0 : index
    %swap3A_46 = arith.constant 0 : index
    %swap3A_47 = vector.load %arg4[%swap3A_44, %swap3A_45, %swap3A_46] : memref<8x192x196xf32, #tpu.memory_space<vmem>>, vector<1x192x196xf32>
    %swap3A_48 = vector.shape_cast %swap3A_47 : vector<1x192x196xf32> to vector<192x196xf32>
    %swap3A_49 = vector.shape_cast %slice3A_43 : vector<192x196xf32> to vector<1x192x196xf32>
    tpu.vector_store %arg4[%swap3A_44, %swap3A_45, %swap3A_46], %swap3A_49 {strides = array<i32>} : memref<8x192x196xf32, #tpu.memory_space<vmem>>, vector<1x192x196xf32>,
    %slice3A_50 = vector.extract_strided_slice %add3A_9 {offsets = [0, 1176], sizes = [192, 196], strides = [1, 1]} : vector<192x1568xf32> to vector<192x196xf32>
    %swap3A_51 = arith.constant 6 : index
    %swap3A_52 = arith.constant 0 : index
    %swap3A_53 = arith.constant 0 : index
    %swap3A_54 = vector.load %arg4[%swap3A_51, %swap3A_52, %swap3A_53] : memref<8x192x196xf32, #tpu.memory_space<vmem>>, vector<1x192x196xf32>
    %swap3A_55 = vector.shape_cast %swap3A_54 : vector<1x192x196xf32> to vector<192x196xf32>
    %swap3A_56 = vector.shape_cast %slice3A_50 : vector<192x196xf32> to vector<1x192x196xf32>
    tpu.vector_store %arg4[%swap3A_51, %swap3A_52, %swap3A_53], %swap3A_56 {strides = array<i32>} : memref<8x192x196xf32, #tpu.memory_space<vmem>>, vector<1x192x196xf32>,
    %slice3A_57 = vector.extract_strided_slice %add3A_9 {offsets = [0, 1372], sizes = [192, 196], strides = [1, 1]} : vector<192x1568xf32> to vector<192x196xf32>
    %swap3A_58 = arith.constant 7 : index
    %swap3A_59 = arith.constant 0 : index
    %swap3A_60 = arith.constant 0 : index
    %swap3A_61 = vector.load %arg4[%swap3A_58, %swap3A_59, %swap3A_60] : memref<8x192x196xf32, #tpu.memory_space<vmem>>, vector<1x192x196xf32>
    %swap3A_62 = vector.shape_cast %swap3A_61 : vector<1x192x196xf32> to vector<192x196xf32>
    %swap3A_63 = vector.shape_cast %slice3A_57 : vector<192x196xf32> to vector<1x192x196xf32>
    tpu.vector_store %arg4[%swap3A_58, %swap3A_59, %swap3A_60], %swap3A_63 {strides = array<i32>} : memref<8x192x196xf32, #tpu.memory_space<vmem>>, vector<1x192x196xf32>,
    return
  }
  func.func @transform_0(%arg0: i32) -> (i32, i32) {
    %c0_i32 = arith.constant 0 : i32
    %c0_i32_0 = arith.constant 0 : i32
    return %arg0, %c0_i32 : i32, i32
  }
  func.func @transform_1(%arg0: i32) -> (i32, i32) {
    %c0_i32 = arith.constant 0 : i32
    %c0_i32_0 = arith.constant 0 : i32
    %c0_i32_1 = arith.constant 0 : i32
    return %c0_i32, %c0_i32_0 : i32, i32
  }
  func.func @transform_2(%arg0: i32) -> (i32, i32) {
    %c0_i32 = arith.constant 0 : i32
    %c0_i32_0 = arith.constant 0 : i32
    %c0_i32_1 = arith.constant 0 : i32
    return %c0_i32, %c0_i32_0 : i32, i32
  }
  func.func @transform_3(%arg0: i32) -> (i32, i32, i32) {
    %c0_i32 = arith.constant 0 : i32
    %c0_i32_0 = arith.constant 0 : i32
    %c0_i32_1 = arith.constant 0 : i32
    return %arg0, %c0_i32, %c0_i32_0 : i32, i32, i32
  }
}

module attributes {stable_mosaic.version = 14 : i64} {
  func.func @_encode_body(%arg0: i32, %arg1: memref<1536x196xf32, #tpu.memory_space<vmem>>, %arg2: memref<256x192xf32, #tpu.memory_space<vmem>>, %arg3: memref<256x1xf32, #tpu.memory_space<vmem>>, %arg4: memref<256x256xf32, #tpu.memory_space<vmem>>, %arg5: memref<256x1xf32, #tpu.memory_space<vmem>>, %arg6: memref<256x1xf32, #tpu.memory_space<vmem>>, %arg7: memref<256x1xf32, #tpu.memory_space<vmem>>, %arg8: memref<1024x256xf32, #tpu.memory_space<vmem>>, %arg9: memref<1x1x1568xi32, #tpu.memory_space<vmem>>) attributes {dimension_semantics = [#tpu.dimension_semantics<arbitrary>], iteration_bounds = array<i64: 16>, scalar_prefetch = 0 : i64, scratch_operands = 0 : i64, tpu.core_type = #tpu.core_type<tc>, window_params = [{transform_indices = @transform_0, window_bounds = array<i64: 1536, 196>}, {pipeline_mode = #tpu.pipeline_mode<synchronous>, transform_indices = @transform_1, window_bounds = array<i64: 256, 192>}, {pipeline_mode = #tpu.pipeline_mode<synchronous>, transform_indices = @transform_2, window_bounds = array<i64: 256, 1>}, {pipeline_mode = #tpu.pipeline_mode<synchronous>, transform_indices = @transform_3, window_bounds = array<i64: 256, 256>}, {pipeline_mode = #tpu.pipeline_mode<synchronous>, transform_indices = @transform_4, window_bounds = array<i64: 256, 1>}, {pipeline_mode = #tpu.pipeline_mode<synchronous>, transform_indices = @transform_5, window_bounds = array<i64: 256, 1>}, {pipeline_mode = #tpu.pipeline_mode<synchronous>, transform_indices = @transform_6, window_bounds = array<i64: 256, 1>}, {pipeline_mode = #tpu.pipeline_mode<synchronous>, transform_indices = @transform_7, window_bounds = array<i64: 1024, 256>}, {transform_indices = @transform_8, window_bounds = array<i64: 1, 1, 1568>}]} {
    %get3A = arith.constant 0 : index
    %get3A_0 = arith.constant 0 : index
    %get3A_1 = vector.load %arg8[%get3A, %get3A_0] : memref<1024x256xf32, #tpu.memory_space<vmem>>, vector<1024x256xf32>
    %mul3A = arith.mulf %get3A_1, %get3A_1 : vector<1024x256xf32>
    %reduce_sum3A = arith.constant dense<0.000000e+00> : vector<1024xf32>
    %reduce_sum3A_2 = vector.multi_reduction <add>, %mul3A, %reduce_sum3A [1] : vector<1024x256xf32> to vector<1024xf32>
    %broadcast_in_dim3A = vector.shape_cast %reduce_sum3A_2 : vector<1024xf32> to vector<1024x1xf32>
    %get3A_3 = arith.constant 0 : index
    %get3A_4 = arith.constant 0 : index
    %get3A_5 = vector.load %arg1[%get3A_3, %get3A_4] : memref<1536x196xf32, #tpu.memory_space<vmem>>, vector<192x196xf32>
    %get3A_6 = arith.constant 0 : index
    %get3A_7 = arith.constant 0 : index
    %get3A_8 = vector.load %arg2[%get3A_6, %get3A_7] : memref<256x192xf32, #tpu.memory_space<vmem>>, vector<256x192xf32>
    %dot_general3A = arith.constant dense<0.000000e+00> : vector<256x196xf32>
    %dot_general3A_9 = tpu.matmul %get3A_8, %get3A_5, %dot_general3A {dimension_numbers = #tpu.dot_dimension_numbers<[1], [0], [0], [1], [0, 0, 1, 1], [], []>, transpose_lhs_hint = false} : vector<256x192xf32>, vector<192x196xf32>, vector<256x196xf32> -> vector<256x196xf32>
    %get3A_10 = arith.constant 0 : index
    %get3A_11 = arith.constant 0 : index
    %get3A_12 = vector.load %arg3[%get3A_10, %get3A_11] : memref<256x1xf32, #tpu.memory_space<vmem>>, vector<256x1xf32>
    %add3A = vector.broadcast %get3A_12 : vector<256x1xf32> to vector<256x196xf32>
    %add3A_13 = arith.addf %dot_general3A_9, %add3A : vector<256x196xf32>
    %max3A = arith.constant 0.000000e+00 : f32
    %max3A_14 = vector.broadcast %max3A : f32 to vector<256x196xf32>
    %max3A_15 = arith.maximumf %add3A_13, %max3A_14 : vector<256x196xf32>
    %get3A_16 = arith.constant 0 : index
    %get3A_17 = arith.constant 0 : index
    %get3A_18 = vector.load %arg4[%get3A_16, %get3A_17] : memref<256x256xf32, #tpu.memory_space<vmem>>, vector<256x256xf32>
    %dot_general3A_19 = arith.constant dense<0.000000e+00> : vector<256x196xf32>
    %dot_general3A_20 = tpu.matmul %get3A_18, %max3A_15, %dot_general3A_19 {dimension_numbers = #tpu.dot_dimension_numbers<[1], [0], [0], [1], [0, 0, 1, 1], [], []>, transpose_lhs_hint = false} : vector<256x256xf32>, vector<256x196xf32>, vector<256x196xf32> -> vector<256x196xf32>
    %get3A_21 = arith.constant 0 : index
    %get3A_22 = arith.constant 0 : index
    %get3A_23 = vector.load %arg5[%get3A_21, %get3A_22] : memref<256x1xf32, #tpu.memory_space<vmem>>, vector<256x1xf32>
    %add3A_24 = vector.broadcast %get3A_23 : vector<256x1xf32> to vector<256x196xf32>
    %add3A_25 = arith.addf %dot_general3A_20, %add3A_24 : vector<256x196xf32>
    %max3A_26 = arith.constant 0.000000e+00 : f32
    %max3A_27 = vector.broadcast %max3A_26 : f32 to vector<256x196xf32>
    %max3A_28 = arith.maximumf %add3A_25, %max3A_27 : vector<256x196xf32>
    %slice3A = vector.extract_strided_slice %max3A_28 {offsets = [0, 0], sizes = [32, 196], strides = [1, 1]} : vector<256x196xf32> to vector<32x196xf32>
    %reduce_sum3A_29 = arith.constant dense<0.000000e+00> : vector<196xf32>
    %reduce_sum3A_30 = vector.multi_reduction <add>, %slice3A, %reduce_sum3A_29 [0] : vector<32x196xf32> to vector<196xf32>
    %broadcast_in_dim3A_31 = vector.shape_cast %reduce_sum3A_30 : vector<196xf32> to vector<1x196xf32>
    %div3A = arith.constant 3.200000e+01 : f32
    %div3A_32 = vector.broadcast %div3A : f32 to vector<1x196xf32>
    %div3A_33 = arith.divf %broadcast_in_dim3A_31, %div3A_32 : vector<1x196xf32>
    %sub3A = vector.broadcast %div3A_33 : vector<1x196xf32> to vector<32x196xf32>
    %sub3A_34 = arith.subf %slice3A, %sub3A : vector<32x196xf32>
    %mul3A_35 = arith.mulf %sub3A_34, %sub3A_34 : vector<32x196xf32>
    %reduce_sum3A_36 = arith.constant dense<0.000000e+00> : vector<196xf32>
    %reduce_sum3A_37 = vector.multi_reduction <add>, %mul3A_35, %reduce_sum3A_36 [0] : vector<32x196xf32> to vector<196xf32>
    %broadcast_in_dim3A_38 = vector.shape_cast %reduce_sum3A_37 : vector<196xf32> to vector<1x196xf32>
    %div3A_39 = arith.constant 3.200000e+01 : f32
    %div3A_40 = vector.broadcast %div3A_39 : f32 to vector<1x196xf32>
    %div3A_41 = arith.divf %broadcast_in_dim3A_38, %div3A_40 : vector<1x196xf32>
    %add3A_42 = arith.constant 9.99999974E-6 : f32
    %add3A_43 = vector.broadcast %add3A_42 : f32 to vector<1x196xf32>
    %add3A_44 = arith.addf %div3A_41, %add3A_43 : vector<1x196xf32>
    %rsqrt3A = math.rsqrt %add3A_44 : vector<1x196xf32>
    %mul3A_45 = vector.broadcast %rsqrt3A : vector<1x196xf32> to vector<32x196xf32>
    %mul3A_46 = arith.mulf %sub3A_34, %mul3A_45 : vector<32x196xf32>
    %slice3A_47 = vector.extract_strided_slice %max3A_28 {offsets = [32, 0], sizes = [32, 196], strides = [1, 1]} : vector<256x196xf32> to vector<32x196xf32>
    %reduce_sum3A_48 = arith.constant dense<0.000000e+00> : vector<196xf32>
    %reduce_sum3A_49 = vector.multi_reduction <add>, %slice3A_47, %reduce_sum3A_48 [0] : vector<32x196xf32> to vector<196xf32>
    %broadcast_in_dim3A_50 = vector.shape_cast %reduce_sum3A_49 : vector<196xf32> to vector<1x196xf32>
    %div3A_51 = arith.constant 3.200000e+01 : f32
    %div3A_52 = vector.broadcast %div3A_51 : f32 to vector<1x196xf32>
    %div3A_53 = arith.divf %broadcast_in_dim3A_50, %div3A_52 : vector<1x196xf32>
    %sub3A_54 = vector.broadcast %div3A_53 : vector<1x196xf32> to vector<32x196xf32>
    %sub3A_55 = arith.subf %slice3A_47, %sub3A_54 : vector<32x196xf32>
    %mul3A_56 = arith.mulf %sub3A_55, %sub3A_55 : vector<32x196xf32>
    %reduce_sum3A_57 = arith.constant dense<0.000000e+00> : vector<196xf32>
    %reduce_sum3A_58 = vector.multi_reduction <add>, %mul3A_56, %reduce_sum3A_57 [0] : vector<32x196xf32> to vector<196xf32>
    %broadcast_in_dim3A_59 = vector.shape_cast %reduce_sum3A_58 : vector<196xf32> to vector<1x196xf32>
    %div3A_60 = arith.constant 3.200000e+01 : f32
    %div3A_61 = vector.broadcast %div3A_60 : f32 to vector<1x196xf32>
    %div3A_62 = arith.divf %broadcast_in_dim3A_59, %div3A_61 : vector<1x196xf32>
    %add3A_63 = arith.constant 9.99999974E-6 : f32
    %add3A_64 = vector.broadcast %add3A_63 : f32 to vector<1x196xf32>
    %add3A_65 = arith.addf %div3A_62, %add3A_64 : vector<1x196xf32>
    %rsqrt3A_66 = math.rsqrt %add3A_65 : vector<1x196xf32>
    %mul3A_67 = vector.broadcast %rsqrt3A_66 : vector<1x196xf32> to vector<32x196xf32>
    %mul3A_68 = arith.mulf %sub3A_55, %mul3A_67 : vector<32x196xf32>
    %slice3A_69 = vector.extract_strided_slice %max3A_28 {offsets = [64, 0], sizes = [32, 196], strides = [1, 1]} : vector<256x196xf32> to vector<32x196xf32>
    %reduce_sum3A_70 = arith.constant dense<0.000000e+00> : vector<196xf32>
    %reduce_sum3A_71 = vector.multi_reduction <add>, %slice3A_69, %reduce_sum3A_70 [0] : vector<32x196xf32> to vector<196xf32>
    %broadcast_in_dim3A_72 = vector.shape_cast %reduce_sum3A_71 : vector<196xf32> to vector<1x196xf32>
    %div3A_73 = arith.constant 3.200000e+01 : f32
    %div3A_74 = vector.broadcast %div3A_73 : f32 to vector<1x196xf32>
    %div3A_75 = arith.divf %broadcast_in_dim3A_72, %div3A_74 : vector<1x196xf32>
    %sub3A_76 = vector.broadcast %div3A_75 : vector<1x196xf32> to vector<32x196xf32>
    %sub3A_77 = arith.subf %slice3A_69, %sub3A_76 : vector<32x196xf32>
    %mul3A_78 = arith.mulf %sub3A_77, %sub3A_77 : vector<32x196xf32>
    %reduce_sum3A_79 = arith.constant dense<0.000000e+00> : vector<196xf32>
    %reduce_sum3A_80 = vector.multi_reduction <add>, %mul3A_78, %reduce_sum3A_79 [0] : vector<32x196xf32> to vector<196xf32>
    %broadcast_in_dim3A_81 = vector.shape_cast %reduce_sum3A_80 : vector<196xf32> to vector<1x196xf32>
    %div3A_82 = arith.constant 3.200000e+01 : f32
    %div3A_83 = vector.broadcast %div3A_82 : f32 to vector<1x196xf32>
    %div3A_84 = arith.divf %broadcast_in_dim3A_81, %div3A_83 : vector<1x196xf32>
    %add3A_85 = arith.constant 9.99999974E-6 : f32
    %add3A_86 = vector.broadcast %add3A_85 : f32 to vector<1x196xf32>
    %add3A_87 = arith.addf %div3A_84, %add3A_86 : vector<1x196xf32>
    %rsqrt3A_88 = math.rsqrt %add3A_87 : vector<1x196xf32>
    %mul3A_89 = vector.broadcast %rsqrt3A_88 : vector<1x196xf32> to vector<32x196xf32>
    %mul3A_90 = arith.mulf %sub3A_77, %mul3A_89 : vector<32x196xf32>
    %slice3A_91 = vector.extract_strided_slice %max3A_28 {offsets = [96, 0], sizes = [32, 196], strides = [1, 1]} : vector<256x196xf32> to vector<32x196xf32>
    %reduce_sum3A_92 = arith.constant dense<0.000000e+00> : vector<196xf32>
    %reduce_sum3A_93 = vector.multi_reduction <add>, %slice3A_91, %reduce_sum3A_92 [0] : vector<32x196xf32> to vector<196xf32>
    %broadcast_in_dim3A_94 = vector.shape_cast %reduce_sum3A_93 : vector<196xf32> to vector<1x196xf32>
    %div3A_95 = arith.constant 3.200000e+01 : f32
    %div3A_96 = vector.broadcast %div3A_95 : f32 to vector<1x196xf32>
    %div3A_97 = arith.divf %broadcast_in_dim3A_94, %div3A_96 : vector<1x196xf32>
    %sub3A_98 = vector.broadcast %div3A_97 : vector<1x196xf32> to vector<32x196xf32>
    %sub3A_99 = arith.subf %slice3A_91, %sub3A_98 : vector<32x196xf32>
    %mul3A_100 = arith.mulf %sub3A_99, %sub3A_99 : vector<32x196xf32>
    %reduce_sum3A_101 = arith.constant dense<0.000000e+00> : vector<196xf32>
    %reduce_sum3A_102 = vector.multi_reduction <add>, %mul3A_100, %reduce_sum3A_101 [0] : vector<32x196xf32> to vector<196xf32>
    %broadcast_in_dim3A_103 = vector.shape_cast %reduce_sum3A_102 : vector<196xf32> to vector<1x196xf32>
    %div3A_104 = arith.constant 3.200000e+01 : f32
    %div3A_105 = vector.broadcast %div3A_104 : f32 to vector<1x196xf32>
    %div3A_106 = arith.divf %broadcast_in_dim3A_103, %div3A_105 : vector<1x196xf32>
    %add3A_107 = arith.constant 9.99999974E-6 : f32
    %add3A_108 = vector.broadcast %add3A_107 : f32 to vector<1x196xf32>
    %add3A_109 = arith.addf %div3A_106, %add3A_108 : vector<1x196xf32>
    %rsqrt3A_110 = math.rsqrt %add3A_109 : vector<1x196xf32>
    %mul3A_111 = vector.broadcast %rsqrt3A_110 : vector<1x196xf32> to vector<32x196xf32>
    %mul3A_112 = arith.mulf %sub3A_99, %mul3A_111 : vector<32x196xf32>
    %slice3A_113 = vector.extract_strided_slice %max3A_28 {offsets = [128, 0], sizes = [32, 196], strides = [1, 1]} : vector<256x196xf32> to vector<32x196xf32>
    %reduce_sum3A_114 = arith.constant dense<0.000000e+00> : vector<196xf32>
    %reduce_sum3A_115 = vector.multi_reduction <add>, %slice3A_113, %reduce_sum3A_114 [0] : vector<32x196xf32> to vector<196xf32>
    %broadcast_in_dim3A_116 = vector.shape_cast %reduce_sum3A_115 : vector<196xf32> to vector<1x196xf32>
    %div3A_117 = arith.constant 3.200000e+01 : f32
    %div3A_118 = vector.broadcast %div3A_117 : f32 to vector<1x196xf32>
    %div3A_119 = arith.divf %broadcast_in_dim3A_116, %div3A_118 : vector<1x196xf32>
    %sub3A_120 = vector.broadcast %div3A_119 : vector<1x196xf32> to vector<32x196xf32>
    %sub3A_121 = arith.subf %slice3A_113, %sub3A_120 : vector<32x196xf32>
    %mul3A_122 = arith.mulf %sub3A_121, %sub3A_121 : vector<32x196xf32>
    %reduce_sum3A_123 = arith.constant dense<0.000000e+00> : vector<196xf32>
    %reduce_sum3A_124 = vector.multi_reduction <add>, %mul3A_122, %reduce_sum3A_123 [0] : vector<32x196xf32> to vector<196xf32>
    %broadcast_in_dim3A_125 = vector.shape_cast %reduce_sum3A_124 : vector<196xf32> to vector<1x196xf32>
    %div3A_126 = arith.constant 3.200000e+01 : f32
    %div3A_127 = vector.broadcast %div3A_126 : f32 to vector<1x196xf32>
    %div3A_128 = arith.divf %broadcast_in_dim3A_125, %div3A_127 : vector<1x196xf32>
    %add3A_129 = arith.constant 9.99999974E-6 : f32
    %add3A_130 = vector.broadcast %add3A_129 : f32 to vector<1x196xf32>
    %add3A_131 = arith.addf %div3A_128, %add3A_130 : vector<1x196xf32>
    %rsqrt3A_132 = math.rsqrt %add3A_131 : vector<1x196xf32>
    %mul3A_133 = vector.broadcast %rsqrt3A_132 : vector<1x196xf32> to vector<32x196xf32>
    %mul3A_134 = arith.mulf %sub3A_121, %mul3A_133 : vector<32x196xf32>
    %slice3A_135 = vector.extract_strided_slice %max3A_28 {offsets = [160, 0], sizes = [32, 196], strides = [1, 1]} : vector<256x196xf32> to vector<32x196xf32>
    %reduce_sum3A_136 = arith.constant dense<0.000000e+00> : vector<196xf32>
    %reduce_sum3A_137 = vector.multi_reduction <add>, %slice3A_135, %reduce_sum3A_136 [0] : vector<32x196xf32> to vector<196xf32>
    %broadcast_in_dim3A_138 = vector.shape_cast %reduce_sum3A_137 : vector<196xf32> to vector<1x196xf32>
    %div3A_139 = arith.constant 3.200000e+01 : f32
    %div3A_140 = vector.broadcast %div3A_139 : f32 to vector<1x196xf32>
    %div3A_141 = arith.divf %broadcast_in_dim3A_138, %div3A_140 : vector<1x196xf32>
    %sub3A_142 = vector.broadcast %div3A_141 : vector<1x196xf32> to vector<32x196xf32>
    %sub3A_143 = arith.subf %slice3A_135, %sub3A_142 : vector<32x196xf32>
    %mul3A_144 = arith.mulf %sub3A_143, %sub3A_143 : vector<32x196xf32>
    %reduce_sum3A_145 = arith.constant dense<0.000000e+00> : vector<196xf32>
    %reduce_sum3A_146 = vector.multi_reduction <add>, %mul3A_144, %reduce_sum3A_145 [0] : vector<32x196xf32> to vector<196xf32>
    %broadcast_in_dim3A_147 = vector.shape_cast %reduce_sum3A_146 : vector<196xf32> to vector<1x196xf32>
    %div3A_148 = arith.constant 3.200000e+01 : f32
    %div3A_149 = vector.broadcast %div3A_148 : f32 to vector<1x196xf32>
    %div3A_150 = arith.divf %broadcast_in_dim3A_147, %div3A_149 : vector<1x196xf32>
    %add3A_151 = arith.constant 9.99999974E-6 : f32
    %add3A_152 = vector.broadcast %add3A_151 : f32 to vector<1x196xf32>
    %add3A_153 = arith.addf %div3A_150, %add3A_152 : vector<1x196xf32>
    %rsqrt3A_154 = math.rsqrt %add3A_153 : vector<1x196xf32>
    %mul3A_155 = vector.broadcast %rsqrt3A_154 : vector<1x196xf32> to vector<32x196xf32>
    %mul3A_156 = arith.mulf %sub3A_143, %mul3A_155 : vector<32x196xf32>
    %slice3A_157 = vector.extract_strided_slice %max3A_28 {offsets = [192, 0], sizes = [32, 196], strides = [1, 1]} : vector<256x196xf32> to vector<32x196xf32>
    %reduce_sum3A_158 = arith.constant dense<0.000000e+00> : vector<196xf32>
    %reduce_sum3A_159 = vector.multi_reduction <add>, %slice3A_157, %reduce_sum3A_158 [0] : vector<32x196xf32> to vector<196xf32>
    %broadcast_in_dim3A_160 = vector.shape_cast %reduce_sum3A_159 : vector<196xf32> to vector<1x196xf32>
    %div3A_161 = arith.constant 3.200000e+01 : f32
    %div3A_162 = vector.broadcast %div3A_161 : f32 to vector<1x196xf32>
    %div3A_163 = arith.divf %broadcast_in_dim3A_160, %div3A_162 : vector<1x196xf32>
    %sub3A_164 = vector.broadcast %div3A_163 : vector<1x196xf32> to vector<32x196xf32>
    %sub3A_165 = arith.subf %slice3A_157, %sub3A_164 : vector<32x196xf32>
    %mul3A_166 = arith.mulf %sub3A_165, %sub3A_165 : vector<32x196xf32>
    %reduce_sum3A_167 = arith.constant dense<0.000000e+00> : vector<196xf32>
    %reduce_sum3A_168 = vector.multi_reduction <add>, %mul3A_166, %reduce_sum3A_167 [0] : vector<32x196xf32> to vector<196xf32>
    %broadcast_in_dim3A_169 = vector.shape_cast %reduce_sum3A_168 : vector<196xf32> to vector<1x196xf32>
    %div3A_170 = arith.constant 3.200000e+01 : f32
    %div3A_171 = vector.broadcast %div3A_170 : f32 to vector<1x196xf32>
    %div3A_172 = arith.divf %broadcast_in_dim3A_169, %div3A_171 : vector<1x196xf32>
    %add3A_173 = arith.constant 9.99999974E-6 : f32
    %add3A_174 = vector.broadcast %add3A_173 : f32 to vector<1x196xf32>
    %add3A_175 = arith.addf %div3A_172, %add3A_174 : vector<1x196xf32>
    %rsqrt3A_176 = math.rsqrt %add3A_175 : vector<1x196xf32>
    %mul3A_177 = vector.broadcast %rsqrt3A_176 : vector<1x196xf32> to vector<32x196xf32>
    %mul3A_178 = arith.mulf %sub3A_165, %mul3A_177 : vector<32x196xf32>
    %slice3A_179 = vector.extract_strided_slice %max3A_28 {offsets = [224, 0], sizes = [32, 196], strides = [1, 1]} : vector<256x196xf32> to vector<32x196xf32>
    %reduce_sum3A_180 = arith.constant dense<0.000000e+00> : vector<196xf32>
    %reduce_sum3A_181 = vector.multi_reduction <add>, %slice3A_179, %reduce_sum3A_180 [0] : vector<32x196xf32> to vector<196xf32>
    %broadcast_in_dim3A_182 = vector.shape_cast %reduce_sum3A_181 : vector<196xf32> to vector<1x196xf32>
    %div3A_183 = arith.constant 3.200000e+01 : f32
    %div3A_184 = vector.broadcast %div3A_183 : f32 to vector<1x196xf32>
    %div3A_185 = arith.divf %broadcast_in_dim3A_182, %div3A_184 : vector<1x196xf32>
    %sub3A_186 = vector.broadcast %div3A_185 : vector<1x196xf32> to vector<32x196xf32>
    %sub3A_187 = arith.subf %slice3A_179, %sub3A_186 : vector<32x196xf32>
    %mul3A_188 = arith.mulf %sub3A_187, %sub3A_187 : vector<32x196xf32>
    %reduce_sum3A_189 = arith.constant dense<0.000000e+00> : vector<196xf32>
    %reduce_sum3A_190 = vector.multi_reduction <add>, %mul3A_188, %reduce_sum3A_189 [0] : vector<32x196xf32> to vector<196xf32>
    %broadcast_in_dim3A_191 = vector.shape_cast %reduce_sum3A_190 : vector<196xf32> to vector<1x196xf32>
    %div3A_192 = arith.constant 3.200000e+01 : f32
    %div3A_193 = vector.broadcast %div3A_192 : f32 to vector<1x196xf32>
    %div3A_194 = arith.divf %broadcast_in_dim3A_191, %div3A_193 : vector<1x196xf32>
    %add3A_195 = arith.constant 9.99999974E-6 : f32
    %add3A_196 = vector.broadcast %add3A_195 : f32 to vector<1x196xf32>
    %add3A_197 = arith.addf %div3A_194, %add3A_196 : vector<1x196xf32>
    %rsqrt3A_198 = math.rsqrt %add3A_197 : vector<1x196xf32>
    %mul3A_199 = vector.broadcast %rsqrt3A_198 : vector<1x196xf32> to vector<32x196xf32>
    %mul3A_200 = arith.mulf %sub3A_187, %mul3A_199 : vector<32x196xf32>
    %concatenate3A = tpu.concatenate %mul3A_46, %mul3A_68, %mul3A_90, %mul3A_112, %mul3A_134, %mul3A_156, %mul3A_178, %mul3A_200 in 0 : vector<32x196xf32>, vector<32x196xf32>, vector<32x196xf32>, vector<32x196xf32>, vector<32x196xf32>, vector<32x196xf32>, vector<32x196xf32>, vector<32x196xf32> -> vector<256x196xf32>
    %get3A_201 = arith.constant 0 : index
    %get3A_202 = arith.constant 0 : index
    %get3A_203 = vector.load %arg6[%get3A_201, %get3A_202] : memref<256x1xf32, #tpu.memory_space<vmem>>, vector<256x1xf32>
    %mul3A_204 = vector.broadcast %get3A_203 : vector<256x1xf32> to vector<256x196xf32>
    %mul3A_205 = arith.mulf %concatenate3A, %mul3A_204 : vector<256x196xf32>
    %get3A_206 = arith.constant 0 : index
    %get3A_207 = arith.constant 0 : index
    %get3A_208 = vector.load %arg7[%get3A_206, %get3A_207] : memref<256x1xf32, #tpu.memory_space<vmem>>, vector<256x1xf32>
    %add3A_209 = vector.broadcast %get3A_208 : vector<256x1xf32> to vector<256x196xf32>
    %add3A_210 = arith.addf %mul3A_205, %add3A_209 : vector<256x196xf32>
    %mul3A_211 = arith.mulf %add3A_210, %add3A_210 : vector<256x196xf32>
    %reduce_sum3A_212 = arith.constant dense<0.000000e+00> : vector<196xf32>
    %reduce_sum3A_213 = vector.multi_reduction <add>, %mul3A_211, %reduce_sum3A_212 [0] : vector<256x196xf32> to vector<196xf32>
    %broadcast_in_dim3A_214 = vector.shape_cast %reduce_sum3A_213 : vector<196xf32> to vector<1x196xf32>
    %dot_general3A_215 = arith.constant dense<0.000000e+00> : vector<1024x196xf32>
    %dot_general3A_216 = tpu.matmul %get3A_1, %add3A_210, %dot_general3A_215 {dimension_numbers = #tpu.dot_dimension_numbers<[1], [0], [0], [1], [0, 0, 1, 1], [], []>, transpose_lhs_hint = false} : vector<1024x256xf32>, vector<256x196xf32>, vector<1024x196xf32> -> vector<1024x196xf32>
    %mul3A_217 = arith.constant 2.000000e+00 : f32
    %mul3A_218 = vector.broadcast %mul3A_217 : f32 to vector<1024x196xf32>
    %mul3A_219 = arith.mulf %mul3A_218, %dot_general3A_216 : vector<1024x196xf32>
    %sub3A_220 = vector.broadcast %broadcast_in_dim3A_214 : vector<1x196xf32> to vector<1024x196xf32>
    %sub3A_221 = arith.subf %sub3A_220, %mul3A_219 : vector<1024x196xf32>
    %add3A_222 = vector.broadcast %broadcast_in_dim3A : vector<1024x1xf32> to vector<1024x196xf32>
    %add3A_223 = arith.addf %sub3A_221, %add3A_222 : vector<1024x196xf32>
    %reduce_min3A = arith.constant dense<0x7F800000> : vector<196xf32>
    %reduce_min3A_224 = vector.multi_reduction <minimumf>, %add3A_223, %reduce_min3A [0] : vector<1024x196xf32> to vector<196xf32>
    %broadcast_in_dim3A_225 = vector.shape_cast %reduce_min3A_224 : vector<196xf32> to vector<1x196xf32>
    %iota3A = tpu.iota {dimensions = array<i32: 0>} : vector<1024x196xi32>
    %eq3A = vector.broadcast %broadcast_in_dim3A_225 : vector<1x196xf32> to vector<1024x196xf32>
    %eq3A_226 = arith.cmpf oeq, %add3A_223, %eq3A : vector<1024x196xf32>
    %jit3A = arith.constant 1024 : i32
    %broadcast_in_dim3A_227 = vector.broadcast %jit3A : i32 to vector<1024x196xi32>
    %select_n3A = arith.select %eq3A_226, %iota3A, %broadcast_in_dim3A_227 : vector<1024x196xi1>, vector<1024x196xi32>
    %reduce_min3A_228 = arith.constant dense<2147483647> : vector<196xi32>
    %reduce_min3A_229 = vector.multi_reduction <minsi>, %select_n3A, %reduce_min3A_228 [0] : vector<1024x196xi32> to vector<196xi32>
    %get3A_230 = arith.constant 192 : index
    %get3A_231 = arith.constant 0 : index
    %get3A_232 = vector.load %arg1[%get3A_230, %get3A_231] : memref<1536x196xf32, #tpu.memory_space<vmem>>, vector<192x196xf32>
    %get3A_233 = arith.constant 0 : index
    %get3A_234 = arith.constant 0 : index
    %get3A_235 = vector.load %arg2[%get3A_233, %get3A_234] : memref<256x192xf32, #tpu.memory_space<vmem>>, vector<256x192xf32>
    %dot_general3A_236 = arith.constant dense<0.000000e+00> : vector<256x196xf32>
    %dot_general3A_237 = tpu.matmul %get3A_235, %get3A_232, %dot_general3A_236 {dimension_numbers = #tpu.dot_dimension_numbers<[1], [0], [0], [1], [0, 0, 1, 1], [], []>, transpose_lhs_hint = false} : vector<256x192xf32>, vector<192x196xf32>, vector<256x196xf32> -> vector<256x196xf32>
    %get3A_238 = arith.constant 0 : index
    %get3A_239 = arith.constant 0 : index
    %get3A_240 = vector.load %arg3[%get3A_238, %get3A_239] : memref<256x1xf32, #tpu.memory_space<vmem>>, vector<256x1xf32>
    %add3A_241 = vector.broadcast %get3A_240 : vector<256x1xf32> to vector<256x196xf32>
    %add3A_242 = arith.addf %dot_general3A_237, %add3A_241 : vector<256x196xf32>
    %max3A_243 = arith.constant 0.000000e+00 : f32
    %max3A_244 = vector.broadcast %max3A_243 : f32 to vector<256x196xf32>
    %max3A_245 = arith.maximumf %add3A_242, %max3A_244 : vector<256x196xf32>
    %get3A_246 = arith.constant 0 : index
    %get3A_247 = arith.constant 0 : index
    %get3A_248 = vector.load %arg4[%get3A_246, %get3A_247] : memref<256x256xf32, #tpu.memory_space<vmem>>, vector<256x256xf32>
    %dot_general3A_249 = arith.constant dense<0.000000e+00> : vector<256x196xf32>
    %dot_general3A_250 = tpu.matmul %get3A_248, %max3A_245, %dot_general3A_249 {dimension_numbers = #tpu.dot_dimension_numbers<[1], [0], [0], [1], [0, 0, 1, 1], [], []>, transpose_lhs_hint = false} : vector<256x256xf32>, vector<256x196xf32>, vector<256x196xf32> -> vector<256x196xf32>
    %get3A_251 = arith.constant 0 : index
    %get3A_252 = arith.constant 0 : index
    %get3A_253 = vector.load %arg5[%get3A_251, %get3A_252] : memref<256x1xf32, #tpu.memory_space<vmem>>, vector<256x1xf32>
    %add3A_254 = vector.broadcast %get3A_253 : vector<256x1xf32> to vector<256x196xf32>
    %add3A_255 = arith.addf %dot_general3A_250, %add3A_254 : vector<256x196xf32>
    %max3A_256 = arith.constant 0.000000e+00 : f32
    %max3A_257 = vector.broadcast %max3A_256 : f32 to vector<256x196xf32>
    %max3A_258 = arith.maximumf %add3A_255, %max3A_257 : vector<256x196xf32>
    %slice3A_259 = vector.extract_strided_slice %max3A_258 {offsets = [0, 0], sizes = [32, 196], strides = [1, 1]} : vector<256x196xf32> to vector<32x196xf32>
    %reduce_sum3A_260 = arith.constant dense<0.000000e+00> : vector<196xf32>
    %reduce_sum3A_261 = vector.multi_reduction <add>, %slice3A_259, %reduce_sum3A_260 [0] : vector<32x196xf32> to vector<196xf32>
    %broadcast_in_dim3A_262 = vector.shape_cast %reduce_sum3A_261 : vector<196xf32> to vector<1x196xf32>
    %div3A_263 = arith.constant 3.200000e+01 : f32
    %div3A_264 = vector.broadcast %div3A_263 : f32 to vector<1x196xf32>
    %div3A_265 = arith.divf %broadcast_in_dim3A_262, %div3A_264 : vector<1x196xf32>
    %sub3A_266 = vector.broadcast %div3A_265 : vector<1x196xf32> to vector<32x196xf32>
    %sub3A_267 = arith.subf %slice3A_259, %sub3A_266 : vector<32x196xf32>
    %mul3A_268 = arith.mulf %sub3A_267, %sub3A_267 : vector<32x196xf32>
    %reduce_sum3A_269 = arith.constant dense<0.000000e+00> : vector<196xf32>
    %reduce_sum3A_270 = vector.multi_reduction <add>, %mul3A_268, %reduce_sum3A_269 [0] : vector<32x196xf32> to vector<196xf32>
    %broadcast_in_dim3A_271 = vector.shape_cast %reduce_sum3A_270 : vector<196xf32> to vector<1x196xf32>
    %div3A_272 = arith.constant 3.200000e+01 : f32
    %div3A_273 = vector.broadcast %div3A_272 : f32 to vector<1x196xf32>
    %div3A_274 = arith.divf %broadcast_in_dim3A_271, %div3A_273 : vector<1x196xf32>
    %add3A_275 = arith.constant 9.99999974E-6 : f32
    %add3A_276 = vector.broadcast %add3A_275 : f32 to vector<1x196xf32>
    %add3A_277 = arith.addf %div3A_274, %add3A_276 : vector<1x196xf32>
    %rsqrt3A_278 = math.rsqrt %add3A_277 : vector<1x196xf32>
    %mul3A_279 = vector.broadcast %rsqrt3A_278 : vector<1x196xf32> to vector<32x196xf32>
    %mul3A_280 = arith.mulf %sub3A_267, %mul3A_279 : vector<32x196xf32>
    %slice3A_281 = vector.extract_strided_slice %max3A_258 {offsets = [32, 0], sizes = [32, 196], strides = [1, 1]} : vector<256x196xf32> to vector<32x196xf32>
    %reduce_sum3A_282 = arith.constant dense<0.000000e+00> : vector<196xf32>
    %reduce_sum3A_283 = vector.multi_reduction <add>, %slice3A_281, %reduce_sum3A_282 [0] : vector<32x196xf32> to vector<196xf32>
    %broadcast_in_dim3A_284 = vector.shape_cast %reduce_sum3A_283 : vector<196xf32> to vector<1x196xf32>
    %div3A_285 = arith.constant 3.200000e+01 : f32
    %div3A_286 = vector.broadcast %div3A_285 : f32 to vector<1x196xf32>
    %div3A_287 = arith.divf %broadcast_in_dim3A_284, %div3A_286 : vector<1x196xf32>
    %sub3A_288 = vector.broadcast %div3A_287 : vector<1x196xf32> to vector<32x196xf32>
    %sub3A_289 = arith.subf %slice3A_281, %sub3A_288 : vector<32x196xf32>
    %mul3A_290 = arith.mulf %sub3A_289, %sub3A_289 : vector<32x196xf32>
    %reduce_sum3A_291 = arith.constant dense<0.000000e+00> : vector<196xf32>
    %reduce_sum3A_292 = vector.multi_reduction <add>, %mul3A_290, %reduce_sum3A_291 [0] : vector<32x196xf32> to vector<196xf32>
    %broadcast_in_dim3A_293 = vector.shape_cast %reduce_sum3A_292 : vector<196xf32> to vector<1x196xf32>
    %div3A_294 = arith.constant 3.200000e+01 : f32
    %div3A_295 = vector.broadcast %div3A_294 : f32 to vector<1x196xf32>
    %div3A_296 = arith.divf %broadcast_in_dim3A_293, %div3A_295 : vector<1x196xf32>
    %add3A_297 = arith.constant 9.99999974E-6 : f32
    %add3A_298 = vector.broadcast %add3A_297 : f32 to vector<1x196xf32>
    %add3A_299 = arith.addf %div3A_296, %add3A_298 : vector<1x196xf32>
    %rsqrt3A_300 = math.rsqrt %add3A_299 : vector<1x196xf32>
    %mul3A_301 = vector.broadcast %rsqrt3A_300 : vector<1x196xf32> to vector<32x196xf32>
    %mul3A_302 = arith.mulf %sub3A_289, %mul3A_301 : vector<32x196xf32>
    %slice3A_303 = vector.extract_strided_slice %max3A_258 {offsets = [64, 0], sizes = [32, 196], strides = [1, 1]} : vector<256x196xf32> to vector<32x196xf32>
    %reduce_sum3A_304 = arith.constant dense<0.000000e+00> : vector<196xf32>
    %reduce_sum3A_305 = vector.multi_reduction <add>, %slice3A_303, %reduce_sum3A_304 [0] : vector<32x196xf32> to vector<196xf32>
    %broadcast_in_dim3A_306 = vector.shape_cast %reduce_sum3A_305 : vector<196xf32> to vector<1x196xf32>
    %div3A_307 = arith.constant 3.200000e+01 : f32
    %div3A_308 = vector.broadcast %div3A_307 : f32 to vector<1x196xf32>
    %div3A_309 = arith.divf %broadcast_in_dim3A_306, %div3A_308 : vector<1x196xf32>
    %sub3A_310 = vector.broadcast %div3A_309 : vector<1x196xf32> to vector<32x196xf32>
    %sub3A_311 = arith.subf %slice3A_303, %sub3A_310 : vector<32x196xf32>
    %mul3A_312 = arith.mulf %sub3A_311, %sub3A_311 : vector<32x196xf32>
    %reduce_sum3A_313 = arith.constant dense<0.000000e+00> : vector<196xf32>
    %reduce_sum3A_314 = vector.multi_reduction <add>, %mul3A_312, %reduce_sum3A_313 [0] : vector<32x196xf32> to vector<196xf32>
    %broadcast_in_dim3A_315 = vector.shape_cast %reduce_sum3A_314 : vector<196xf32> to vector<1x196xf32>
    %div3A_316 = arith.constant 3.200000e+01 : f32
    %div3A_317 = vector.broadcast %div3A_316 : f32 to vector<1x196xf32>
    %div3A_318 = arith.divf %broadcast_in_dim3A_315, %div3A_317 : vector<1x196xf32>
    %add3A_319 = arith.constant 9.99999974E-6 : f32
    %add3A_320 = vector.broadcast %add3A_319 : f32 to vector<1x196xf32>
    %add3A_321 = arith.addf %div3A_318, %add3A_320 : vector<1x196xf32>
    %rsqrt3A_322 = math.rsqrt %add3A_321 : vector<1x196xf32>
    %mul3A_323 = vector.broadcast %rsqrt3A_322 : vector<1x196xf32> to vector<32x196xf32>
    %mul3A_324 = arith.mulf %sub3A_311, %mul3A_323 : vector<32x196xf32>
    %slice3A_325 = vector.extract_strided_slice %max3A_258 {offsets = [96, 0], sizes = [32, 196], strides = [1, 1]} : vector<256x196xf32> to vector<32x196xf32>
    %reduce_sum3A_326 = arith.constant dense<0.000000e+00> : vector<196xf32>
    %reduce_sum3A_327 = vector.multi_reduction <add>, %slice3A_325, %reduce_sum3A_326 [0] : vector<32x196xf32> to vector<196xf32>
    %broadcast_in_dim3A_328 = vector.shape_cast %reduce_sum3A_327 : vector<196xf32> to vector<1x196xf32>
    %div3A_329 = arith.constant 3.200000e+01 : f32
    %div3A_330 = vector.broadcast %div3A_329 : f32 to vector<1x196xf32>
    %div3A_331 = arith.divf %broadcast_in_dim3A_328, %div3A_330 : vector<1x196xf32>
    %sub3A_332 = vector.broadcast %div3A_331 : vector<1x196xf32> to vector<32x196xf32>
    %sub3A_333 = arith.subf %slice3A_325, %sub3A_332 : vector<32x196xf32>
    %mul3A_334 = arith.mulf %sub3A_333, %sub3A_333 : vector<32x196xf32>
    %reduce_sum3A_335 = arith.constant dense<0.000000e+00> : vector<196xf32>
    %reduce_sum3A_336 = vector.multi_reduction <add>, %mul3A_334, %reduce_sum3A_335 [0] : vector<32x196xf32> to vector<196xf32>
    %broadcast_in_dim3A_337 = vector.shape_cast %reduce_sum3A_336 : vector<196xf32> to vector<1x196xf32>
    %div3A_338 = arith.constant 3.200000e+01 : f32
    %div3A_339 = vector.broadcast %div3A_338 : f32 to vector<1x196xf32>
    %div3A_340 = arith.divf %broadcast_in_dim3A_337, %div3A_339 : vector<1x196xf32>
    %add3A_341 = arith.constant 9.99999974E-6 : f32
    %add3A_342 = vector.broadcast %add3A_341 : f32 to vector<1x196xf32>
    %add3A_343 = arith.addf %div3A_340, %add3A_342 : vector<1x196xf32>
    %rsqrt3A_344 = math.rsqrt %add3A_343 : vector<1x196xf32>
    %mul3A_345 = vector.broadcast %rsqrt3A_344 : vector<1x196xf32> to vector<32x196xf32>
    %mul3A_346 = arith.mulf %sub3A_333, %mul3A_345 : vector<32x196xf32>
    %slice3A_347 = vector.extract_strided_slice %max3A_258 {offsets = [128, 0], sizes = [32, 196], strides = [1, 1]} : vector<256x196xf32> to vector<32x196xf32>
    %reduce_sum3A_348 = arith.constant dense<0.000000e+00> : vector<196xf32>
    %reduce_sum3A_349 = vector.multi_reduction <add>, %slice3A_347, %reduce_sum3A_348 [0] : vector<32x196xf32> to vector<196xf32>
    %broadcast_in_dim3A_350 = vector.shape_cast %reduce_sum3A_349 : vector<196xf32> to vector<1x196xf32>
    %div3A_351 = arith.constant 3.200000e+01 : f32
    %div3A_352 = vector.broadcast %div3A_351 : f32 to vector<1x196xf32>
    %div3A_353 = arith.divf %broadcast_in_dim3A_350, %div3A_352 : vector<1x196xf32>
    %sub3A_354 = vector.broadcast %div3A_353 : vector<1x196xf32> to vector<32x196xf32>
    %sub3A_355 = arith.subf %slice3A_347, %sub3A_354 : vector<32x196xf32>
    %mul3A_356 = arith.mulf %sub3A_355, %sub3A_355 : vector<32x196xf32>
    %reduce_sum3A_357 = arith.constant dense<0.000000e+00> : vector<196xf32>
    %reduce_sum3A_358 = vector.multi_reduction <add>, %mul3A_356, %reduce_sum3A_357 [0] : vector<32x196xf32> to vector<196xf32>
    %broadcast_in_dim3A_359 = vector.shape_cast %reduce_sum3A_358 : vector<196xf32> to vector<1x196xf32>
    %div3A_360 = arith.constant 3.200000e+01 : f32
    %div3A_361 = vector.broadcast %div3A_360 : f32 to vector<1x196xf32>
    %div3A_362 = arith.divf %broadcast_in_dim3A_359, %div3A_361 : vector<1x196xf32>
    %add3A_363 = arith.constant 9.99999974E-6 : f32
    %add3A_364 = vector.broadcast %add3A_363 : f32 to vector<1x196xf32>
    %add3A_365 = arith.addf %div3A_362, %add3A_364 : vector<1x196xf32>
    %rsqrt3A_366 = math.rsqrt %add3A_365 : vector<1x196xf32>
    %mul3A_367 = vector.broadcast %rsqrt3A_366 : vector<1x196xf32> to vector<32x196xf32>
    %mul3A_368 = arith.mulf %sub3A_355, %mul3A_367 : vector<32x196xf32>
    %slice3A_369 = vector.extract_strided_slice %max3A_258 {offsets = [160, 0], sizes = [32, 196], strides = [1, 1]} : vector<256x196xf32> to vector<32x196xf32>
    %reduce_sum3A_370 = arith.constant dense<0.000000e+00> : vector<196xf32>
    %reduce_sum3A_371 = vector.multi_reduction <add>, %slice3A_369, %reduce_sum3A_370 [0] : vector<32x196xf32> to vector<196xf32>
    %broadcast_in_dim3A_372 = vector.shape_cast %reduce_sum3A_371 : vector<196xf32> to vector<1x196xf32>
    %div3A_373 = arith.constant 3.200000e+01 : f32
    %div3A_374 = vector.broadcast %div3A_373 : f32 to vector<1x196xf32>
    %div3A_375 = arith.divf %broadcast_in_dim3A_372, %div3A_374 : vector<1x196xf32>
    %sub3A_376 = vector.broadcast %div3A_375 : vector<1x196xf32> to vector<32x196xf32>
    %sub3A_377 = arith.subf %slice3A_369, %sub3A_376 : vector<32x196xf32>
    %mul3A_378 = arith.mulf %sub3A_377, %sub3A_377 : vector<32x196xf32>
    %reduce_sum3A_379 = arith.constant dense<0.000000e+00> : vector<196xf32>
    %reduce_sum3A_380 = vector.multi_reduction <add>, %mul3A_378, %reduce_sum3A_379 [0] : vector<32x196xf32> to vector<196xf32>
    %broadcast_in_dim3A_381 = vector.shape_cast %reduce_sum3A_380 : vector<196xf32> to vector<1x196xf32>
    %div3A_382 = arith.constant 3.200000e+01 : f32
    %div3A_383 = vector.broadcast %div3A_382 : f32 to vector<1x196xf32>
    %div3A_384 = arith.divf %broadcast_in_dim3A_381, %div3A_383 : vector<1x196xf32>
    %add3A_385 = arith.constant 9.99999974E-6 : f32
    %add3A_386 = vector.broadcast %add3A_385 : f32 to vector<1x196xf32>
    %add3A_387 = arith.addf %div3A_384, %add3A_386 : vector<1x196xf32>
    %rsqrt3A_388 = math.rsqrt %add3A_387 : vector<1x196xf32>
    %mul3A_389 = vector.broadcast %rsqrt3A_388 : vector<1x196xf32> to vector<32x196xf32>
    %mul3A_390 = arith.mulf %sub3A_377, %mul3A_389 : vector<32x196xf32>
    %slice3A_391 = vector.extract_strided_slice %max3A_258 {offsets = [192, 0], sizes = [32, 196], strides = [1, 1]} : vector<256x196xf32> to vector<32x196xf32>
    %reduce_sum3A_392 = arith.constant dense<0.000000e+00> : vector<196xf32>
    %reduce_sum3A_393 = vector.multi_reduction <add>, %slice3A_391, %reduce_sum3A_392 [0] : vector<32x196xf32> to vector<196xf32>
    %broadcast_in_dim3A_394 = vector.shape_cast %reduce_sum3A_393 : vector<196xf32> to vector<1x196xf32>
    %div3A_395 = arith.constant 3.200000e+01 : f32
    %div3A_396 = vector.broadcast %div3A_395 : f32 to vector<1x196xf32>
    %div3A_397 = arith.divf %broadcast_in_dim3A_394, %div3A_396 : vector<1x196xf32>
    %sub3A_398 = vector.broadcast %div3A_397 : vector<1x196xf32> to vector<32x196xf32>
    %sub3A_399 = arith.subf %slice3A_391, %sub3A_398 : vector<32x196xf32>
    %mul3A_400 = arith.mulf %sub3A_399, %sub3A_399 : vector<32x196xf32>
    %reduce_sum3A_401 = arith.constant dense<0.000000e+00> : vector<196xf32>
    %reduce_sum3A_402 = vector.multi_reduction <add>, %mul3A_400, %reduce_sum3A_401 [0] : vector<32x196xf32> to vector<196xf32>
    %broadcast_in_dim3A_403 = vector.shape_cast %reduce_sum3A_402 : vector<196xf32> to vector<1x196xf32>
    %div3A_404 = arith.constant 3.200000e+01 : f32
    %div3A_405 = vector.broadcast %div3A_404 : f32 to vector<1x196xf32>
    %div3A_406 = arith.divf %broadcast_in_dim3A_403, %div3A_405 : vector<1x196xf32>
    %add3A_407 = arith.constant 9.99999974E-6 : f32
    %add3A_408 = vector.broadcast %add3A_407 : f32 to vector<1x196xf32>
    %add3A_409 = arith.addf %div3A_406, %add3A_408 : vector<1x196xf32>
    %rsqrt3A_410 = math.rsqrt %add3A_409 : vector<1x196xf32>
    %mul3A_411 = vector.broadcast %rsqrt3A_410 : vector<1x196xf32> to vector<32x196xf32>
    %mul3A_412 = arith.mulf %sub3A_399, %mul3A_411 : vector<32x196xf32>
    %slice3A_413 = vector.extract_strided_slice %max3A_258 {offsets = [224, 0], sizes = [32, 196], strides = [1, 1]} : vector<256x196xf32> to vector<32x196xf32>
    %reduce_sum3A_414 = arith.constant dense<0.000000e+00> : vector<196xf32>
    %reduce_sum3A_415 = vector.multi_reduction <add>, %slice3A_413, %reduce_sum3A_414 [0] : vector<32x196xf32> to vector<196xf32>
    %broadcast_in_dim3A_416 = vector.shape_cast %reduce_sum3A_415 : vector<196xf32> to vector<1x196xf32>
    %div3A_417 = arith.constant 3.200000e+01 : f32
    %div3A_418 = vector.broadcast %div3A_417 : f32 to vector<1x196xf32>
    %div3A_419 = arith.divf %broadcast_in_dim3A_416, %div3A_418 : vector<1x196xf32>
    %sub3A_420 = vector.broadcast %div3A_419 : vector<1x196xf32> to vector<32x196xf32>
    %sub3A_421 = arith.subf %slice3A_413, %sub3A_420 : vector<32x196xf32>
    %mul3A_422 = arith.mulf %sub3A_421, %sub3A_421 : vector<32x196xf32>
    %reduce_sum3A_423 = arith.constant dense<0.000000e+00> : vector<196xf32>
    %reduce_sum3A_424 = vector.multi_reduction <add>, %mul3A_422, %reduce_sum3A_423 [0] : vector<32x196xf32> to vector<196xf32>
    %broadcast_in_dim3A_425 = vector.shape_cast %reduce_sum3A_424 : vector<196xf32> to vector<1x196xf32>
    %div3A_426 = arith.constant 3.200000e+01 : f32
    %div3A_427 = vector.broadcast %div3A_426 : f32 to vector<1x196xf32>
    %div3A_428 = arith.divf %broadcast_in_dim3A_425, %div3A_427 : vector<1x196xf32>
    %add3A_429 = arith.constant 9.99999974E-6 : f32
    %add3A_430 = vector.broadcast %add3A_429 : f32 to vector<1x196xf32>
    %add3A_431 = arith.addf %div3A_428, %add3A_430 : vector<1x196xf32>
    %rsqrt3A_432 = math.rsqrt %add3A_431 : vector<1x196xf32>
    %mul3A_433 = vector.broadcast %rsqrt3A_432 : vector<1x196xf32> to vector<32x196xf32>
    %mul3A_434 = arith.mulf %sub3A_421, %mul3A_433 : vector<32x196xf32>
    %concatenate3A_435 = tpu.concatenate %mul3A_280, %mul3A_302, %mul3A_324, %mul3A_346, %mul3A_368, %mul3A_390, %mul3A_412, %mul3A_434 in 0 : vector<32x196xf32>, vector<32x196xf32>, vector<32x196xf32>, vector<32x196xf32>, vector<32x196xf32>, vector<32x196xf32>, vector<32x196xf32>, vector<32x196xf32> -> vector<256x196xf32>
    %get3A_436 = arith.constant 0 : index
    %get3A_437 = arith.constant 0 : index
    %get3A_438 = vector.load %arg6[%get3A_436, %get3A_437] : memref<256x1xf32, #tpu.memory_space<vmem>>, vector<256x1xf32>
    %mul3A_439 = vector.broadcast %get3A_438 : vector<256x1xf32> to vector<256x196xf32>
    %mul3A_440 = arith.mulf %concatenate3A_435, %mul3A_439 : vector<256x196xf32>
    %get3A_441 = arith.constant 0 : index
    %get3A_442 = arith.constant 0 : index
    %get3A_443 = vector.load %arg7[%get3A_441, %get3A_442] : memref<256x1xf32, #tpu.memory_space<vmem>>, vector<256x1xf32>
    %add3A_444 = vector.broadcast %get3A_443 : vector<256x1xf32> to vector<256x196xf32>
    %add3A_445 = arith.addf %mul3A_440, %add3A_444 : vector<256x196xf32>
    %mul3A_446 = arith.mulf %add3A_445, %add3A_445 : vector<256x196xf32>
    %reduce_sum3A_447 = arith.constant dense<0.000000e+00> : vector<196xf32>
    %reduce_sum3A_448 = vector.multi_reduction <add>, %mul3A_446, %reduce_sum3A_447 [0] : vector<256x196xf32> to vector<196xf32>
    %broadcast_in_dim3A_449 = vector.shape_cast %reduce_sum3A_448 : vector<196xf32> to vector<1x196xf32>
    %dot_general3A_450 = arith.constant dense<0.000000e+00> : vector<1024x196xf32>
    %dot_general3A_451 = tpu.matmul %get3A_1, %add3A_445, %dot_general3A_450 {dimension_numbers = #tpu.dot_dimension_numbers<[1], [0], [0], [1], [0, 0, 1, 1], [], []>, transpose_lhs_hint = false} : vector<1024x256xf32>, vector<256x196xf32>, vector<1024x196xf32> -> vector<1024x196xf32>
    %mul3A_452 = arith.constant 2.000000e+00 : f32
    %mul3A_453 = vector.broadcast %mul3A_452 : f32 to vector<1024x196xf32>
    %mul3A_454 = arith.mulf %mul3A_453, %dot_general3A_451 : vector<1024x196xf32>
    %sub3A_455 = vector.broadcast %broadcast_in_dim3A_449 : vector<1x196xf32> to vector<1024x196xf32>
    %sub3A_456 = arith.subf %sub3A_455, %mul3A_454 : vector<1024x196xf32>
    %add3A_457 = vector.broadcast %broadcast_in_dim3A : vector<1024x1xf32> to vector<1024x196xf32>
    %add3A_458 = arith.addf %sub3A_456, %add3A_457 : vector<1024x196xf32>
    %reduce_min3A_459 = arith.constant dense<0x7F800000> : vector<196xf32>
    %reduce_min3A_460 = vector.multi_reduction <minimumf>, %add3A_458, %reduce_min3A_459 [0] : vector<1024x196xf32> to vector<196xf32>
    %broadcast_in_dim3A_461 = vector.shape_cast %reduce_min3A_460 : vector<196xf32> to vector<1x196xf32>
    %iota3A_462 = tpu.iota {dimensions = array<i32: 0>} : vector<1024x196xi32>
    %eq3A_463 = vector.broadcast %broadcast_in_dim3A_461 : vector<1x196xf32> to vector<1024x196xf32>
    %eq3A_464 = arith.cmpf oeq, %add3A_458, %eq3A_463 : vector<1024x196xf32>
    %jit3A_465 = arith.constant 1024 : i32
    %broadcast_in_dim3A_466 = vector.broadcast %jit3A_465 : i32 to vector<1024x196xi32>
    %select_n3A_467 = arith.select %eq3A_464, %iota3A_462, %broadcast_in_dim3A_466 : vector<1024x196xi1>, vector<1024x196xi32>
    %reduce_min3A_468 = arith.constant dense<2147483647> : vector<196xi32>
    %reduce_min3A_469 = vector.multi_reduction <minsi>, %select_n3A_467, %reduce_min3A_468 [0] : vector<1024x196xi32> to vector<196xi32>
    %get3A_470 = arith.constant 384 : index
    %get3A_471 = arith.constant 0 : index
    %get3A_472 = vector.load %arg1[%get3A_470, %get3A_471] : memref<1536x196xf32, #tpu.memory_space<vmem>>, vector<192x196xf32>
    %get3A_473 = arith.constant 0 : index
    %get3A_474 = arith.constant 0 : index
    %get3A_475 = vector.load %arg2[%get3A_473, %get3A_474] : memref<256x192xf32, #tpu.memory_space<vmem>>, vector<256x192xf32>
    %dot_general3A_476 = arith.constant dense<0.000000e+00> : vector<256x196xf32>
    %dot_general3A_477 = tpu.matmul %get3A_475, %get3A_472, %dot_general3A_476 {dimension_numbers = #tpu.dot_dimension_numbers<[1], [0], [0], [1], [0, 0, 1, 1], [], []>, transpose_lhs_hint = false} : vector<256x192xf32>, vector<192x196xf32>, vector<256x196xf32> -> vector<256x196xf32>
    %get3A_478 = arith.constant 0 : index
    %get3A_479 = arith.constant 0 : index
    %get3A_480 = vector.load %arg3[%get3A_478, %get3A_479] : memref<256x1xf32, #tpu.memory_space<vmem>>, vector<256x1xf32>
    %add3A_481 = vector.broadcast %get3A_480 : vector<256x1xf32> to vector<256x196xf32>
    %add3A_482 = arith.addf %dot_general3A_477, %add3A_481 : vector<256x196xf32>
    %max3A_483 = arith.constant 0.000000e+00 : f32
    %max3A_484 = vector.broadcast %max3A_483 : f32 to vector<256x196xf32>
    %max3A_485 = arith.maximumf %add3A_482, %max3A_484 : vector<256x196xf32>
    %get3A_486 = arith.constant 0 : index
    %get3A_487 = arith.constant 0 : index
    %get3A_488 = vector.load %arg4[%get3A_486, %get3A_487] : memref<256x256xf32, #tpu.memory_space<vmem>>, vector<256x256xf32>
    %dot_general3A_489 = arith.constant dense<0.000000e+00> : vector<256x196xf32>
    %dot_general3A_490 = tpu.matmul %get3A_488, %max3A_485, %dot_general3A_489 {dimension_numbers = #tpu.dot_dimension_numbers<[1], [0], [0], [1], [0, 0, 1, 1], [], []>, transpose_lhs_hint = false} : vector<256x256xf32>, vector<256x196xf32>, vector<256x196xf32> -> vector<256x196xf32>
    %get3A_491 = arith.constant 0 : index
    %get3A_492 = arith.constant 0 : index
    %get3A_493 = vector.load %arg5[%get3A_491, %get3A_492] : memref<256x1xf32, #tpu.memory_space<vmem>>, vector<256x1xf32>
    %add3A_494 = vector.broadcast %get3A_493 : vector<256x1xf32> to vector<256x196xf32>
    %add3A_495 = arith.addf %dot_general3A_490, %add3A_494 : vector<256x196xf32>
    %max3A_496 = arith.constant 0.000000e+00 : f32
    %max3A_497 = vector.broadcast %max3A_496 : f32 to vector<256x196xf32>
    %max3A_498 = arith.maximumf %add3A_495, %max3A_497 : vector<256x196xf32>
    %slice3A_499 = vector.extract_strided_slice %max3A_498 {offsets = [0, 0], sizes = [32, 196], strides = [1, 1]} : vector<256x196xf32> to vector<32x196xf32>
    %reduce_sum3A_500 = arith.constant dense<0.000000e+00> : vector<196xf32>
    %reduce_sum3A_501 = vector.multi_reduction <add>, %slice3A_499, %reduce_sum3A_500 [0] : vector<32x196xf32> to vector<196xf32>
    %broadcast_in_dim3A_502 = vector.shape_cast %reduce_sum3A_501 : vector<196xf32> to vector<1x196xf32>
    %div3A_503 = arith.constant 3.200000e+01 : f32
    %div3A_504 = vector.broadcast %div3A_503 : f32 to vector<1x196xf32>
    %div3A_505 = arith.divf %broadcast_in_dim3A_502, %div3A_504 : vector<1x196xf32>
    %sub3A_506 = vector.broadcast %div3A_505 : vector<1x196xf32> to vector<32x196xf32>
    %sub3A_507 = arith.subf %slice3A_499, %sub3A_506 : vector<32x196xf32>
    %mul3A_508 = arith.mulf %sub3A_507, %sub3A_507 : vector<32x196xf32>
    %reduce_sum3A_509 = arith.constant dense<0.000000e+00> : vector<196xf32>
    %reduce_sum3A_510 = vector.multi_reduction <add>, %mul3A_508, %reduce_sum3A_509 [0] : vector<32x196xf32> to vector<196xf32>
    %broadcast_in_dim3A_511 = vector.shape_cast %reduce_sum3A_510 : vector<196xf32> to vector<1x196xf32>
    %div3A_512 = arith.constant 3.200000e+01 : f32
    %div3A_513 = vector.broadcast %div3A_512 : f32 to vector<1x196xf32>
    %div3A_514 = arith.divf %broadcast_in_dim3A_511, %div3A_513 : vector<1x196xf32>
    %add3A_515 = arith.constant 9.99999974E-6 : f32
    %add3A_516 = vector.broadcast %add3A_515 : f32 to vector<1x196xf32>
    %add3A_517 = arith.addf %div3A_514, %add3A_516 : vector<1x196xf32>
    %rsqrt3A_518 = math.rsqrt %add3A_517 : vector<1x196xf32>
    %mul3A_519 = vector.broadcast %rsqrt3A_518 : vector<1x196xf32> to vector<32x196xf32>
    %mul3A_520 = arith.mulf %sub3A_507, %mul3A_519 : vector<32x196xf32>
    %slice3A_521 = vector.extract_strided_slice %max3A_498 {offsets = [32, 0], sizes = [32, 196], strides = [1, 1]} : vector<256x196xf32> to vector<32x196xf32>
    %reduce_sum3A_522 = arith.constant dense<0.000000e+00> : vector<196xf32>
    %reduce_sum3A_523 = vector.multi_reduction <add>, %slice3A_521, %reduce_sum3A_522 [0] : vector<32x196xf32> to vector<196xf32>
    %broadcast_in_dim3A_524 = vector.shape_cast %reduce_sum3A_523 : vector<196xf32> to vector<1x196xf32>
    %div3A_525 = arith.constant 3.200000e+01 : f32
    %div3A_526 = vector.broadcast %div3A_525 : f32 to vector<1x196xf32>
    %div3A_527 = arith.divf %broadcast_in_dim3A_524, %div3A_526 : vector<1x196xf32>
    %sub3A_528 = vector.broadcast %div3A_527 : vector<1x196xf32> to vector<32x196xf32>
    %sub3A_529 = arith.subf %slice3A_521, %sub3A_528 : vector<32x196xf32>
    %mul3A_530 = arith.mulf %sub3A_529, %sub3A_529 : vector<32x196xf32>
    %reduce_sum3A_531 = arith.constant dense<0.000000e+00> : vector<196xf32>
    %reduce_sum3A_532 = vector.multi_reduction <add>, %mul3A_530, %reduce_sum3A_531 [0] : vector<32x196xf32> to vector<196xf32>
    %broadcast_in_dim3A_533 = vector.shape_cast %reduce_sum3A_532 : vector<196xf32> to vector<1x196xf32>
    %div3A_534 = arith.constant 3.200000e+01 : f32
    %div3A_535 = vector.broadcast %div3A_534 : f32 to vector<1x196xf32>
    %div3A_536 = arith.divf %broadcast_in_dim3A_533, %div3A_535 : vector<1x196xf32>
    %add3A_537 = arith.constant 9.99999974E-6 : f32
    %add3A_538 = vector.broadcast %add3A_537 : f32 to vector<1x196xf32>
    %add3A_539 = arith.addf %div3A_536, %add3A_538 : vector<1x196xf32>
    %rsqrt3A_540 = math.rsqrt %add3A_539 : vector<1x196xf32>
    %mul3A_541 = vector.broadcast %rsqrt3A_540 : vector<1x196xf32> to vector<32x196xf32>
    %mul3A_542 = arith.mulf %sub3A_529, %mul3A_541 : vector<32x196xf32>
    %slice3A_543 = vector.extract_strided_slice %max3A_498 {offsets = [64, 0], sizes = [32, 196], strides = [1, 1]} : vector<256x196xf32> to vector<32x196xf32>
    %reduce_sum3A_544 = arith.constant dense<0.000000e+00> : vector<196xf32>
    %reduce_sum3A_545 = vector.multi_reduction <add>, %slice3A_543, %reduce_sum3A_544 [0] : vector<32x196xf32> to vector<196xf32>
    %broadcast_in_dim3A_546 = vector.shape_cast %reduce_sum3A_545 : vector<196xf32> to vector<1x196xf32>
    %div3A_547 = arith.constant 3.200000e+01 : f32
    %div3A_548 = vector.broadcast %div3A_547 : f32 to vector<1x196xf32>
    %div3A_549 = arith.divf %broadcast_in_dim3A_546, %div3A_548 : vector<1x196xf32>
    %sub3A_550 = vector.broadcast %div3A_549 : vector<1x196xf32> to vector<32x196xf32>
    %sub3A_551 = arith.subf %slice3A_543, %sub3A_550 : vector<32x196xf32>
    %mul3A_552 = arith.mulf %sub3A_551, %sub3A_551 : vector<32x196xf32>
    %reduce_sum3A_553 = arith.constant dense<0.000000e+00> : vector<196xf32>
    %reduce_sum3A_554 = vector.multi_reduction <add>, %mul3A_552, %reduce_sum3A_553 [0] : vector<32x196xf32> to vector<196xf32>
    %broadcast_in_dim3A_555 = vector.shape_cast %reduce_sum3A_554 : vector<196xf32> to vector<1x196xf32>
    %div3A_556 = arith.constant 3.200000e+01 : f32
    %div3A_557 = vector.broadcast %div3A_556 : f32 to vector<1x196xf32>
    %div3A_558 = arith.divf %broadcast_in_dim3A_555, %div3A_557 : vector<1x196xf32>
    %add3A_559 = arith.constant 9.99999974E-6 : f32
    %add3A_560 = vector.broadcast %add3A_559 : f32 to vector<1x196xf32>
    %add3A_561 = arith.addf %div3A_558, %add3A_560 : vector<1x196xf32>
    %rsqrt3A_562 = math.rsqrt %add3A_561 : vector<1x196xf32>
    %mul3A_563 = vector.broadcast %rsqrt3A_562 : vector<1x196xf32> to vector<32x196xf32>
    %mul3A_564 = arith.mulf %sub3A_551, %mul3A_563 : vector<32x196xf32>
    %slice3A_565 = vector.extract_strided_slice %max3A_498 {offsets = [96, 0], sizes = [32, 196], strides = [1, 1]} : vector<256x196xf32> to vector<32x196xf32>
    %reduce_sum3A_566 = arith.constant dense<0.000000e+00> : vector<196xf32>
    %reduce_sum3A_567 = vector.multi_reduction <add>, %slice3A_565, %reduce_sum3A_566 [0] : vector<32x196xf32> to vector<196xf32>
    %broadcast_in_dim3A_568 = vector.shape_cast %reduce_sum3A_567 : vector<196xf32> to vector<1x196xf32>
    %div3A_569 = arith.constant 3.200000e+01 : f32
    %div3A_570 = vector.broadcast %div3A_569 : f32 to vector<1x196xf32>
    %div3A_571 = arith.divf %broadcast_in_dim3A_568, %div3A_570 : vector<1x196xf32>
    %sub3A_572 = vector.broadcast %div3A_571 : vector<1x196xf32> to vector<32x196xf32>
    %sub3A_573 = arith.subf %slice3A_565, %sub3A_572 : vector<32x196xf32>
    %mul3A_574 = arith.mulf %sub3A_573, %sub3A_573 : vector<32x196xf32>
    %reduce_sum3A_575 = arith.constant dense<0.000000e+00> : vector<196xf32>
    %reduce_sum3A_576 = vector.multi_reduction <add>, %mul3A_574, %reduce_sum3A_575 [0] : vector<32x196xf32> to vector<196xf32>
    %broadcast_in_dim3A_577 = vector.shape_cast %reduce_sum3A_576 : vector<196xf32> to vector<1x196xf32>
    %div3A_578 = arith.constant 3.200000e+01 : f32
    %div3A_579 = vector.broadcast %div3A_578 : f32 to vector<1x196xf32>
    %div3A_580 = arith.divf %broadcast_in_dim3A_577, %div3A_579 : vector<1x196xf32>
    %add3A_581 = arith.constant 9.99999974E-6 : f32
    %add3A_582 = vector.broadcast %add3A_581 : f32 to vector<1x196xf32>
    %add3A_583 = arith.addf %div3A_580, %add3A_582 : vector<1x196xf32>
    %rsqrt3A_584 = math.rsqrt %add3A_583 : vector<1x196xf32>
    %mul3A_585 = vector.broadcast %rsqrt3A_584 : vector<1x196xf32> to vector<32x196xf32>
    %mul3A_586 = arith.mulf %sub3A_573, %mul3A_585 : vector<32x196xf32>
    %slice3A_587 = vector.extract_strided_slice %max3A_498 {offsets = [128, 0], sizes = [32, 196], strides = [1, 1]} : vector<256x196xf32> to vector<32x196xf32>
    %reduce_sum3A_588 = arith.constant dense<0.000000e+00> : vector<196xf32>
    %reduce_sum3A_589 = vector.multi_reduction <add>, %slice3A_587, %reduce_sum3A_588 [0] : vector<32x196xf32> to vector<196xf32>
    %broadcast_in_dim3A_590 = vector.shape_cast %reduce_sum3A_589 : vector<196xf32> to vector<1x196xf32>
    %div3A_591 = arith.constant 3.200000e+01 : f32
    %div3A_592 = vector.broadcast %div3A_591 : f32 to vector<1x196xf32>
    %div3A_593 = arith.divf %broadcast_in_dim3A_590, %div3A_592 : vector<1x196xf32>
    %sub3A_594 = vector.broadcast %div3A_593 : vector<1x196xf32> to vector<32x196xf32>
    %sub3A_595 = arith.subf %slice3A_587, %sub3A_594 : vector<32x196xf32>
    %mul3A_596 = arith.mulf %sub3A_595, %sub3A_595 : vector<32x196xf32>
    %reduce_sum3A_597 = arith.constant dense<0.000000e+00> : vector<196xf32>
    %reduce_sum3A_598 = vector.multi_reduction <add>, %mul3A_596, %reduce_sum3A_597 [0] : vector<32x196xf32> to vector<196xf32>
    %broadcast_in_dim3A_599 = vector.shape_cast %reduce_sum3A_598 : vector<196xf32> to vector<1x196xf32>
    %div3A_600 = arith.constant 3.200000e+01 : f32
    %div3A_601 = vector.broadcast %div3A_600 : f32 to vector<1x196xf32>
    %div3A_602 = arith.divf %broadcast_in_dim3A_599, %div3A_601 : vector<1x196xf32>
    %add3A_603 = arith.constant 9.99999974E-6 : f32
    %add3A_604 = vector.broadcast %add3A_603 : f32 to vector<1x196xf32>
    %add3A_605 = arith.addf %div3A_602, %add3A_604 : vector<1x196xf32>
    %rsqrt3A_606 = math.rsqrt %add3A_605 : vector<1x196xf32>
    %mul3A_607 = vector.broadcast %rsqrt3A_606 : vector<1x196xf32> to vector<32x196xf32>
    %mul3A_608 = arith.mulf %sub3A_595, %mul3A_607 : vector<32x196xf32>
    %slice3A_609 = vector.extract_strided_slice %max3A_498 {offsets = [160, 0], sizes = [32, 196], strides = [1, 1]} : vector<256x196xf32> to vector<32x196xf32>
    %reduce_sum3A_610 = arith.constant dense<0.000000e+00> : vector<196xf32>
    %reduce_sum3A_611 = vector.multi_reduction <add>, %slice3A_609, %reduce_sum3A_610 [0] : vector<32x196xf32> to vector<196xf32>
    %broadcast_in_dim3A_612 = vector.shape_cast %reduce_sum3A_611 : vector<196xf32> to vector<1x196xf32>
    %div3A_613 = arith.constant 3.200000e+01 : f32
    %div3A_614 = vector.broadcast %div3A_613 : f32 to vector<1x196xf32>
    %div3A_615 = arith.divf %broadcast_in_dim3A_612, %div3A_614 : vector<1x196xf32>
    %sub3A_616 = vector.broadcast %div3A_615 : vector<1x196xf32> to vector<32x196xf32>
    %sub3A_617 = arith.subf %slice3A_609, %sub3A_616 : vector<32x196xf32>
    %mul3A_618 = arith.mulf %sub3A_617, %sub3A_617 : vector<32x196xf32>
    %reduce_sum3A_619 = arith.constant dense<0.000000e+00> : vector<196xf32>
    %reduce_sum3A_620 = vector.multi_reduction <add>, %mul3A_618, %reduce_sum3A_619 [0] : vector<32x196xf32> to vector<196xf32>
    %broadcast_in_dim3A_621 = vector.shape_cast %reduce_sum3A_620 : vector<196xf32> to vector<1x196xf32>
    %div3A_622 = arith.constant 3.200000e+01 : f32
    %div3A_623 = vector.broadcast %div3A_622 : f32 to vector<1x196xf32>
    %div3A_624 = arith.divf %broadcast_in_dim3A_621, %div3A_623 : vector<1x196xf32>
    %add3A_625 = arith.constant 9.99999974E-6 : f32
    %add3A_626 = vector.broadcast %add3A_625 : f32 to vector<1x196xf32>
    %add3A_627 = arith.addf %div3A_624, %add3A_626 : vector<1x196xf32>
    %rsqrt3A_628 = math.rsqrt %add3A_627 : vector<1x196xf32>
    %mul3A_629 = vector.broadcast %rsqrt3A_628 : vector<1x196xf32> to vector<32x196xf32>
    %mul3A_630 = arith.mulf %sub3A_617, %mul3A_629 : vector<32x196xf32>
    %slice3A_631 = vector.extract_strided_slice %max3A_498 {offsets = [192, 0], sizes = [32, 196], strides = [1, 1]} : vector<256x196xf32> to vector<32x196xf32>
    %reduce_sum3A_632 = arith.constant dense<0.000000e+00> : vector<196xf32>
    %reduce_sum3A_633 = vector.multi_reduction <add>, %slice3A_631, %reduce_sum3A_632 [0] : vector<32x196xf32> to vector<196xf32>
    %broadcast_in_dim3A_634 = vector.shape_cast %reduce_sum3A_633 : vector<196xf32> to vector<1x196xf32>
    %div3A_635 = arith.constant 3.200000e+01 : f32
    %div3A_636 = vector.broadcast %div3A_635 : f32 to vector<1x196xf32>
    %div3A_637 = arith.divf %broadcast_in_dim3A_634, %div3A_636 : vector<1x196xf32>
    %sub3A_638 = vector.broadcast %div3A_637 : vector<1x196xf32> to vector<32x196xf32>
    %sub3A_639 = arith.subf %slice3A_631, %sub3A_638 : vector<32x196xf32>
    %mul3A_640 = arith.mulf %sub3A_639, %sub3A_639 : vector<32x196xf32>
    %reduce_sum3A_641 = arith.constant dense<0.000000e+00> : vector<196xf32>
    %reduce_sum3A_642 = vector.multi_reduction <add>, %mul3A_640, %reduce_sum3A_641 [0] : vector<32x196xf32> to vector<196xf32>
    %broadcast_in_dim3A_643 = vector.shape_cast %reduce_sum3A_642 : vector<196xf32> to vector<1x196xf32>
    %div3A_644 = arith.constant 3.200000e+01 : f32
    %div3A_645 = vector.broadcast %div3A_644 : f32 to vector<1x196xf32>
    %div3A_646 = arith.divf %broadcast_in_dim3A_643, %div3A_645 : vector<1x196xf32>
    %add3A_647 = arith.constant 9.99999974E-6 : f32
    %add3A_648 = vector.broadcast %add3A_647 : f32 to vector<1x196xf32>
    %add3A_649 = arith.addf %div3A_646, %add3A_648 : vector<1x196xf32>
    %rsqrt3A_650 = math.rsqrt %add3A_649 : vector<1x196xf32>
    %mul3A_651 = vector.broadcast %rsqrt3A_650 : vector<1x196xf32> to vector<32x196xf32>
    %mul3A_652 = arith.mulf %sub3A_639, %mul3A_651 : vector<32x196xf32>
    %slice3A_653 = vector.extract_strided_slice %max3A_498 {offsets = [224, 0], sizes = [32, 196], strides = [1, 1]} : vector<256x196xf32> to vector<32x196xf32>
    %reduce_sum3A_654 = arith.constant dense<0.000000e+00> : vector<196xf32>
    %reduce_sum3A_655 = vector.multi_reduction <add>, %slice3A_653, %reduce_sum3A_654 [0] : vector<32x196xf32> to vector<196xf32>
    %broadcast_in_dim3A_656 = vector.shape_cast %reduce_sum3A_655 : vector<196xf32> to vector<1x196xf32>
    %div3A_657 = arith.constant 3.200000e+01 : f32
    %div3A_658 = vector.broadcast %div3A_657 : f32 to vector<1x196xf32>
    %div3A_659 = arith.divf %broadcast_in_dim3A_656, %div3A_658 : vector<1x196xf32>
    %sub3A_660 = vector.broadcast %div3A_659 : vector<1x196xf32> to vector<32x196xf32>
    %sub3A_661 = arith.subf %slice3A_653, %sub3A_660 : vector<32x196xf32>
    %mul3A_662 = arith.mulf %sub3A_661, %sub3A_661 : vector<32x196xf32>
    %reduce_sum3A_663 = arith.constant dense<0.000000e+00> : vector<196xf32>
    %reduce_sum3A_664 = vector.multi_reduction <add>, %mul3A_662, %reduce_sum3A_663 [0] : vector<32x196xf32> to vector<196xf32>
    %broadcast_in_dim3A_665 = vector.shape_cast %reduce_sum3A_664 : vector<196xf32> to vector<1x196xf32>
    %div3A_666 = arith.constant 3.200000e+01 : f32
    %div3A_667 = vector.broadcast %div3A_666 : f32 to vector<1x196xf32>
    %div3A_668 = arith.divf %broadcast_in_dim3A_665, %div3A_667 : vector<1x196xf32>
    %add3A_669 = arith.constant 9.99999974E-6 : f32
    %add3A_670 = vector.broadcast %add3A_669 : f32 to vector<1x196xf32>
    %add3A_671 = arith.addf %div3A_668, %add3A_670 : vector<1x196xf32>
    %rsqrt3A_672 = math.rsqrt %add3A_671 : vector<1x196xf32>
    %mul3A_673 = vector.broadcast %rsqrt3A_672 : vector<1x196xf32> to vector<32x196xf32>
    %mul3A_674 = arith.mulf %sub3A_661, %mul3A_673 : vector<32x196xf32>
    %concatenate3A_675 = tpu.concatenate %mul3A_520, %mul3A_542, %mul3A_564, %mul3A_586, %mul3A_608, %mul3A_630, %mul3A_652, %mul3A_674 in 0 : vector<32x196xf32>, vector<32x196xf32>, vector<32x196xf32>, vector<32x196xf32>, vector<32x196xf32>, vector<32x196xf32>, vector<32x196xf32>, vector<32x196xf32> -> vector<256x196xf32>
    %get3A_676 = arith.constant 0 : index
    %get3A_677 = arith.constant 0 : index
    %get3A_678 = vector.load %arg6[%get3A_676, %get3A_677] : memref<256x1xf32, #tpu.memory_space<vmem>>, vector<256x1xf32>
    %mul3A_679 = vector.broadcast %get3A_678 : vector<256x1xf32> to vector<256x196xf32>
    %mul3A_680 = arith.mulf %concatenate3A_675, %mul3A_679 : vector<256x196xf32>
    %get3A_681 = arith.constant 0 : index
    %get3A_682 = arith.constant 0 : index
    %get3A_683 = vector.load %arg7[%get3A_681, %get3A_682] : memref<256x1xf32, #tpu.memory_space<vmem>>, vector<256x1xf32>
    %add3A_684 = vector.broadcast %get3A_683 : vector<256x1xf32> to vector<256x196xf32>
    %add3A_685 = arith.addf %mul3A_680, %add3A_684 : vector<256x196xf32>
    %mul3A_686 = arith.mulf %add3A_685, %add3A_685 : vector<256x196xf32>
    %reduce_sum3A_687 = arith.constant dense<0.000000e+00> : vector<196xf32>
    %reduce_sum3A_688 = vector.multi_reduction <add>, %mul3A_686, %reduce_sum3A_687 [0] : vector<256x196xf32> to vector<196xf32>
    %broadcast_in_dim3A_689 = vector.shape_cast %reduce_sum3A_688 : vector<196xf32> to vector<1x196xf32>
    %dot_general3A_690 = arith.constant dense<0.000000e+00> : vector<1024x196xf32>
    %dot_general3A_691 = tpu.matmul %get3A_1, %add3A_685, %dot_general3A_690 {dimension_numbers = #tpu.dot_dimension_numbers<[1], [0], [0], [1], [0, 0, 1, 1], [], []>, transpose_lhs_hint = false} : vector<1024x256xf32>, vector<256x196xf32>, vector<1024x196xf32> -> vector<1024x196xf32>
    %mul3A_692 = arith.constant 2.000000e+00 : f32
    %mul3A_693 = vector.broadcast %mul3A_692 : f32 to vector<1024x196xf32>
    %mul3A_694 = arith.mulf %mul3A_693, %dot_general3A_691 : vector<1024x196xf32>
    %sub3A_695 = vector.broadcast %broadcast_in_dim3A_689 : vector<1x196xf32> to vector<1024x196xf32>
    %sub3A_696 = arith.subf %sub3A_695, %mul3A_694 : vector<1024x196xf32>
    %add3A_697 = vector.broadcast %broadcast_in_dim3A : vector<1024x1xf32> to vector<1024x196xf32>
    %add3A_698 = arith.addf %sub3A_696, %add3A_697 : vector<1024x196xf32>
    %reduce_min3A_699 = arith.constant dense<0x7F800000> : vector<196xf32>
    %reduce_min3A_700 = vector.multi_reduction <minimumf>, %add3A_698, %reduce_min3A_699 [0] : vector<1024x196xf32> to vector<196xf32>
    %broadcast_in_dim3A_701 = vector.shape_cast %reduce_min3A_700 : vector<196xf32> to vector<1x196xf32>
    %iota3A_702 = tpu.iota {dimensions = array<i32: 0>} : vector<1024x196xi32>
    %eq3A_703 = vector.broadcast %broadcast_in_dim3A_701 : vector<1x196xf32> to vector<1024x196xf32>
    %eq3A_704 = arith.cmpf oeq, %add3A_698, %eq3A_703 : vector<1024x196xf32>
    %jit3A_705 = arith.constant 1024 : i32
    %broadcast_in_dim3A_706 = vector.broadcast %jit3A_705 : i32 to vector<1024x196xi32>
    %select_n3A_707 = arith.select %eq3A_704, %iota3A_702, %broadcast_in_dim3A_706 : vector<1024x196xi1>, vector<1024x196xi32>
    %reduce_min3A_708 = arith.constant dense<2147483647> : vector<196xi32>
    %reduce_min3A_709 = vector.multi_reduction <minsi>, %select_n3A_707, %reduce_min3A_708 [0] : vector<1024x196xi32> to vector<196xi32>
    %get3A_710 = arith.constant 576 : index
    %get3A_711 = arith.constant 0 : index
    %get3A_712 = vector.load %arg1[%get3A_710, %get3A_711] : memref<1536x196xf32, #tpu.memory_space<vmem>>, vector<192x196xf32>
    %get3A_713 = arith.constant 0 : index
    %get3A_714 = arith.constant 0 : index
    %get3A_715 = vector.load %arg2[%get3A_713, %get3A_714] : memref<256x192xf32, #tpu.memory_space<vmem>>, vector<256x192xf32>
    %dot_general3A_716 = arith.constant dense<0.000000e+00> : vector<256x196xf32>
    %dot_general3A_717 = tpu.matmul %get3A_715, %get3A_712, %dot_general3A_716 {dimension_numbers = #tpu.dot_dimension_numbers<[1], [0], [0], [1], [0, 0, 1, 1], [], []>, transpose_lhs_hint = false} : vector<256x192xf32>, vector<192x196xf32>, vector<256x196xf32> -> vector<256x196xf32>
    %get3A_718 = arith.constant 0 : index
    %get3A_719 = arith.constant 0 : index
    %get3A_720 = vector.load %arg3[%get3A_718, %get3A_719] : memref<256x1xf32, #tpu.memory_space<vmem>>, vector<256x1xf32>
    %add3A_721 = vector.broadcast %get3A_720 : vector<256x1xf32> to vector<256x196xf32>
    %add3A_722 = arith.addf %dot_general3A_717, %add3A_721 : vector<256x196xf32>
    %max3A_723 = arith.constant 0.000000e+00 : f32
    %max3A_724 = vector.broadcast %max3A_723 : f32 to vector<256x196xf32>
    %max3A_725 = arith.maximumf %add3A_722, %max3A_724 : vector<256x196xf32>
    %get3A_726 = arith.constant 0 : index
    %get3A_727 = arith.constant 0 : index
    %get3A_728 = vector.load %arg4[%get3A_726, %get3A_727] : memref<256x256xf32, #tpu.memory_space<vmem>>, vector<256x256xf32>
    %dot_general3A_729 = arith.constant dense<0.000000e+00> : vector<256x196xf32>
    %dot_general3A_730 = tpu.matmul %get3A_728, %max3A_725, %dot_general3A_729 {dimension_numbers = #tpu.dot_dimension_numbers<[1], [0], [0], [1], [0, 0, 1, 1], [], []>, transpose_lhs_hint = false} : vector<256x256xf32>, vector<256x196xf32>, vector<256x196xf32> -> vector<256x196xf32>
    %get3A_731 = arith.constant 0 : index
    %get3A_732 = arith.constant 0 : index
    %get3A_733 = vector.load %arg5[%get3A_731, %get3A_732] : memref<256x1xf32, #tpu.memory_space<vmem>>, vector<256x1xf32>
    %add3A_734 = vector.broadcast %get3A_733 : vector<256x1xf32> to vector<256x196xf32>
    %add3A_735 = arith.addf %dot_general3A_730, %add3A_734 : vector<256x196xf32>
    %max3A_736 = arith.constant 0.000000e+00 : f32
    %max3A_737 = vector.broadcast %max3A_736 : f32 to vector<256x196xf32>
    %max3A_738 = arith.maximumf %add3A_735, %max3A_737 : vector<256x196xf32>
    %slice3A_739 = vector.extract_strided_slice %max3A_738 {offsets = [0, 0], sizes = [32, 196], strides = [1, 1]} : vector<256x196xf32> to vector<32x196xf32>
    %reduce_sum3A_740 = arith.constant dense<0.000000e+00> : vector<196xf32>
    %reduce_sum3A_741 = vector.multi_reduction <add>, %slice3A_739, %reduce_sum3A_740 [0] : vector<32x196xf32> to vector<196xf32>
    %broadcast_in_dim3A_742 = vector.shape_cast %reduce_sum3A_741 : vector<196xf32> to vector<1x196xf32>
    %div3A_743 = arith.constant 3.200000e+01 : f32
    %div3A_744 = vector.broadcast %div3A_743 : f32 to vector<1x196xf32>
    %div3A_745 = arith.divf %broadcast_in_dim3A_742, %div3A_744 : vector<1x196xf32>
    %sub3A_746 = vector.broadcast %div3A_745 : vector<1x196xf32> to vector<32x196xf32>
    %sub3A_747 = arith.subf %slice3A_739, %sub3A_746 : vector<32x196xf32>
    %mul3A_748 = arith.mulf %sub3A_747, %sub3A_747 : vector<32x196xf32>
    %reduce_sum3A_749 = arith.constant dense<0.000000e+00> : vector<196xf32>
    %reduce_sum3A_750 = vector.multi_reduction <add>, %mul3A_748, %reduce_sum3A_749 [0] : vector<32x196xf32> to vector<196xf32>
    %broadcast_in_dim3A_751 = vector.shape_cast %reduce_sum3A_750 : vector<196xf32> to vector<1x196xf32>
    %div3A_752 = arith.constant 3.200000e+01 : f32
    %div3A_753 = vector.broadcast %div3A_752 : f32 to vector<1x196xf32>
    %div3A_754 = arith.divf %broadcast_in_dim3A_751, %div3A_753 : vector<1x196xf32>
    %add3A_755 = arith.constant 9.99999974E-6 : f32
    %add3A_756 = vector.broadcast %add3A_755 : f32 to vector<1x196xf32>
    %add3A_757 = arith.addf %div3A_754, %add3A_756 : vector<1x196xf32>
    %rsqrt3A_758 = math.rsqrt %add3A_757 : vector<1x196xf32>
    %mul3A_759 = vector.broadcast %rsqrt3A_758 : vector<1x196xf32> to vector<32x196xf32>
    %mul3A_760 = arith.mulf %sub3A_747, %mul3A_759 : vector<32x196xf32>
    %slice3A_761 = vector.extract_strided_slice %max3A_738 {offsets = [32, 0], sizes = [32, 196], strides = [1, 1]} : vector<256x196xf32> to vector<32x196xf32>
    %reduce_sum3A_762 = arith.constant dense<0.000000e+00> : vector<196xf32>
    %reduce_sum3A_763 = vector.multi_reduction <add>, %slice3A_761, %reduce_sum3A_762 [0] : vector<32x196xf32> to vector<196xf32>
    %broadcast_in_dim3A_764 = vector.shape_cast %reduce_sum3A_763 : vector<196xf32> to vector<1x196xf32>
    %div3A_765 = arith.constant 3.200000e+01 : f32
    %div3A_766 = vector.broadcast %div3A_765 : f32 to vector<1x196xf32>
    %div3A_767 = arith.divf %broadcast_in_dim3A_764, %div3A_766 : vector<1x196xf32>
    %sub3A_768 = vector.broadcast %div3A_767 : vector<1x196xf32> to vector<32x196xf32>
    %sub3A_769 = arith.subf %slice3A_761, %sub3A_768 : vector<32x196xf32>
    %mul3A_770 = arith.mulf %sub3A_769, %sub3A_769 : vector<32x196xf32>
    %reduce_sum3A_771 = arith.constant dense<0.000000e+00> : vector<196xf32>
    %reduce_sum3A_772 = vector.multi_reduction <add>, %mul3A_770, %reduce_sum3A_771 [0] : vector<32x196xf32> to vector<196xf32>
    %broadcast_in_dim3A_773 = vector.shape_cast %reduce_sum3A_772 : vector<196xf32> to vector<1x196xf32>
    %div3A_774 = arith.constant 3.200000e+01 : f32
    %div3A_775 = vector.broadcast %div3A_774 : f32 to vector<1x196xf32>
    %div3A_776 = arith.divf %broadcast_in_dim3A_773, %div3A_775 : vector<1x196xf32>
    %add3A_777 = arith.constant 9.99999974E-6 : f32
    %add3A_778 = vector.broadcast %add3A_777 : f32 to vector<1x196xf32>
    %add3A_779 = arith.addf %div3A_776, %add3A_778 : vector<1x196xf32>
    %rsqrt3A_780 = math.rsqrt %add3A_779 : vector<1x196xf32>
    %mul3A_781 = vector.broadcast %rsqrt3A_780 : vector<1x196xf32> to vector<32x196xf32>
    %mul3A_782 = arith.mulf %sub3A_769, %mul3A_781 : vector<32x196xf32>
    %slice3A_783 = vector.extract_strided_slice %max3A_738 {offsets = [64, 0], sizes = [32, 196], strides = [1, 1]} : vector<256x196xf32> to vector<32x196xf32>
    %reduce_sum3A_784 = arith.constant dense<0.000000e+00> : vector<196xf32>
    %reduce_sum3A_785 = vector.multi_reduction <add>, %slice3A_783, %reduce_sum3A_784 [0] : vector<32x196xf32> to vector<196xf32>
    %broadcast_in_dim3A_786 = vector.shape_cast %reduce_sum3A_785 : vector<196xf32> to vector<1x196xf32>
    %div3A_787 = arith.constant 3.200000e+01 : f32
    %div3A_788 = vector.broadcast %div3A_787 : f32 to vector<1x196xf32>
    %div3A_789 = arith.divf %broadcast_in_dim3A_786, %div3A_788 : vector<1x196xf32>
    %sub3A_790 = vector.broadcast %div3A_789 : vector<1x196xf32> to vector<32x196xf32>
    %sub3A_791 = arith.subf %slice3A_783, %sub3A_790 : vector<32x196xf32>
    %mul3A_792 = arith.mulf %sub3A_791, %sub3A_791 : vector<32x196xf32>
    %reduce_sum3A_793 = arith.constant dense<0.000000e+00> : vector<196xf32>
    %reduce_sum3A_794 = vector.multi_reduction <add>, %mul3A_792, %reduce_sum3A_793 [0] : vector<32x196xf32> to vector<196xf32>
    %broadcast_in_dim3A_795 = vector.shape_cast %reduce_sum3A_794 : vector<196xf32> to vector<1x196xf32>
    %div3A_796 = arith.constant 3.200000e+01 : f32
    %div3A_797 = vector.broadcast %div3A_796 : f32 to vector<1x196xf32>
    %div3A_798 = arith.divf %broadcast_in_dim3A_795, %div3A_797 : vector<1x196xf32>
    %add3A_799 = arith.constant 9.99999974E-6 : f32
    %add3A_800 = vector.broadcast %add3A_799 : f32 to vector<1x196xf32>
    %add3A_801 = arith.addf %div3A_798, %add3A_800 : vector<1x196xf32>
    %rsqrt3A_802 = math.rsqrt %add3A_801 : vector<1x196xf32>
    %mul3A_803 = vector.broadcast %rsqrt3A_802 : vector<1x196xf32> to vector<32x196xf32>
    %mul3A_804 = arith.mulf %sub3A_791, %mul3A_803 : vector<32x196xf32>
    %slice3A_805 = vector.extract_strided_slice %max3A_738 {offsets = [96, 0], sizes = [32, 196], strides = [1, 1]} : vector<256x196xf32> to vector<32x196xf32>
    %reduce_sum3A_806 = arith.constant dense<0.000000e+00> : vector<196xf32>
    %reduce_sum3A_807 = vector.multi_reduction <add>, %slice3A_805, %reduce_sum3A_806 [0] : vector<32x196xf32> to vector<196xf32>
    %broadcast_in_dim3A_808 = vector.shape_cast %reduce_sum3A_807 : vector<196xf32> to vector<1x196xf32>
    %div3A_809 = arith.constant 3.200000e+01 : f32
    %div3A_810 = vector.broadcast %div3A_809 : f32 to vector<1x196xf32>
    %div3A_811 = arith.divf %broadcast_in_dim3A_808, %div3A_810 : vector<1x196xf32>
    %sub3A_812 = vector.broadcast %div3A_811 : vector<1x196xf32> to vector<32x196xf32>
    %sub3A_813 = arith.subf %slice3A_805, %sub3A_812 : vector<32x196xf32>
    %mul3A_814 = arith.mulf %sub3A_813, %sub3A_813 : vector<32x196xf32>
    %reduce_sum3A_815 = arith.constant dense<0.000000e+00> : vector<196xf32>
    %reduce_sum3A_816 = vector.multi_reduction <add>, %mul3A_814, %reduce_sum3A_815 [0] : vector<32x196xf32> to vector<196xf32>
    %broadcast_in_dim3A_817 = vector.shape_cast %reduce_sum3A_816 : vector<196xf32> to vector<1x196xf32>
    %div3A_818 = arith.constant 3.200000e+01 : f32
    %div3A_819 = vector.broadcast %div3A_818 : f32 to vector<1x196xf32>
    %div3A_820 = arith.divf %broadcast_in_dim3A_817, %div3A_819 : vector<1x196xf32>
    %add3A_821 = arith.constant 9.99999974E-6 : f32
    %add3A_822 = vector.broadcast %add3A_821 : f32 to vector<1x196xf32>
    %add3A_823 = arith.addf %div3A_820, %add3A_822 : vector<1x196xf32>
    %rsqrt3A_824 = math.rsqrt %add3A_823 : vector<1x196xf32>
    %mul3A_825 = vector.broadcast %rsqrt3A_824 : vector<1x196xf32> to vector<32x196xf32>
    %mul3A_826 = arith.mulf %sub3A_813, %mul3A_825 : vector<32x196xf32>
    %slice3A_827 = vector.extract_strided_slice %max3A_738 {offsets = [128, 0], sizes = [32, 196], strides = [1, 1]} : vector<256x196xf32> to vector<32x196xf32>
    %reduce_sum3A_828 = arith.constant dense<0.000000e+00> : vector<196xf32>
    %reduce_sum3A_829 = vector.multi_reduction <add>, %slice3A_827, %reduce_sum3A_828 [0] : vector<32x196xf32> to vector<196xf32>
    %broadcast_in_dim3A_830 = vector.shape_cast %reduce_sum3A_829 : vector<196xf32> to vector<1x196xf32>
    %div3A_831 = arith.constant 3.200000e+01 : f32
    %div3A_832 = vector.broadcast %div3A_831 : f32 to vector<1x196xf32>
    %div3A_833 = arith.divf %broadcast_in_dim3A_830, %div3A_832 : vector<1x196xf32>
    %sub3A_834 = vector.broadcast %div3A_833 : vector<1x196xf32> to vector<32x196xf32>
    %sub3A_835 = arith.subf %slice3A_827, %sub3A_834 : vector<32x196xf32>
    %mul3A_836 = arith.mulf %sub3A_835, %sub3A_835 : vector<32x196xf32>
    %reduce_sum3A_837 = arith.constant dense<0.000000e+00> : vector<196xf32>
    %reduce_sum3A_838 = vector.multi_reduction <add>, %mul3A_836, %reduce_sum3A_837 [0] : vector<32x196xf32> to vector<196xf32>
    %broadcast_in_dim3A_839 = vector.shape_cast %reduce_sum3A_838 : vector<196xf32> to vector<1x196xf32>
    %div3A_840 = arith.constant 3.200000e+01 : f32
    %div3A_841 = vector.broadcast %div3A_840 : f32 to vector<1x196xf32>
    %div3A_842 = arith.divf %broadcast_in_dim3A_839, %div3A_841 : vector<1x196xf32>
    %add3A_843 = arith.constant 9.99999974E-6 : f32
    %add3A_844 = vector.broadcast %add3A_843 : f32 to vector<1x196xf32>
    %add3A_845 = arith.addf %div3A_842, %add3A_844 : vector<1x196xf32>
    %rsqrt3A_846 = math.rsqrt %add3A_845 : vector<1x196xf32>
    %mul3A_847 = vector.broadcast %rsqrt3A_846 : vector<1x196xf32> to vector<32x196xf32>
    %mul3A_848 = arith.mulf %sub3A_835, %mul3A_847 : vector<32x196xf32>
    %slice3A_849 = vector.extract_strided_slice %max3A_738 {offsets = [160, 0], sizes = [32, 196], strides = [1, 1]} : vector<256x196xf32> to vector<32x196xf32>
    %reduce_sum3A_850 = arith.constant dense<0.000000e+00> : vector<196xf32>
    %reduce_sum3A_851 = vector.multi_reduction <add>, %slice3A_849, %reduce_sum3A_850 [0] : vector<32x196xf32> to vector<196xf32>
    %broadcast_in_dim3A_852 = vector.shape_cast %reduce_sum3A_851 : vector<196xf32> to vector<1x196xf32>
    %div3A_853 = arith.constant 3.200000e+01 : f32
    %div3A_854 = vector.broadcast %div3A_853 : f32 to vector<1x196xf32>
    %div3A_855 = arith.divf %broadcast_in_dim3A_852, %div3A_854 : vector<1x196xf32>
    %sub3A_856 = vector.broadcast %div3A_855 : vector<1x196xf32> to vector<32x196xf32>
    %sub3A_857 = arith.subf %slice3A_849, %sub3A_856 : vector<32x196xf32>
    %mul3A_858 = arith.mulf %sub3A_857, %sub3A_857 : vector<32x196xf32>
    %reduce_sum3A_859 = arith.constant dense<0.000000e+00> : vector<196xf32>
    %reduce_sum3A_860 = vector.multi_reduction <add>, %mul3A_858, %reduce_sum3A_859 [0] : vector<32x196xf32> to vector<196xf32>
    %broadcast_in_dim3A_861 = vector.shape_cast %reduce_sum3A_860 : vector<196xf32> to vector<1x196xf32>
    %div3A_862 = arith.constant 3.200000e+01 : f32
    %div3A_863 = vector.broadcast %div3A_862 : f32 to vector<1x196xf32>
    %div3A_864 = arith.divf %broadcast_in_dim3A_861, %div3A_863 : vector<1x196xf32>
    %add3A_865 = arith.constant 9.99999974E-6 : f32
    %add3A_866 = vector.broadcast %add3A_865 : f32 to vector<1x196xf32>
    %add3A_867 = arith.addf %div3A_864, %add3A_866 : vector<1x196xf32>
    %rsqrt3A_868 = math.rsqrt %add3A_867 : vector<1x196xf32>
    %mul3A_869 = vector.broadcast %rsqrt3A_868 : vector<1x196xf32> to vector<32x196xf32>
    %mul3A_870 = arith.mulf %sub3A_857, %mul3A_869 : vector<32x196xf32>
    %slice3A_871 = vector.extract_strided_slice %max3A_738 {offsets = [192, 0], sizes = [32, 196], strides = [1, 1]} : vector<256x196xf32> to vector<32x196xf32>
    %reduce_sum3A_872 = arith.constant dense<0.000000e+00> : vector<196xf32>
    %reduce_sum3A_873 = vector.multi_reduction <add>, %slice3A_871, %reduce_sum3A_872 [0] : vector<32x196xf32> to vector<196xf32>
    %broadcast_in_dim3A_874 = vector.shape_cast %reduce_sum3A_873 : vector<196xf32> to vector<1x196xf32>
    %div3A_875 = arith.constant 3.200000e+01 : f32
    %div3A_876 = vector.broadcast %div3A_875 : f32 to vector<1x196xf32>
    %div3A_877 = arith.divf %broadcast_in_dim3A_874, %div3A_876 : vector<1x196xf32>
    %sub3A_878 = vector.broadcast %div3A_877 : vector<1x196xf32> to vector<32x196xf32>
    %sub3A_879 = arith.subf %slice3A_871, %sub3A_878 : vector<32x196xf32>
    %mul3A_880 = arith.mulf %sub3A_879, %sub3A_879 : vector<32x196xf32>
    %reduce_sum3A_881 = arith.constant dense<0.000000e+00> : vector<196xf32>
    %reduce_sum3A_882 = vector.multi_reduction <add>, %mul3A_880, %reduce_sum3A_881 [0] : vector<32x196xf32> to vector<196xf32>
    %broadcast_in_dim3A_883 = vector.shape_cast %reduce_sum3A_882 : vector<196xf32> to vector<1x196xf32>
    %div3A_884 = arith.constant 3.200000e+01 : f32
    %div3A_885 = vector.broadcast %div3A_884 : f32 to vector<1x196xf32>
    %div3A_886 = arith.divf %broadcast_in_dim3A_883, %div3A_885 : vector<1x196xf32>
    %add3A_887 = arith.constant 9.99999974E-6 : f32
    %add3A_888 = vector.broadcast %add3A_887 : f32 to vector<1x196xf32>
    %add3A_889 = arith.addf %div3A_886, %add3A_888 : vector<1x196xf32>
    %rsqrt3A_890 = math.rsqrt %add3A_889 : vector<1x196xf32>
    %mul3A_891 = vector.broadcast %rsqrt3A_890 : vector<1x196xf32> to vector<32x196xf32>
    %mul3A_892 = arith.mulf %sub3A_879, %mul3A_891 : vector<32x196xf32>
    %slice3A_893 = vector.extract_strided_slice %max3A_738 {offsets = [224, 0], sizes = [32, 196], strides = [1, 1]} : vector<256x196xf32> to vector<32x196xf32>
    %reduce_sum3A_894 = arith.constant dense<0.000000e+00> : vector<196xf32>
    %reduce_sum3A_895 = vector.multi_reduction <add>, %slice3A_893, %reduce_sum3A_894 [0] : vector<32x196xf32> to vector<196xf32>
    %broadcast_in_dim3A_896 = vector.shape_cast %reduce_sum3A_895 : vector<196xf32> to vector<1x196xf32>
    %div3A_897 = arith.constant 3.200000e+01 : f32
    %div3A_898 = vector.broadcast %div3A_897 : f32 to vector<1x196xf32>
    %div3A_899 = arith.divf %broadcast_in_dim3A_896, %div3A_898 : vector<1x196xf32>
    %sub3A_900 = vector.broadcast %div3A_899 : vector<1x196xf32> to vector<32x196xf32>
    %sub3A_901 = arith.subf %slice3A_893, %sub3A_900 : vector<32x196xf32>
    %mul3A_902 = arith.mulf %sub3A_901, %sub3A_901 : vector<32x196xf32>
    %reduce_sum3A_903 = arith.constant dense<0.000000e+00> : vector<196xf32>
    %reduce_sum3A_904 = vector.multi_reduction <add>, %mul3A_902, %reduce_sum3A_903 [0] : vector<32x196xf32> to vector<196xf32>
    %broadcast_in_dim3A_905 = vector.shape_cast %reduce_sum3A_904 : vector<196xf32> to vector<1x196xf32>
    %div3A_906 = arith.constant 3.200000e+01 : f32
    %div3A_907 = vector.broadcast %div3A_906 : f32 to vector<1x196xf32>
    %div3A_908 = arith.divf %broadcast_in_dim3A_905, %div3A_907 : vector<1x196xf32>
    %add3A_909 = arith.constant 9.99999974E-6 : f32
    %add3A_910 = vector.broadcast %add3A_909 : f32 to vector<1x196xf32>
    %add3A_911 = arith.addf %div3A_908, %add3A_910 : vector<1x196xf32>
    %rsqrt3A_912 = math.rsqrt %add3A_911 : vector<1x196xf32>
    %mul3A_913 = vector.broadcast %rsqrt3A_912 : vector<1x196xf32> to vector<32x196xf32>
    %mul3A_914 = arith.mulf %sub3A_901, %mul3A_913 : vector<32x196xf32>
    %concatenate3A_915 = tpu.concatenate %mul3A_760, %mul3A_782, %mul3A_804, %mul3A_826, %mul3A_848, %mul3A_870, %mul3A_892, %mul3A_914 in 0 : vector<32x196xf32>, vector<32x196xf32>, vector<32x196xf32>, vector<32x196xf32>, vector<32x196xf32>, vector<32x196xf32>, vector<32x196xf32>, vector<32x196xf32> -> vector<256x196xf32>
    %get3A_916 = arith.constant 0 : index
    %get3A_917 = arith.constant 0 : index
    %get3A_918 = vector.load %arg6[%get3A_916, %get3A_917] : memref<256x1xf32, #tpu.memory_space<vmem>>, vector<256x1xf32>
    %mul3A_919 = vector.broadcast %get3A_918 : vector<256x1xf32> to vector<256x196xf32>
    %mul3A_920 = arith.mulf %concatenate3A_915, %mul3A_919 : vector<256x196xf32>
    %get3A_921 = arith.constant 0 : index
    %get3A_922 = arith.constant 0 : index
    %get3A_923 = vector.load %arg7[%get3A_921, %get3A_922] : memref<256x1xf32, #tpu.memory_space<vmem>>, vector<256x1xf32>
    %add3A_924 = vector.broadcast %get3A_923 : vector<256x1xf32> to vector<256x196xf32>
    %add3A_925 = arith.addf %mul3A_920, %add3A_924 : vector<256x196xf32>
    %mul3A_926 = arith.mulf %add3A_925, %add3A_925 : vector<256x196xf32>
    %reduce_sum3A_927 = arith.constant dense<0.000000e+00> : vector<196xf32>
    %reduce_sum3A_928 = vector.multi_reduction <add>, %mul3A_926, %reduce_sum3A_927 [0] : vector<256x196xf32> to vector<196xf32>
    %broadcast_in_dim3A_929 = vector.shape_cast %reduce_sum3A_928 : vector<196xf32> to vector<1x196xf32>
    %dot_general3A_930 = arith.constant dense<0.000000e+00> : vector<1024x196xf32>
    %dot_general3A_931 = tpu.matmul %get3A_1, %add3A_925, %dot_general3A_930 {dimension_numbers = #tpu.dot_dimension_numbers<[1], [0], [0], [1], [0, 0, 1, 1], [], []>, transpose_lhs_hint = false} : vector<1024x256xf32>, vector<256x196xf32>, vector<1024x196xf32> -> vector<1024x196xf32>
    %mul3A_932 = arith.constant 2.000000e+00 : f32
    %mul3A_933 = vector.broadcast %mul3A_932 : f32 to vector<1024x196xf32>
    %mul3A_934 = arith.mulf %mul3A_933, %dot_general3A_931 : vector<1024x196xf32>
    %sub3A_935 = vector.broadcast %broadcast_in_dim3A_929 : vector<1x196xf32> to vector<1024x196xf32>
    %sub3A_936 = arith.subf %sub3A_935, %mul3A_934 : vector<1024x196xf32>
    %add3A_937 = vector.broadcast %broadcast_in_dim3A : vector<1024x1xf32> to vector<1024x196xf32>
    %add3A_938 = arith.addf %sub3A_936, %add3A_937 : vector<1024x196xf32>
    %reduce_min3A_939 = arith.constant dense<0x7F800000> : vector<196xf32>
    %reduce_min3A_940 = vector.multi_reduction <minimumf>, %add3A_938, %reduce_min3A_939 [0] : vector<1024x196xf32> to vector<196xf32>
    %broadcast_in_dim3A_941 = vector.shape_cast %reduce_min3A_940 : vector<196xf32> to vector<1x196xf32>
    %iota3A_942 = tpu.iota {dimensions = array<i32: 0>} : vector<1024x196xi32>
    %eq3A_943 = vector.broadcast %broadcast_in_dim3A_941 : vector<1x196xf32> to vector<1024x196xf32>
    %eq3A_944 = arith.cmpf oeq, %add3A_938, %eq3A_943 : vector<1024x196xf32>
    %jit3A_945 = arith.constant 1024 : i32
    %broadcast_in_dim3A_946 = vector.broadcast %jit3A_945 : i32 to vector<1024x196xi32>
    %select_n3A_947 = arith.select %eq3A_944, %iota3A_942, %broadcast_in_dim3A_946 : vector<1024x196xi1>, vector<1024x196xi32>
    %reduce_min3A_948 = arith.constant dense<2147483647> : vector<196xi32>
    %reduce_min3A_949 = vector.multi_reduction <minsi>, %select_n3A_947, %reduce_min3A_948 [0] : vector<1024x196xi32> to vector<196xi32>
    %get3A_950 = arith.constant 768 : index
    %get3A_951 = arith.constant 0 : index
    %get3A_952 = vector.load %arg1[%get3A_950, %get3A_951] : memref<1536x196xf32, #tpu.memory_space<vmem>>, vector<192x196xf32>
    %get3A_953 = arith.constant 0 : index
    %get3A_954 = arith.constant 0 : index
    %get3A_955 = vector.load %arg2[%get3A_953, %get3A_954] : memref<256x192xf32, #tpu.memory_space<vmem>>, vector<256x192xf32>
    %dot_general3A_956 = arith.constant dense<0.000000e+00> : vector<256x196xf32>
    %dot_general3A_957 = tpu.matmul %get3A_955, %get3A_952, %dot_general3A_956 {dimension_numbers = #tpu.dot_dimension_numbers<[1], [0], [0], [1], [0, 0, 1, 1], [], []>, transpose_lhs_hint = false} : vector<256x192xf32>, vector<192x196xf32>, vector<256x196xf32> -> vector<256x196xf32>
    %get3A_958 = arith.constant 0 : index
    %get3A_959 = arith.constant 0 : index
    %get3A_960 = vector.load %arg3[%get3A_958, %get3A_959] : memref<256x1xf32, #tpu.memory_space<vmem>>, vector<256x1xf32>
    %add3A_961 = vector.broadcast %get3A_960 : vector<256x1xf32> to vector<256x196xf32>
    %add3A_962 = arith.addf %dot_general3A_957, %add3A_961 : vector<256x196xf32>
    %max3A_963 = arith.constant 0.000000e+00 : f32
    %max3A_964 = vector.broadcast %max3A_963 : f32 to vector<256x196xf32>
    %max3A_965 = arith.maximumf %add3A_962, %max3A_964 : vector<256x196xf32>
    %get3A_966 = arith.constant 0 : index
    %get3A_967 = arith.constant 0 : index
    %get3A_968 = vector.load %arg4[%get3A_966, %get3A_967] : memref<256x256xf32, #tpu.memory_space<vmem>>, vector<256x256xf32>
    %dot_general3A_969 = arith.constant dense<0.000000e+00> : vector<256x196xf32>
    %dot_general3A_970 = tpu.matmul %get3A_968, %max3A_965, %dot_general3A_969 {dimension_numbers = #tpu.dot_dimension_numbers<[1], [0], [0], [1], [0, 0, 1, 1], [], []>, transpose_lhs_hint = false} : vector<256x256xf32>, vector<256x196xf32>, vector<256x196xf32> -> vector<256x196xf32>
    %get3A_971 = arith.constant 0 : index
    %get3A_972 = arith.constant 0 : index
    %get3A_973 = vector.load %arg5[%get3A_971, %get3A_972] : memref<256x1xf32, #tpu.memory_space<vmem>>, vector<256x1xf32>
    %add3A_974 = vector.broadcast %get3A_973 : vector<256x1xf32> to vector<256x196xf32>
    %add3A_975 = arith.addf %dot_general3A_970, %add3A_974 : vector<256x196xf32>
    %max3A_976 = arith.constant 0.000000e+00 : f32
    %max3A_977 = vector.broadcast %max3A_976 : f32 to vector<256x196xf32>
    %max3A_978 = arith.maximumf %add3A_975, %max3A_977 : vector<256x196xf32>
    %slice3A_979 = vector.extract_strided_slice %max3A_978 {offsets = [0, 0], sizes = [32, 196], strides = [1, 1]} : vector<256x196xf32> to vector<32x196xf32>
    %reduce_sum3A_980 = arith.constant dense<0.000000e+00> : vector<196xf32>
    %reduce_sum3A_981 = vector.multi_reduction <add>, %slice3A_979, %reduce_sum3A_980 [0] : vector<32x196xf32> to vector<196xf32>
    %broadcast_in_dim3A_982 = vector.shape_cast %reduce_sum3A_981 : vector<196xf32> to vector<1x196xf32>
    %div3A_983 = arith.constant 3.200000e+01 : f32
    %div3A_984 = vector.broadcast %div3A_983 : f32 to vector<1x196xf32>
    %div3A_985 = arith.divf %broadcast_in_dim3A_982, %div3A_984 : vector<1x196xf32>
    %sub3A_986 = vector.broadcast %div3A_985 : vector<1x196xf32> to vector<32x196xf32>
    %sub3A_987 = arith.subf %slice3A_979, %sub3A_986 : vector<32x196xf32>
    %mul3A_988 = arith.mulf %sub3A_987, %sub3A_987 : vector<32x196xf32>
    %reduce_sum3A_989 = arith.constant dense<0.000000e+00> : vector<196xf32>
    %reduce_sum3A_990 = vector.multi_reduction <add>, %mul3A_988, %reduce_sum3A_989 [0] : vector<32x196xf32> to vector<196xf32>
    %broadcast_in_dim3A_991 = vector.shape_cast %reduce_sum3A_990 : vector<196xf32> to vector<1x196xf32>
    %div3A_992 = arith.constant 3.200000e+01 : f32
    %div3A_993 = vector.broadcast %div3A_992 : f32 to vector<1x196xf32>
    %div3A_994 = arith.divf %broadcast_in_dim3A_991, %div3A_993 : vector<1x196xf32>
    %add3A_995 = arith.constant 9.99999974E-6 : f32
    %add3A_996 = vector.broadcast %add3A_995 : f32 to vector<1x196xf32>
    %add3A_997 = arith.addf %div3A_994, %add3A_996 : vector<1x196xf32>
    %rsqrt3A_998 = math.rsqrt %add3A_997 : vector<1x196xf32>
    %mul3A_999 = vector.broadcast %rsqrt3A_998 : vector<1x196xf32> to vector<32x196xf32>
    %mul3A_1000 = arith.mulf %sub3A_987, %mul3A_999 : vector<32x196xf32>
    %slice3A_1001 = vector.extract_strided_slice %max3A_978 {offsets = [32, 0], sizes = [32, 196], strides = [1, 1]} : vector<256x196xf32> to vector<32x196xf32>
    %reduce_sum3A_1002 = arith.constant dense<0.000000e+00> : vector<196xf32>
    %reduce_sum3A_1003 = vector.multi_reduction <add>, %slice3A_1001, %reduce_sum3A_1002 [0] : vector<32x196xf32> to vector<196xf32>
    %broadcast_in_dim3A_1004 = vector.shape_cast %reduce_sum3A_1003 : vector<196xf32> to vector<1x196xf32>
    %div3A_1005 = arith.constant 3.200000e+01 : f32
    %div3A_1006 = vector.broadcast %div3A_1005 : f32 to vector<1x196xf32>
    %div3A_1007 = arith.divf %broadcast_in_dim3A_1004, %div3A_1006 : vector<1x196xf32>
    %sub3A_1008 = vector.broadcast %div3A_1007 : vector<1x196xf32> to vector<32x196xf32>
    %sub3A_1009 = arith.subf %slice3A_1001, %sub3A_1008 : vector<32x196xf32>
    %mul3A_1010 = arith.mulf %sub3A_1009, %sub3A_1009 : vector<32x196xf32>
    %reduce_sum3A_1011 = arith.constant dense<0.000000e+00> : vector<196xf32>
    %reduce_sum3A_1012 = vector.multi_reduction <add>, %mul3A_1010, %reduce_sum3A_1011 [0] : vector<32x196xf32> to vector<196xf32>
    %broadcast_in_dim3A_1013 = vector.shape_cast %reduce_sum3A_1012 : vector<196xf32> to vector<1x196xf32>
    %div3A_1014 = arith.constant 3.200000e+01 : f32
    %div3A_1015 = vector.broadcast %div3A_1014 : f32 to vector<1x196xf32>
    %div3A_1016 = arith.divf %broadcast_in_dim3A_1013, %div3A_1015 : vector<1x196xf32>
    %add3A_1017 = arith.constant 9.99999974E-6 : f32
    %add3A_1018 = vector.broadcast %add3A_1017 : f32 to vector<1x196xf32>
    %add3A_1019 = arith.addf %div3A_1016, %add3A_1018 : vector<1x196xf32>
    %rsqrt3A_1020 = math.rsqrt %add3A_1019 : vector<1x196xf32>
    %mul3A_1021 = vector.broadcast %rsqrt3A_1020 : vector<1x196xf32> to vector<32x196xf32>
    %mul3A_1022 = arith.mulf %sub3A_1009, %mul3A_1021 : vector<32x196xf32>
    %slice3A_1023 = vector.extract_strided_slice %max3A_978 {offsets = [64, 0], sizes = [32, 196], strides = [1, 1]} : vector<256x196xf32> to vector<32x196xf32>
    %reduce_sum3A_1024 = arith.constant dense<0.000000e+00> : vector<196xf32>
    %reduce_sum3A_1025 = vector.multi_reduction <add>, %slice3A_1023, %reduce_sum3A_1024 [0] : vector<32x196xf32> to vector<196xf32>
    %broadcast_in_dim3A_1026 = vector.shape_cast %reduce_sum3A_1025 : vector<196xf32> to vector<1x196xf32>
    %div3A_1027 = arith.constant 3.200000e+01 : f32
    %div3A_1028 = vector.broadcast %div3A_1027 : f32 to vector<1x196xf32>
    %div3A_1029 = arith.divf %broadcast_in_dim3A_1026, %div3A_1028 : vector<1x196xf32>
    %sub3A_1030 = vector.broadcast %div3A_1029 : vector<1x196xf32> to vector<32x196xf32>
    %sub3A_1031 = arith.subf %slice3A_1023, %sub3A_1030 : vector<32x196xf32>
    %mul3A_1032 = arith.mulf %sub3A_1031, %sub3A_1031 : vector<32x196xf32>
    %reduce_sum3A_1033 = arith.constant dense<0.000000e+00> : vector<196xf32>
    %reduce_sum3A_1034 = vector.multi_reduction <add>, %mul3A_1032, %reduce_sum3A_1033 [0] : vector<32x196xf32> to vector<196xf32>
    %broadcast_in_dim3A_1035 = vector.shape_cast %reduce_sum3A_1034 : vector<196xf32> to vector<1x196xf32>
    %div3A_1036 = arith.constant 3.200000e+01 : f32
    %div3A_1037 = vector.broadcast %div3A_1036 : f32 to vector<1x196xf32>
    %div3A_1038 = arith.divf %broadcast_in_dim3A_1035, %div3A_1037 : vector<1x196xf32>
    %add3A_1039 = arith.constant 9.99999974E-6 : f32
    %add3A_1040 = vector.broadcast %add3A_1039 : f32 to vector<1x196xf32>
    %add3A_1041 = arith.addf %div3A_1038, %add3A_1040 : vector<1x196xf32>
    %rsqrt3A_1042 = math.rsqrt %add3A_1041 : vector<1x196xf32>
    %mul3A_1043 = vector.broadcast %rsqrt3A_1042 : vector<1x196xf32> to vector<32x196xf32>
    %mul3A_1044 = arith.mulf %sub3A_1031, %mul3A_1043 : vector<32x196xf32>
    %slice3A_1045 = vector.extract_strided_slice %max3A_978 {offsets = [96, 0], sizes = [32, 196], strides = [1, 1]} : vector<256x196xf32> to vector<32x196xf32>
    %reduce_sum3A_1046 = arith.constant dense<0.000000e+00> : vector<196xf32>
    %reduce_sum3A_1047 = vector.multi_reduction <add>, %slice3A_1045, %reduce_sum3A_1046 [0] : vector<32x196xf32> to vector<196xf32>
    %broadcast_in_dim3A_1048 = vector.shape_cast %reduce_sum3A_1047 : vector<196xf32> to vector<1x196xf32>
    %div3A_1049 = arith.constant 3.200000e+01 : f32
    %div3A_1050 = vector.broadcast %div3A_1049 : f32 to vector<1x196xf32>
    %div3A_1051 = arith.divf %broadcast_in_dim3A_1048, %div3A_1050 : vector<1x196xf32>
    %sub3A_1052 = vector.broadcast %div3A_1051 : vector<1x196xf32> to vector<32x196xf32>
    %sub3A_1053 = arith.subf %slice3A_1045, %sub3A_1052 : vector<32x196xf32>
    %mul3A_1054 = arith.mulf %sub3A_1053, %sub3A_1053 : vector<32x196xf32>
    %reduce_sum3A_1055 = arith.constant dense<0.000000e+00> : vector<196xf32>
    %reduce_sum3A_1056 = vector.multi_reduction <add>, %mul3A_1054, %reduce_sum3A_1055 [0] : vector<32x196xf32> to vector<196xf32>
    %broadcast_in_dim3A_1057 = vector.shape_cast %reduce_sum3A_1056 : vector<196xf32> to vector<1x196xf32>
    %div3A_1058 = arith.constant 3.200000e+01 : f32
    %div3A_1059 = vector.broadcast %div3A_1058 : f32 to vector<1x196xf32>
    %div3A_1060 = arith.divf %broadcast_in_dim3A_1057, %div3A_1059 : vector<1x196xf32>
    %add3A_1061 = arith.constant 9.99999974E-6 : f32
    %add3A_1062 = vector.broadcast %add3A_1061 : f32 to vector<1x196xf32>
    %add3A_1063 = arith.addf %div3A_1060, %add3A_1062 : vector<1x196xf32>
    %rsqrt3A_1064 = math.rsqrt %add3A_1063 : vector<1x196xf32>
    %mul3A_1065 = vector.broadcast %rsqrt3A_1064 : vector<1x196xf32> to vector<32x196xf32>
    %mul3A_1066 = arith.mulf %sub3A_1053, %mul3A_1065 : vector<32x196xf32>
    %slice3A_1067 = vector.extract_strided_slice %max3A_978 {offsets = [128, 0], sizes = [32, 196], strides = [1, 1]} : vector<256x196xf32> to vector<32x196xf32>
    %reduce_sum3A_1068 = arith.constant dense<0.000000e+00> : vector<196xf32>
    %reduce_sum3A_1069 = vector.multi_reduction <add>, %slice3A_1067, %reduce_sum3A_1068 [0] : vector<32x196xf32> to vector<196xf32>
    %broadcast_in_dim3A_1070 = vector.shape_cast %reduce_sum3A_1069 : vector<196xf32> to vector<1x196xf32>
    %div3A_1071 = arith.constant 3.200000e+01 : f32
    %div3A_1072 = vector.broadcast %div3A_1071 : f32 to vector<1x196xf32>
    %div3A_1073 = arith.divf %broadcast_in_dim3A_1070, %div3A_1072 : vector<1x196xf32>
    %sub3A_1074 = vector.broadcast %div3A_1073 : vector<1x196xf32> to vector<32x196xf32>
    %sub3A_1075 = arith.subf %slice3A_1067, %sub3A_1074 : vector<32x196xf32>
    %mul3A_1076 = arith.mulf %sub3A_1075, %sub3A_1075 : vector<32x196xf32>
    %reduce_sum3A_1077 = arith.constant dense<0.000000e+00> : vector<196xf32>
    %reduce_sum3A_1078 = vector.multi_reduction <add>, %mul3A_1076, %reduce_sum3A_1077 [0] : vector<32x196xf32> to vector<196xf32>
    %broadcast_in_dim3A_1079 = vector.shape_cast %reduce_sum3A_1078 : vector<196xf32> to vector<1x196xf32>
    %div3A_1080 = arith.constant 3.200000e+01 : f32
    %div3A_1081 = vector.broadcast %div3A_1080 : f32 to vector<1x196xf32>
    %div3A_1082 = arith.divf %broadcast_in_dim3A_1079, %div3A_1081 : vector<1x196xf32>
    %add3A_1083 = arith.constant 9.99999974E-6 : f32
    %add3A_1084 = vector.broadcast %add3A_1083 : f32 to vector<1x196xf32>
    %add3A_1085 = arith.addf %div3A_1082, %add3A_1084 : vector<1x196xf32>
    %rsqrt3A_1086 = math.rsqrt %add3A_1085 : vector<1x196xf32>
    %mul3A_1087 = vector.broadcast %rsqrt3A_1086 : vector<1x196xf32> to vector<32x196xf32>
    %mul3A_1088 = arith.mulf %sub3A_1075, %mul3A_1087 : vector<32x196xf32>
    %slice3A_1089 = vector.extract_strided_slice %max3A_978 {offsets = [160, 0], sizes = [32, 196], strides = [1, 1]} : vector<256x196xf32> to vector<32x196xf32>
    %reduce_sum3A_1090 = arith.constant dense<0.000000e+00> : vector<196xf32>
    %reduce_sum3A_1091 = vector.multi_reduction <add>, %slice3A_1089, %reduce_sum3A_1090 [0] : vector<32x196xf32> to vector<196xf32>
    %broadcast_in_dim3A_1092 = vector.shape_cast %reduce_sum3A_1091 : vector<196xf32> to vector<1x196xf32>
    %div3A_1093 = arith.constant 3.200000e+01 : f32
    %div3A_1094 = vector.broadcast %div3A_1093 : f32 to vector<1x196xf32>
    %div3A_1095 = arith.divf %broadcast_in_dim3A_1092, %div3A_1094 : vector<1x196xf32>
    %sub3A_1096 = vector.broadcast %div3A_1095 : vector<1x196xf32> to vector<32x196xf32>
    %sub3A_1097 = arith.subf %slice3A_1089, %sub3A_1096 : vector<32x196xf32>
    %mul3A_1098 = arith.mulf %sub3A_1097, %sub3A_1097 : vector<32x196xf32>
    %reduce_sum3A_1099 = arith.constant dense<0.000000e+00> : vector<196xf32>
    %reduce_sum3A_1100 = vector.multi_reduction <add>, %mul3A_1098, %reduce_sum3A_1099 [0] : vector<32x196xf32> to vector<196xf32>
    %broadcast_in_dim3A_1101 = vector.shape_cast %reduce_sum3A_1100 : vector<196xf32> to vector<1x196xf32>
    %div3A_1102 = arith.constant 3.200000e+01 : f32
    %div3A_1103 = vector.broadcast %div3A_1102 : f32 to vector<1x196xf32>
    %div3A_1104 = arith.divf %broadcast_in_dim3A_1101, %div3A_1103 : vector<1x196xf32>
    %add3A_1105 = arith.constant 9.99999974E-6 : f32
    %add3A_1106 = vector.broadcast %add3A_1105 : f32 to vector<1x196xf32>
    %add3A_1107 = arith.addf %div3A_1104, %add3A_1106 : vector<1x196xf32>
    %rsqrt3A_1108 = math.rsqrt %add3A_1107 : vector<1x196xf32>
    %mul3A_1109 = vector.broadcast %rsqrt3A_1108 : vector<1x196xf32> to vector<32x196xf32>
    %mul3A_1110 = arith.mulf %sub3A_1097, %mul3A_1109 : vector<32x196xf32>
    %slice3A_1111 = vector.extract_strided_slice %max3A_978 {offsets = [192, 0], sizes = [32, 196], strides = [1, 1]} : vector<256x196xf32> to vector<32x196xf32>
    %reduce_sum3A_1112 = arith.constant dense<0.000000e+00> : vector<196xf32>
    %reduce_sum3A_1113 = vector.multi_reduction <add>, %slice3A_1111, %reduce_sum3A_1112 [0] : vector<32x196xf32> to vector<196xf32>
    %broadcast_in_dim3A_1114 = vector.shape_cast %reduce_sum3A_1113 : vector<196xf32> to vector<1x196xf32>
    %div3A_1115 = arith.constant 3.200000e+01 : f32
    %div3A_1116 = vector.broadcast %div3A_1115 : f32 to vector<1x196xf32>
    %div3A_1117 = arith.divf %broadcast_in_dim3A_1114, %div3A_1116 : vector<1x196xf32>
    %sub3A_1118 = vector.broadcast %div3A_1117 : vector<1x196xf32> to vector<32x196xf32>
    %sub3A_1119 = arith.subf %slice3A_1111, %sub3A_1118 : vector<32x196xf32>
    %mul3A_1120 = arith.mulf %sub3A_1119, %sub3A_1119 : vector<32x196xf32>
    %reduce_sum3A_1121 = arith.constant dense<0.000000e+00> : vector<196xf32>
    %reduce_sum3A_1122 = vector.multi_reduction <add>, %mul3A_1120, %reduce_sum3A_1121 [0] : vector<32x196xf32> to vector<196xf32>
    %broadcast_in_dim3A_1123 = vector.shape_cast %reduce_sum3A_1122 : vector<196xf32> to vector<1x196xf32>
    %div3A_1124 = arith.constant 3.200000e+01 : f32
    %div3A_1125 = vector.broadcast %div3A_1124 : f32 to vector<1x196xf32>
    %div3A_1126 = arith.divf %broadcast_in_dim3A_1123, %div3A_1125 : vector<1x196xf32>
    %add3A_1127 = arith.constant 9.99999974E-6 : f32
    %add3A_1128 = vector.broadcast %add3A_1127 : f32 to vector<1x196xf32>
    %add3A_1129 = arith.addf %div3A_1126, %add3A_1128 : vector<1x196xf32>
    %rsqrt3A_1130 = math.rsqrt %add3A_1129 : vector<1x196xf32>
    %mul3A_1131 = vector.broadcast %rsqrt3A_1130 : vector<1x196xf32> to vector<32x196xf32>
    %mul3A_1132 = arith.mulf %sub3A_1119, %mul3A_1131 : vector<32x196xf32>
    %slice3A_1133 = vector.extract_strided_slice %max3A_978 {offsets = [224, 0], sizes = [32, 196], strides = [1, 1]} : vector<256x196xf32> to vector<32x196xf32>
    %reduce_sum3A_1134 = arith.constant dense<0.000000e+00> : vector<196xf32>
    %reduce_sum3A_1135 = vector.multi_reduction <add>, %slice3A_1133, %reduce_sum3A_1134 [0] : vector<32x196xf32> to vector<196xf32>
    %broadcast_in_dim3A_1136 = vector.shape_cast %reduce_sum3A_1135 : vector<196xf32> to vector<1x196xf32>
    %div3A_1137 = arith.constant 3.200000e+01 : f32
    %div3A_1138 = vector.broadcast %div3A_1137 : f32 to vector<1x196xf32>
    %div3A_1139 = arith.divf %broadcast_in_dim3A_1136, %div3A_1138 : vector<1x196xf32>
    %sub3A_1140 = vector.broadcast %div3A_1139 : vector<1x196xf32> to vector<32x196xf32>
    %sub3A_1141 = arith.subf %slice3A_1133, %sub3A_1140 : vector<32x196xf32>
    %mul3A_1142 = arith.mulf %sub3A_1141, %sub3A_1141 : vector<32x196xf32>
    %reduce_sum3A_1143 = arith.constant dense<0.000000e+00> : vector<196xf32>
    %reduce_sum3A_1144 = vector.multi_reduction <add>, %mul3A_1142, %reduce_sum3A_1143 [0] : vector<32x196xf32> to vector<196xf32>
    %broadcast_in_dim3A_1145 = vector.shape_cast %reduce_sum3A_1144 : vector<196xf32> to vector<1x196xf32>
    %div3A_1146 = arith.constant 3.200000e+01 : f32
    %div3A_1147 = vector.broadcast %div3A_1146 : f32 to vector<1x196xf32>
    %div3A_1148 = arith.divf %broadcast_in_dim3A_1145, %div3A_1147 : vector<1x196xf32>
    %add3A_1149 = arith.constant 9.99999974E-6 : f32
    %add3A_1150 = vector.broadcast %add3A_1149 : f32 to vector<1x196xf32>
    %add3A_1151 = arith.addf %div3A_1148, %add3A_1150 : vector<1x196xf32>
    %rsqrt3A_1152 = math.rsqrt %add3A_1151 : vector<1x196xf32>
    %mul3A_1153 = vector.broadcast %rsqrt3A_1152 : vector<1x196xf32> to vector<32x196xf32>
    %mul3A_1154 = arith.mulf %sub3A_1141, %mul3A_1153 : vector<32x196xf32>
    %concatenate3A_1155 = tpu.concatenate %mul3A_1000, %mul3A_1022, %mul3A_1044, %mul3A_1066, %mul3A_1088, %mul3A_1110, %mul3A_1132, %mul3A_1154 in 0 : vector<32x196xf32>, vector<32x196xf32>, vector<32x196xf32>, vector<32x196xf32>, vector<32x196xf32>, vector<32x196xf32>, vector<32x196xf32>, vector<32x196xf32> -> vector<256x196xf32>
    %get3A_1156 = arith.constant 0 : index
    %get3A_1157 = arith.constant 0 : index
    %get3A_1158 = vector.load %arg6[%get3A_1156, %get3A_1157] : memref<256x1xf32, #tpu.memory_space<vmem>>, vector<256x1xf32>
    %mul3A_1159 = vector.broadcast %get3A_1158 : vector<256x1xf32> to vector<256x196xf32>
    %mul3A_1160 = arith.mulf %concatenate3A_1155, %mul3A_1159 : vector<256x196xf32>
    %get3A_1161 = arith.constant 0 : index
    %get3A_1162 = arith.constant 0 : index
    %get3A_1163 = vector.load %arg7[%get3A_1161, %get3A_1162] : memref<256x1xf32, #tpu.memory_space<vmem>>, vector<256x1xf32>
    %add3A_1164 = vector.broadcast %get3A_1163 : vector<256x1xf32> to vector<256x196xf32>
    %add3A_1165 = arith.addf %mul3A_1160, %add3A_1164 : vector<256x196xf32>
    %mul3A_1166 = arith.mulf %add3A_1165, %add3A_1165 : vector<256x196xf32>
    %reduce_sum3A_1167 = arith.constant dense<0.000000e+00> : vector<196xf32>
    %reduce_sum3A_1168 = vector.multi_reduction <add>, %mul3A_1166, %reduce_sum3A_1167 [0] : vector<256x196xf32> to vector<196xf32>
    %broadcast_in_dim3A_1169 = vector.shape_cast %reduce_sum3A_1168 : vector<196xf32> to vector<1x196xf32>
    %dot_general3A_1170 = arith.constant dense<0.000000e+00> : vector<1024x196xf32>
    %dot_general3A_1171 = tpu.matmul %get3A_1, %add3A_1165, %dot_general3A_1170 {dimension_numbers = #tpu.dot_dimension_numbers<[1], [0], [0], [1], [0, 0, 1, 1], [], []>, transpose_lhs_hint = false} : vector<1024x256xf32>, vector<256x196xf32>, vector<1024x196xf32> -> vector<1024x196xf32>
    %mul3A_1172 = arith.constant 2.000000e+00 : f32
    %mul3A_1173 = vector.broadcast %mul3A_1172 : f32 to vector<1024x196xf32>
    %mul3A_1174 = arith.mulf %mul3A_1173, %dot_general3A_1171 : vector<1024x196xf32>
    %sub3A_1175 = vector.broadcast %broadcast_in_dim3A_1169 : vector<1x196xf32> to vector<1024x196xf32>
    %sub3A_1176 = arith.subf %sub3A_1175, %mul3A_1174 : vector<1024x196xf32>
    %add3A_1177 = vector.broadcast %broadcast_in_dim3A : vector<1024x1xf32> to vector<1024x196xf32>
    %add3A_1178 = arith.addf %sub3A_1176, %add3A_1177 : vector<1024x196xf32>
    %reduce_min3A_1179 = arith.constant dense<0x7F800000> : vector<196xf32>
    %reduce_min3A_1180 = vector.multi_reduction <minimumf>, %add3A_1178, %reduce_min3A_1179 [0] : vector<1024x196xf32> to vector<196xf32>
    %broadcast_in_dim3A_1181 = vector.shape_cast %reduce_min3A_1180 : vector<196xf32> to vector<1x196xf32>
    %iota3A_1182 = tpu.iota {dimensions = array<i32: 0>} : vector<1024x196xi32>
    %eq3A_1183 = vector.broadcast %broadcast_in_dim3A_1181 : vector<1x196xf32> to vector<1024x196xf32>
    %eq3A_1184 = arith.cmpf oeq, %add3A_1178, %eq3A_1183 : vector<1024x196xf32>
    %jit3A_1185 = arith.constant 1024 : i32
    %broadcast_in_dim3A_1186 = vector.broadcast %jit3A_1185 : i32 to vector<1024x196xi32>
    %select_n3A_1187 = arith.select %eq3A_1184, %iota3A_1182, %broadcast_in_dim3A_1186 : vector<1024x196xi1>, vector<1024x196xi32>
    %reduce_min3A_1188 = arith.constant dense<2147483647> : vector<196xi32>
    %reduce_min3A_1189 = vector.multi_reduction <minsi>, %select_n3A_1187, %reduce_min3A_1188 [0] : vector<1024x196xi32> to vector<196xi32>
    %get3A_1190 = arith.constant 960 : index
    %get3A_1191 = arith.constant 0 : index
    %get3A_1192 = vector.load %arg1[%get3A_1190, %get3A_1191] : memref<1536x196xf32, #tpu.memory_space<vmem>>, vector<192x196xf32>
    %get3A_1193 = arith.constant 0 : index
    %get3A_1194 = arith.constant 0 : index
    %get3A_1195 = vector.load %arg2[%get3A_1193, %get3A_1194] : memref<256x192xf32, #tpu.memory_space<vmem>>, vector<256x192xf32>
    %dot_general3A_1196 = arith.constant dense<0.000000e+00> : vector<256x196xf32>
    %dot_general3A_1197 = tpu.matmul %get3A_1195, %get3A_1192, %dot_general3A_1196 {dimension_numbers = #tpu.dot_dimension_numbers<[1], [0], [0], [1], [0, 0, 1, 1], [], []>, transpose_lhs_hint = false} : vector<256x192xf32>, vector<192x196xf32>, vector<256x196xf32> -> vector<256x196xf32>
    %get3A_1198 = arith.constant 0 : index
    %get3A_1199 = arith.constant 0 : index
    %get3A_1200 = vector.load %arg3[%get3A_1198, %get3A_1199] : memref<256x1xf32, #tpu.memory_space<vmem>>, vector<256x1xf32>
    %add3A_1201 = vector.broadcast %get3A_1200 : vector<256x1xf32> to vector<256x196xf32>
    %add3A_1202 = arith.addf %dot_general3A_1197, %add3A_1201 : vector<256x196xf32>
    %max3A_1203 = arith.constant 0.000000e+00 : f32
    %max3A_1204 = vector.broadcast %max3A_1203 : f32 to vector<256x196xf32>
    %max3A_1205 = arith.maximumf %add3A_1202, %max3A_1204 : vector<256x196xf32>
    %get3A_1206 = arith.constant 0 : index
    %get3A_1207 = arith.constant 0 : index
    %get3A_1208 = vector.load %arg4[%get3A_1206, %get3A_1207] : memref<256x256xf32, #tpu.memory_space<vmem>>, vector<256x256xf32>
    %dot_general3A_1209 = arith.constant dense<0.000000e+00> : vector<256x196xf32>
    %dot_general3A_1210 = tpu.matmul %get3A_1208, %max3A_1205, %dot_general3A_1209 {dimension_numbers = #tpu.dot_dimension_numbers<[1], [0], [0], [1], [0, 0, 1, 1], [], []>, transpose_lhs_hint = false} : vector<256x256xf32>, vector<256x196xf32>, vector<256x196xf32> -> vector<256x196xf32>
    %get3A_1211 = arith.constant 0 : index
    %get3A_1212 = arith.constant 0 : index
    %get3A_1213 = vector.load %arg5[%get3A_1211, %get3A_1212] : memref<256x1xf32, #tpu.memory_space<vmem>>, vector<256x1xf32>
    %add3A_1214 = vector.broadcast %get3A_1213 : vector<256x1xf32> to vector<256x196xf32>
    %add3A_1215 = arith.addf %dot_general3A_1210, %add3A_1214 : vector<256x196xf32>
    %max3A_1216 = arith.constant 0.000000e+00 : f32
    %max3A_1217 = vector.broadcast %max3A_1216 : f32 to vector<256x196xf32>
    %max3A_1218 = arith.maximumf %add3A_1215, %max3A_1217 : vector<256x196xf32>
    %slice3A_1219 = vector.extract_strided_slice %max3A_1218 {offsets = [0, 0], sizes = [32, 196], strides = [1, 1]} : vector<256x196xf32> to vector<32x196xf32>
    %reduce_sum3A_1220 = arith.constant dense<0.000000e+00> : vector<196xf32>
    %reduce_sum3A_1221 = vector.multi_reduction <add>, %slice3A_1219, %reduce_sum3A_1220 [0] : vector<32x196xf32> to vector<196xf32>
    %broadcast_in_dim3A_1222 = vector.shape_cast %reduce_sum3A_1221 : vector<196xf32> to vector<1x196xf32>
    %div3A_1223 = arith.constant 3.200000e+01 : f32
    %div3A_1224 = vector.broadcast %div3A_1223 : f32 to vector<1x196xf32>
    %div3A_1225 = arith.divf %broadcast_in_dim3A_1222, %div3A_1224 : vector<1x196xf32>
    %sub3A_1226 = vector.broadcast %div3A_1225 : vector<1x196xf32> to vector<32x196xf32>
    %sub3A_1227 = arith.subf %slice3A_1219, %sub3A_1226 : vector<32x196xf32>
    %mul3A_1228 = arith.mulf %sub3A_1227, %sub3A_1227 : vector<32x196xf32>
    %reduce_sum3A_1229 = arith.constant dense<0.000000e+00> : vector<196xf32>
    %reduce_sum3A_1230 = vector.multi_reduction <add>, %mul3A_1228, %reduce_sum3A_1229 [0] : vector<32x196xf32> to vector<196xf32>
    %broadcast_in_dim3A_1231 = vector.shape_cast %reduce_sum3A_1230 : vector<196xf32> to vector<1x196xf32>
    %div3A_1232 = arith.constant 3.200000e+01 : f32
    %div3A_1233 = vector.broadcast %div3A_1232 : f32 to vector<1x196xf32>
    %div3A_1234 = arith.divf %broadcast_in_dim3A_1231, %div3A_1233 : vector<1x196xf32>
    %add3A_1235 = arith.constant 9.99999974E-6 : f32
    %add3A_1236 = vector.broadcast %add3A_1235 : f32 to vector<1x196xf32>
    %add3A_1237 = arith.addf %div3A_1234, %add3A_1236 : vector<1x196xf32>
    %rsqrt3A_1238 = math.rsqrt %add3A_1237 : vector<1x196xf32>
    %mul3A_1239 = vector.broadcast %rsqrt3A_1238 : vector<1x196xf32> to vector<32x196xf32>
    %mul3A_1240 = arith.mulf %sub3A_1227, %mul3A_1239 : vector<32x196xf32>
    %slice3A_1241 = vector.extract_strided_slice %max3A_1218 {offsets = [32, 0], sizes = [32, 196], strides = [1, 1]} : vector<256x196xf32> to vector<32x196xf32>
    %reduce_sum3A_1242 = arith.constant dense<0.000000e+00> : vector<196xf32>
    %reduce_sum3A_1243 = vector.multi_reduction <add>, %slice3A_1241, %reduce_sum3A_1242 [0] : vector<32x196xf32> to vector<196xf32>
    %broadcast_in_dim3A_1244 = vector.shape_cast %reduce_sum3A_1243 : vector<196xf32> to vector<1x196xf32>
    %div3A_1245 = arith.constant 3.200000e+01 : f32
    %div3A_1246 = vector.broadcast %div3A_1245 : f32 to vector<1x196xf32>
    %div3A_1247 = arith.divf %broadcast_in_dim3A_1244, %div3A_1246 : vector<1x196xf32>
    %sub3A_1248 = vector.broadcast %div3A_1247 : vector<1x196xf32> to vector<32x196xf32>
    %sub3A_1249 = arith.subf %slice3A_1241, %sub3A_1248 : vector<32x196xf32>
    %mul3A_1250 = arith.mulf %sub3A_1249, %sub3A_1249 : vector<32x196xf32>
    %reduce_sum3A_1251 = arith.constant dense<0.000000e+00> : vector<196xf32>
    %reduce_sum3A_1252 = vector.multi_reduction <add>, %mul3A_1250, %reduce_sum3A_1251 [0] : vector<32x196xf32> to vector<196xf32>
    %broadcast_in_dim3A_1253 = vector.shape_cast %reduce_sum3A_1252 : vector<196xf32> to vector<1x196xf32>
    %div3A_1254 = arith.constant 3.200000e+01 : f32
    %div3A_1255 = vector.broadcast %div3A_1254 : f32 to vector<1x196xf32>
    %div3A_1256 = arith.divf %broadcast_in_dim3A_1253, %div3A_1255 : vector<1x196xf32>
    %add3A_1257 = arith.constant 9.99999974E-6 : f32
    %add3A_1258 = vector.broadcast %add3A_1257 : f32 to vector<1x196xf32>
    %add3A_1259 = arith.addf %div3A_1256, %add3A_1258 : vector<1x196xf32>
    %rsqrt3A_1260 = math.rsqrt %add3A_1259 : vector<1x196xf32>
    %mul3A_1261 = vector.broadcast %rsqrt3A_1260 : vector<1x196xf32> to vector<32x196xf32>
    %mul3A_1262 = arith.mulf %sub3A_1249, %mul3A_1261 : vector<32x196xf32>
    %slice3A_1263 = vector.extract_strided_slice %max3A_1218 {offsets = [64, 0], sizes = [32, 196], strides = [1, 1]} : vector<256x196xf32> to vector<32x196xf32>
    %reduce_sum3A_1264 = arith.constant dense<0.000000e+00> : vector<196xf32>
    %reduce_sum3A_1265 = vector.multi_reduction <add>, %slice3A_1263, %reduce_sum3A_1264 [0] : vector<32x196xf32> to vector<196xf32>
    %broadcast_in_dim3A_1266 = vector.shape_cast %reduce_sum3A_1265 : vector<196xf32> to vector<1x196xf32>
    %div3A_1267 = arith.constant 3.200000e+01 : f32
    %div3A_1268 = vector.broadcast %div3A_1267 : f32 to vector<1x196xf32>
    %div3A_1269 = arith.divf %broadcast_in_dim3A_1266, %div3A_1268 : vector<1x196xf32>
    %sub3A_1270 = vector.broadcast %div3A_1269 : vector<1x196xf32> to vector<32x196xf32>
    %sub3A_1271 = arith.subf %slice3A_1263, %sub3A_1270 : vector<32x196xf32>
    %mul3A_1272 = arith.mulf %sub3A_1271, %sub3A_1271 : vector<32x196xf32>
    %reduce_sum3A_1273 = arith.constant dense<0.000000e+00> : vector<196xf32>
    %reduce_sum3A_1274 = vector.multi_reduction <add>, %mul3A_1272, %reduce_sum3A_1273 [0] : vector<32x196xf32> to vector<196xf32>
    %broadcast_in_dim3A_1275 = vector.shape_cast %reduce_sum3A_1274 : vector<196xf32> to vector<1x196xf32>
    %div3A_1276 = arith.constant 3.200000e+01 : f32
    %div3A_1277 = vector.broadcast %div3A_1276 : f32 to vector<1x196xf32>
    %div3A_1278 = arith.divf %broadcast_in_dim3A_1275, %div3A_1277 : vector<1x196xf32>
    %add3A_1279 = arith.constant 9.99999974E-6 : f32
    %add3A_1280 = vector.broadcast %add3A_1279 : f32 to vector<1x196xf32>
    %add3A_1281 = arith.addf %div3A_1278, %add3A_1280 : vector<1x196xf32>
    %rsqrt3A_1282 = math.rsqrt %add3A_1281 : vector<1x196xf32>
    %mul3A_1283 = vector.broadcast %rsqrt3A_1282 : vector<1x196xf32> to vector<32x196xf32>
    %mul3A_1284 = arith.mulf %sub3A_1271, %mul3A_1283 : vector<32x196xf32>
    %slice3A_1285 = vector.extract_strided_slice %max3A_1218 {offsets = [96, 0], sizes = [32, 196], strides = [1, 1]} : vector<256x196xf32> to vector<32x196xf32>
    %reduce_sum3A_1286 = arith.constant dense<0.000000e+00> : vector<196xf32>
    %reduce_sum3A_1287 = vector.multi_reduction <add>, %slice3A_1285, %reduce_sum3A_1286 [0] : vector<32x196xf32> to vector<196xf32>
    %broadcast_in_dim3A_1288 = vector.shape_cast %reduce_sum3A_1287 : vector<196xf32> to vector<1x196xf32>
    %div3A_1289 = arith.constant 3.200000e+01 : f32
    %div3A_1290 = vector.broadcast %div3A_1289 : f32 to vector<1x196xf32>
    %div3A_1291 = arith.divf %broadcast_in_dim3A_1288, %div3A_1290 : vector<1x196xf32>
    %sub3A_1292 = vector.broadcast %div3A_1291 : vector<1x196xf32> to vector<32x196xf32>
    %sub3A_1293 = arith.subf %slice3A_1285, %sub3A_1292 : vector<32x196xf32>
    %mul3A_1294 = arith.mulf %sub3A_1293, %sub3A_1293 : vector<32x196xf32>
    %reduce_sum3A_1295 = arith.constant dense<0.000000e+00> : vector<196xf32>
    %reduce_sum3A_1296 = vector.multi_reduction <add>, %mul3A_1294, %reduce_sum3A_1295 [0] : vector<32x196xf32> to vector<196xf32>
    %broadcast_in_dim3A_1297 = vector.shape_cast %reduce_sum3A_1296 : vector<196xf32> to vector<1x196xf32>
    %div3A_1298 = arith.constant 3.200000e+01 : f32
    %div3A_1299 = vector.broadcast %div3A_1298 : f32 to vector<1x196xf32>
    %div3A_1300 = arith.divf %broadcast_in_dim3A_1297, %div3A_1299 : vector<1x196xf32>
    %add3A_1301 = arith.constant 9.99999974E-6 : f32
    %add3A_1302 = vector.broadcast %add3A_1301 : f32 to vector<1x196xf32>
    %add3A_1303 = arith.addf %div3A_1300, %add3A_1302 : vector<1x196xf32>
    %rsqrt3A_1304 = math.rsqrt %add3A_1303 : vector<1x196xf32>
    %mul3A_1305 = vector.broadcast %rsqrt3A_1304 : vector<1x196xf32> to vector<32x196xf32>
    %mul3A_1306 = arith.mulf %sub3A_1293, %mul3A_1305 : vector<32x196xf32>
    %slice3A_1307 = vector.extract_strided_slice %max3A_1218 {offsets = [128, 0], sizes = [32, 196], strides = [1, 1]} : vector<256x196xf32> to vector<32x196xf32>
    %reduce_sum3A_1308 = arith.constant dense<0.000000e+00> : vector<196xf32>
    %reduce_sum3A_1309 = vector.multi_reduction <add>, %slice3A_1307, %reduce_sum3A_1308 [0] : vector<32x196xf32> to vector<196xf32>
    %broadcast_in_dim3A_1310 = vector.shape_cast %reduce_sum3A_1309 : vector<196xf32> to vector<1x196xf32>
    %div3A_1311 = arith.constant 3.200000e+01 : f32
    %div3A_1312 = vector.broadcast %div3A_1311 : f32 to vector<1x196xf32>
    %div3A_1313 = arith.divf %broadcast_in_dim3A_1310, %div3A_1312 : vector<1x196xf32>
    %sub3A_1314 = vector.broadcast %div3A_1313 : vector<1x196xf32> to vector<32x196xf32>
    %sub3A_1315 = arith.subf %slice3A_1307, %sub3A_1314 : vector<32x196xf32>
    %mul3A_1316 = arith.mulf %sub3A_1315, %sub3A_1315 : vector<32x196xf32>
    %reduce_sum3A_1317 = arith.constant dense<0.000000e+00> : vector<196xf32>
    %reduce_sum3A_1318 = vector.multi_reduction <add>, %mul3A_1316, %reduce_sum3A_1317 [0] : vector<32x196xf32> to vector<196xf32>
    %broadcast_in_dim3A_1319 = vector.shape_cast %reduce_sum3A_1318 : vector<196xf32> to vector<1x196xf32>
    %div3A_1320 = arith.constant 3.200000e+01 : f32
    %div3A_1321 = vector.broadcast %div3A_1320 : f32 to vector<1x196xf32>
    %div3A_1322 = arith.divf %broadcast_in_dim3A_1319, %div3A_1321 : vector<1x196xf32>
    %add3A_1323 = arith.constant 9.99999974E-6 : f32
    %add3A_1324 = vector.broadcast %add3A_1323 : f32 to vector<1x196xf32>
    %add3A_1325 = arith.addf %div3A_1322, %add3A_1324 : vector<1x196xf32>
    %rsqrt3A_1326 = math.rsqrt %add3A_1325 : vector<1x196xf32>
    %mul3A_1327 = vector.broadcast %rsqrt3A_1326 : vector<1x196xf32> to vector<32x196xf32>
    %mul3A_1328 = arith.mulf %sub3A_1315, %mul3A_1327 : vector<32x196xf32>
    %slice3A_1329 = vector.extract_strided_slice %max3A_1218 {offsets = [160, 0], sizes = [32, 196], strides = [1, 1]} : vector<256x196xf32> to vector<32x196xf32>
    %reduce_sum3A_1330 = arith.constant dense<0.000000e+00> : vector<196xf32>
    %reduce_sum3A_1331 = vector.multi_reduction <add>, %slice3A_1329, %reduce_sum3A_1330 [0] : vector<32x196xf32> to vector<196xf32>
    %broadcast_in_dim3A_1332 = vector.shape_cast %reduce_sum3A_1331 : vector<196xf32> to vector<1x196xf32>
    %div3A_1333 = arith.constant 3.200000e+01 : f32
    %div3A_1334 = vector.broadcast %div3A_1333 : f32 to vector<1x196xf32>
    %div3A_1335 = arith.divf %broadcast_in_dim3A_1332, %div3A_1334 : vector<1x196xf32>
    %sub3A_1336 = vector.broadcast %div3A_1335 : vector<1x196xf32> to vector<32x196xf32>
    %sub3A_1337 = arith.subf %slice3A_1329, %sub3A_1336 : vector<32x196xf32>
    %mul3A_1338 = arith.mulf %sub3A_1337, %sub3A_1337 : vector<32x196xf32>
    %reduce_sum3A_1339 = arith.constant dense<0.000000e+00> : vector<196xf32>
    %reduce_sum3A_1340 = vector.multi_reduction <add>, %mul3A_1338, %reduce_sum3A_1339 [0] : vector<32x196xf32> to vector<196xf32>
    %broadcast_in_dim3A_1341 = vector.shape_cast %reduce_sum3A_1340 : vector<196xf32> to vector<1x196xf32>
    %div3A_1342 = arith.constant 3.200000e+01 : f32
    %div3A_1343 = vector.broadcast %div3A_1342 : f32 to vector<1x196xf32>
    %div3A_1344 = arith.divf %broadcast_in_dim3A_1341, %div3A_1343 : vector<1x196xf32>
    %add3A_1345 = arith.constant 9.99999974E-6 : f32
    %add3A_1346 = vector.broadcast %add3A_1345 : f32 to vector<1x196xf32>
    %add3A_1347 = arith.addf %div3A_1344, %add3A_1346 : vector<1x196xf32>
    %rsqrt3A_1348 = math.rsqrt %add3A_1347 : vector<1x196xf32>
    %mul3A_1349 = vector.broadcast %rsqrt3A_1348 : vector<1x196xf32> to vector<32x196xf32>
    %mul3A_1350 = arith.mulf %sub3A_1337, %mul3A_1349 : vector<32x196xf32>
    %slice3A_1351 = vector.extract_strided_slice %max3A_1218 {offsets = [192, 0], sizes = [32, 196], strides = [1, 1]} : vector<256x196xf32> to vector<32x196xf32>
    %reduce_sum3A_1352 = arith.constant dense<0.000000e+00> : vector<196xf32>
    %reduce_sum3A_1353 = vector.multi_reduction <add>, %slice3A_1351, %reduce_sum3A_1352 [0] : vector<32x196xf32> to vector<196xf32>
    %broadcast_in_dim3A_1354 = vector.shape_cast %reduce_sum3A_1353 : vector<196xf32> to vector<1x196xf32>
    %div3A_1355 = arith.constant 3.200000e+01 : f32
    %div3A_1356 = vector.broadcast %div3A_1355 : f32 to vector<1x196xf32>
    %div3A_1357 = arith.divf %broadcast_in_dim3A_1354, %div3A_1356 : vector<1x196xf32>
    %sub3A_1358 = vector.broadcast %div3A_1357 : vector<1x196xf32> to vector<32x196xf32>
    %sub3A_1359 = arith.subf %slice3A_1351, %sub3A_1358 : vector<32x196xf32>
    %mul3A_1360 = arith.mulf %sub3A_1359, %sub3A_1359 : vector<32x196xf32>
    %reduce_sum3A_1361 = arith.constant dense<0.000000e+00> : vector<196xf32>
    %reduce_sum3A_1362 = vector.multi_reduction <add>, %mul3A_1360, %reduce_sum3A_1361 [0] : vector<32x196xf32> to vector<196xf32>
    %broadcast_in_dim3A_1363 = vector.shape_cast %reduce_sum3A_1362 : vector<196xf32> to vector<1x196xf32>
    %div3A_1364 = arith.constant 3.200000e+01 : f32
    %div3A_1365 = vector.broadcast %div3A_1364 : f32 to vector<1x196xf32>
    %div3A_1366 = arith.divf %broadcast_in_dim3A_1363, %div3A_1365 : vector<1x196xf32>
    %add3A_1367 = arith.constant 9.99999974E-6 : f32
    %add3A_1368 = vector.broadcast %add3A_1367 : f32 to vector<1x196xf32>
    %add3A_1369 = arith.addf %div3A_1366, %add3A_1368 : vector<1x196xf32>
    %rsqrt3A_1370 = math.rsqrt %add3A_1369 : vector<1x196xf32>
    %mul3A_1371 = vector.broadcast %rsqrt3A_1370 : vector<1x196xf32> to vector<32x196xf32>
    %mul3A_1372 = arith.mulf %sub3A_1359, %mul3A_1371 : vector<32x196xf32>
    %slice3A_1373 = vector.extract_strided_slice %max3A_1218 {offsets = [224, 0], sizes = [32, 196], strides = [1, 1]} : vector<256x196xf32> to vector<32x196xf32>
    %reduce_sum3A_1374 = arith.constant dense<0.000000e+00> : vector<196xf32>
    %reduce_sum3A_1375 = vector.multi_reduction <add>, %slice3A_1373, %reduce_sum3A_1374 [0] : vector<32x196xf32> to vector<196xf32>
    %broadcast_in_dim3A_1376 = vector.shape_cast %reduce_sum3A_1375 : vector<196xf32> to vector<1x196xf32>
    %div3A_1377 = arith.constant 3.200000e+01 : f32
    %div3A_1378 = vector.broadcast %div3A_1377 : f32 to vector<1x196xf32>
    %div3A_1379 = arith.divf %broadcast_in_dim3A_1376, %div3A_1378 : vector<1x196xf32>
    %sub3A_1380 = vector.broadcast %div3A_1379 : vector<1x196xf32> to vector<32x196xf32>
    %sub3A_1381 = arith.subf %slice3A_1373, %sub3A_1380 : vector<32x196xf32>
    %mul3A_1382 = arith.mulf %sub3A_1381, %sub3A_1381 : vector<32x196xf32>
    %reduce_sum3A_1383 = arith.constant dense<0.000000e+00> : vector<196xf32>
    %reduce_sum3A_1384 = vector.multi_reduction <add>, %mul3A_1382, %reduce_sum3A_1383 [0] : vector<32x196xf32> to vector<196xf32>
    %broadcast_in_dim3A_1385 = vector.shape_cast %reduce_sum3A_1384 : vector<196xf32> to vector<1x196xf32>
    %div3A_1386 = arith.constant 3.200000e+01 : f32
    %div3A_1387 = vector.broadcast %div3A_1386 : f32 to vector<1x196xf32>
    %div3A_1388 = arith.divf %broadcast_in_dim3A_1385, %div3A_1387 : vector<1x196xf32>
    %add3A_1389 = arith.constant 9.99999974E-6 : f32
    %add3A_1390 = vector.broadcast %add3A_1389 : f32 to vector<1x196xf32>
    %add3A_1391 = arith.addf %div3A_1388, %add3A_1390 : vector<1x196xf32>
    %rsqrt3A_1392 = math.rsqrt %add3A_1391 : vector<1x196xf32>
    %mul3A_1393 = vector.broadcast %rsqrt3A_1392 : vector<1x196xf32> to vector<32x196xf32>
    %mul3A_1394 = arith.mulf %sub3A_1381, %mul3A_1393 : vector<32x196xf32>
    %concatenate3A_1395 = tpu.concatenate %mul3A_1240, %mul3A_1262, %mul3A_1284, %mul3A_1306, %mul3A_1328, %mul3A_1350, %mul3A_1372, %mul3A_1394 in 0 : vector<32x196xf32>, vector<32x196xf32>, vector<32x196xf32>, vector<32x196xf32>, vector<32x196xf32>, vector<32x196xf32>, vector<32x196xf32>, vector<32x196xf32> -> vector<256x196xf32>
    %get3A_1396 = arith.constant 0 : index
    %get3A_1397 = arith.constant 0 : index
    %get3A_1398 = vector.load %arg6[%get3A_1396, %get3A_1397] : memref<256x1xf32, #tpu.memory_space<vmem>>, vector<256x1xf32>
    %mul3A_1399 = vector.broadcast %get3A_1398 : vector<256x1xf32> to vector<256x196xf32>
    %mul3A_1400 = arith.mulf %concatenate3A_1395, %mul3A_1399 : vector<256x196xf32>
    %get3A_1401 = arith.constant 0 : index
    %get3A_1402 = arith.constant 0 : index
    %get3A_1403 = vector.load %arg7[%get3A_1401, %get3A_1402] : memref<256x1xf32, #tpu.memory_space<vmem>>, vector<256x1xf32>
    %add3A_1404 = vector.broadcast %get3A_1403 : vector<256x1xf32> to vector<256x196xf32>
    %add3A_1405 = arith.addf %mul3A_1400, %add3A_1404 : vector<256x196xf32>
    %mul3A_1406 = arith.mulf %add3A_1405, %add3A_1405 : vector<256x196xf32>
    %reduce_sum3A_1407 = arith.constant dense<0.000000e+00> : vector<196xf32>
    %reduce_sum3A_1408 = vector.multi_reduction <add>, %mul3A_1406, %reduce_sum3A_1407 [0] : vector<256x196xf32> to vector<196xf32>
    %broadcast_in_dim3A_1409 = vector.shape_cast %reduce_sum3A_1408 : vector<196xf32> to vector<1x196xf32>
    %dot_general3A_1410 = arith.constant dense<0.000000e+00> : vector<1024x196xf32>
    %dot_general3A_1411 = tpu.matmul %get3A_1, %add3A_1405, %dot_general3A_1410 {dimension_numbers = #tpu.dot_dimension_numbers<[1], [0], [0], [1], [0, 0, 1, 1], [], []>, transpose_lhs_hint = false} : vector<1024x256xf32>, vector<256x196xf32>, vector<1024x196xf32> -> vector<1024x196xf32>
    %mul3A_1412 = arith.constant 2.000000e+00 : f32
    %mul3A_1413 = vector.broadcast %mul3A_1412 : f32 to vector<1024x196xf32>
    %mul3A_1414 = arith.mulf %mul3A_1413, %dot_general3A_1411 : vector<1024x196xf32>
    %sub3A_1415 = vector.broadcast %broadcast_in_dim3A_1409 : vector<1x196xf32> to vector<1024x196xf32>
    %sub3A_1416 = arith.subf %sub3A_1415, %mul3A_1414 : vector<1024x196xf32>
    %add3A_1417 = vector.broadcast %broadcast_in_dim3A : vector<1024x1xf32> to vector<1024x196xf32>
    %add3A_1418 = arith.addf %sub3A_1416, %add3A_1417 : vector<1024x196xf32>
    %reduce_min3A_1419 = arith.constant dense<0x7F800000> : vector<196xf32>
    %reduce_min3A_1420 = vector.multi_reduction <minimumf>, %add3A_1418, %reduce_min3A_1419 [0] : vector<1024x196xf32> to vector<196xf32>
    %broadcast_in_dim3A_1421 = vector.shape_cast %reduce_min3A_1420 : vector<196xf32> to vector<1x196xf32>
    %iota3A_1422 = tpu.iota {dimensions = array<i32: 0>} : vector<1024x196xi32>
    %eq3A_1423 = vector.broadcast %broadcast_in_dim3A_1421 : vector<1x196xf32> to vector<1024x196xf32>
    %eq3A_1424 = arith.cmpf oeq, %add3A_1418, %eq3A_1423 : vector<1024x196xf32>
    %jit3A_1425 = arith.constant 1024 : i32
    %broadcast_in_dim3A_1426 = vector.broadcast %jit3A_1425 : i32 to vector<1024x196xi32>
    %select_n3A_1427 = arith.select %eq3A_1424, %iota3A_1422, %broadcast_in_dim3A_1426 : vector<1024x196xi1>, vector<1024x196xi32>
    %reduce_min3A_1428 = arith.constant dense<2147483647> : vector<196xi32>
    %reduce_min3A_1429 = vector.multi_reduction <minsi>, %select_n3A_1427, %reduce_min3A_1428 [0] : vector<1024x196xi32> to vector<196xi32>
    %get3A_1430 = arith.constant 1152 : index
    %get3A_1431 = arith.constant 0 : index
    %get3A_1432 = vector.load %arg1[%get3A_1430, %get3A_1431] : memref<1536x196xf32, #tpu.memory_space<vmem>>, vector<192x196xf32>
    %get3A_1433 = arith.constant 0 : index
    %get3A_1434 = arith.constant 0 : index
    %get3A_1435 = vector.load %arg2[%get3A_1433, %get3A_1434] : memref<256x192xf32, #tpu.memory_space<vmem>>, vector<256x192xf32>
    %dot_general3A_1436 = arith.constant dense<0.000000e+00> : vector<256x196xf32>
    %dot_general3A_1437 = tpu.matmul %get3A_1435, %get3A_1432, %dot_general3A_1436 {dimension_numbers = #tpu.dot_dimension_numbers<[1], [0], [0], [1], [0, 0, 1, 1], [], []>, transpose_lhs_hint = false} : vector<256x192xf32>, vector<192x196xf32>, vector<256x196xf32> -> vector<256x196xf32>
    %get3A_1438 = arith.constant 0 : index
    %get3A_1439 = arith.constant 0 : index
    %get3A_1440 = vector.load %arg3[%get3A_1438, %get3A_1439] : memref<256x1xf32, #tpu.memory_space<vmem>>, vector<256x1xf32>
    %add3A_1441 = vector.broadcast %get3A_1440 : vector<256x1xf32> to vector<256x196xf32>
    %add3A_1442 = arith.addf %dot_general3A_1437, %add3A_1441 : vector<256x196xf32>
    %max3A_1443 = arith.constant 0.000000e+00 : f32
    %max3A_1444 = vector.broadcast %max3A_1443 : f32 to vector<256x196xf32>
    %max3A_1445 = arith.maximumf %add3A_1442, %max3A_1444 : vector<256x196xf32>
    %get3A_1446 = arith.constant 0 : index
    %get3A_1447 = arith.constant 0 : index
    %get3A_1448 = vector.load %arg4[%get3A_1446, %get3A_1447] : memref<256x256xf32, #tpu.memory_space<vmem>>, vector<256x256xf32>
    %dot_general3A_1449 = arith.constant dense<0.000000e+00> : vector<256x196xf32>
    %dot_general3A_1450 = tpu.matmul %get3A_1448, %max3A_1445, %dot_general3A_1449 {dimension_numbers = #tpu.dot_dimension_numbers<[1], [0], [0], [1], [0, 0, 1, 1], [], []>, transpose_lhs_hint = false} : vector<256x256xf32>, vector<256x196xf32>, vector<256x196xf32> -> vector<256x196xf32>
    %get3A_1451 = arith.constant 0 : index
    %get3A_1452 = arith.constant 0 : index
    %get3A_1453 = vector.load %arg5[%get3A_1451, %get3A_1452] : memref<256x1xf32, #tpu.memory_space<vmem>>, vector<256x1xf32>
    %add3A_1454 = vector.broadcast %get3A_1453 : vector<256x1xf32> to vector<256x196xf32>
    %add3A_1455 = arith.addf %dot_general3A_1450, %add3A_1454 : vector<256x196xf32>
    %max3A_1456 = arith.constant 0.000000e+00 : f32
    %max3A_1457 = vector.broadcast %max3A_1456 : f32 to vector<256x196xf32>
    %max3A_1458 = arith.maximumf %add3A_1455, %max3A_1457 : vector<256x196xf32>
    %slice3A_1459 = vector.extract_strided_slice %max3A_1458 {offsets = [0, 0], sizes = [32, 196], strides = [1, 1]} : vector<256x196xf32> to vector<32x196xf32>
    %reduce_sum3A_1460 = arith.constant dense<0.000000e+00> : vector<196xf32>
    %reduce_sum3A_1461 = vector.multi_reduction <add>, %slice3A_1459, %reduce_sum3A_1460 [0] : vector<32x196xf32> to vector<196xf32>
    %broadcast_in_dim3A_1462 = vector.shape_cast %reduce_sum3A_1461 : vector<196xf32> to vector<1x196xf32>
    %div3A_1463 = arith.constant 3.200000e+01 : f32
    %div3A_1464 = vector.broadcast %div3A_1463 : f32 to vector<1x196xf32>
    %div3A_1465 = arith.divf %broadcast_in_dim3A_1462, %div3A_1464 : vector<1x196xf32>
    %sub3A_1466 = vector.broadcast %div3A_1465 : vector<1x196xf32> to vector<32x196xf32>
    %sub3A_1467 = arith.subf %slice3A_1459, %sub3A_1466 : vector<32x196xf32>
    %mul3A_1468 = arith.mulf %sub3A_1467, %sub3A_1467 : vector<32x196xf32>
    %reduce_sum3A_1469 = arith.constant dense<0.000000e+00> : vector<196xf32>
    %reduce_sum3A_1470 = vector.multi_reduction <add>, %mul3A_1468, %reduce_sum3A_1469 [0] : vector<32x196xf32> to vector<196xf32>
    %broadcast_in_dim3A_1471 = vector.shape_cast %reduce_sum3A_1470 : vector<196xf32> to vector<1x196xf32>
    %div3A_1472 = arith.constant 3.200000e+01 : f32
    %div3A_1473 = vector.broadcast %div3A_1472 : f32 to vector<1x196xf32>
    %div3A_1474 = arith.divf %broadcast_in_dim3A_1471, %div3A_1473 : vector<1x196xf32>
    %add3A_1475 = arith.constant 9.99999974E-6 : f32
    %add3A_1476 = vector.broadcast %add3A_1475 : f32 to vector<1x196xf32>
    %add3A_1477 = arith.addf %div3A_1474, %add3A_1476 : vector<1x196xf32>
    %rsqrt3A_1478 = math.rsqrt %add3A_1477 : vector<1x196xf32>
    %mul3A_1479 = vector.broadcast %rsqrt3A_1478 : vector<1x196xf32> to vector<32x196xf32>
    %mul3A_1480 = arith.mulf %sub3A_1467, %mul3A_1479 : vector<32x196xf32>
    %slice3A_1481 = vector.extract_strided_slice %max3A_1458 {offsets = [32, 0], sizes = [32, 196], strides = [1, 1]} : vector<256x196xf32> to vector<32x196xf32>
    %reduce_sum3A_1482 = arith.constant dense<0.000000e+00> : vector<196xf32>
    %reduce_sum3A_1483 = vector.multi_reduction <add>, %slice3A_1481, %reduce_sum3A_1482 [0] : vector<32x196xf32> to vector<196xf32>
    %broadcast_in_dim3A_1484 = vector.shape_cast %reduce_sum3A_1483 : vector<196xf32> to vector<1x196xf32>
    %div3A_1485 = arith.constant 3.200000e+01 : f32
    %div3A_1486 = vector.broadcast %div3A_1485 : f32 to vector<1x196xf32>
    %div3A_1487 = arith.divf %broadcast_in_dim3A_1484, %div3A_1486 : vector<1x196xf32>
    %sub3A_1488 = vector.broadcast %div3A_1487 : vector<1x196xf32> to vector<32x196xf32>
    %sub3A_1489 = arith.subf %slice3A_1481, %sub3A_1488 : vector<32x196xf32>
    %mul3A_1490 = arith.mulf %sub3A_1489, %sub3A_1489 : vector<32x196xf32>
    %reduce_sum3A_1491 = arith.constant dense<0.000000e+00> : vector<196xf32>
    %reduce_sum3A_1492 = vector.multi_reduction <add>, %mul3A_1490, %reduce_sum3A_1491 [0] : vector<32x196xf32> to vector<196xf32>
    %broadcast_in_dim3A_1493 = vector.shape_cast %reduce_sum3A_1492 : vector<196xf32> to vector<1x196xf32>
    %div3A_1494 = arith.constant 3.200000e+01 : f32
    %div3A_1495 = vector.broadcast %div3A_1494 : f32 to vector<1x196xf32>
    %div3A_1496 = arith.divf %broadcast_in_dim3A_1493, %div3A_1495 : vector<1x196xf32>
    %add3A_1497 = arith.constant 9.99999974E-6 : f32
    %add3A_1498 = vector.broadcast %add3A_1497 : f32 to vector<1x196xf32>
    %add3A_1499 = arith.addf %div3A_1496, %add3A_1498 : vector<1x196xf32>
    %rsqrt3A_1500 = math.rsqrt %add3A_1499 : vector<1x196xf32>
    %mul3A_1501 = vector.broadcast %rsqrt3A_1500 : vector<1x196xf32> to vector<32x196xf32>
    %mul3A_1502 = arith.mulf %sub3A_1489, %mul3A_1501 : vector<32x196xf32>
    %slice3A_1503 = vector.extract_strided_slice %max3A_1458 {offsets = [64, 0], sizes = [32, 196], strides = [1, 1]} : vector<256x196xf32> to vector<32x196xf32>
    %reduce_sum3A_1504 = arith.constant dense<0.000000e+00> : vector<196xf32>
    %reduce_sum3A_1505 = vector.multi_reduction <add>, %slice3A_1503, %reduce_sum3A_1504 [0] : vector<32x196xf32> to vector<196xf32>
    %broadcast_in_dim3A_1506 = vector.shape_cast %reduce_sum3A_1505 : vector<196xf32> to vector<1x196xf32>
    %div3A_1507 = arith.constant 3.200000e+01 : f32
    %div3A_1508 = vector.broadcast %div3A_1507 : f32 to vector<1x196xf32>
    %div3A_1509 = arith.divf %broadcast_in_dim3A_1506, %div3A_1508 : vector<1x196xf32>
    %sub3A_1510 = vector.broadcast %div3A_1509 : vector<1x196xf32> to vector<32x196xf32>
    %sub3A_1511 = arith.subf %slice3A_1503, %sub3A_1510 : vector<32x196xf32>
    %mul3A_1512 = arith.mulf %sub3A_1511, %sub3A_1511 : vector<32x196xf32>
    %reduce_sum3A_1513 = arith.constant dense<0.000000e+00> : vector<196xf32>
    %reduce_sum3A_1514 = vector.multi_reduction <add>, %mul3A_1512, %reduce_sum3A_1513 [0] : vector<32x196xf32> to vector<196xf32>
    %broadcast_in_dim3A_1515 = vector.shape_cast %reduce_sum3A_1514 : vector<196xf32> to vector<1x196xf32>
    %div3A_1516 = arith.constant 3.200000e+01 : f32
    %div3A_1517 = vector.broadcast %div3A_1516 : f32 to vector<1x196xf32>
    %div3A_1518 = arith.divf %broadcast_in_dim3A_1515, %div3A_1517 : vector<1x196xf32>
    %add3A_1519 = arith.constant 9.99999974E-6 : f32
    %add3A_1520 = vector.broadcast %add3A_1519 : f32 to vector<1x196xf32>
    %add3A_1521 = arith.addf %div3A_1518, %add3A_1520 : vector<1x196xf32>
    %rsqrt3A_1522 = math.rsqrt %add3A_1521 : vector<1x196xf32>
    %mul3A_1523 = vector.broadcast %rsqrt3A_1522 : vector<1x196xf32> to vector<32x196xf32>
    %mul3A_1524 = arith.mulf %sub3A_1511, %mul3A_1523 : vector<32x196xf32>
    %slice3A_1525 = vector.extract_strided_slice %max3A_1458 {offsets = [96, 0], sizes = [32, 196], strides = [1, 1]} : vector<256x196xf32> to vector<32x196xf32>
    %reduce_sum3A_1526 = arith.constant dense<0.000000e+00> : vector<196xf32>
    %reduce_sum3A_1527 = vector.multi_reduction <add>, %slice3A_1525, %reduce_sum3A_1526 [0] : vector<32x196xf32> to vector<196xf32>
    %broadcast_in_dim3A_1528 = vector.shape_cast %reduce_sum3A_1527 : vector<196xf32> to vector<1x196xf32>
    %div3A_1529 = arith.constant 3.200000e+01 : f32
    %div3A_1530 = vector.broadcast %div3A_1529 : f32 to vector<1x196xf32>
    %div3A_1531 = arith.divf %broadcast_in_dim3A_1528, %div3A_1530 : vector<1x196xf32>
    %sub3A_1532 = vector.broadcast %div3A_1531 : vector<1x196xf32> to vector<32x196xf32>
    %sub3A_1533 = arith.subf %slice3A_1525, %sub3A_1532 : vector<32x196xf32>
    %mul3A_1534 = arith.mulf %sub3A_1533, %sub3A_1533 : vector<32x196xf32>
    %reduce_sum3A_1535 = arith.constant dense<0.000000e+00> : vector<196xf32>
    %reduce_sum3A_1536 = vector.multi_reduction <add>, %mul3A_1534, %reduce_sum3A_1535 [0] : vector<32x196xf32> to vector<196xf32>
    %broadcast_in_dim3A_1537 = vector.shape_cast %reduce_sum3A_1536 : vector<196xf32> to vector<1x196xf32>
    %div3A_1538 = arith.constant 3.200000e+01 : f32
    %div3A_1539 = vector.broadcast %div3A_1538 : f32 to vector<1x196xf32>
    %div3A_1540 = arith.divf %broadcast_in_dim3A_1537, %div3A_1539 : vector<1x196xf32>
    %add3A_1541 = arith.constant 9.99999974E-6 : f32
    %add3A_1542 = vector.broadcast %add3A_1541 : f32 to vector<1x196xf32>
    %add3A_1543 = arith.addf %div3A_1540, %add3A_1542 : vector<1x196xf32>
    %rsqrt3A_1544 = math.rsqrt %add3A_1543 : vector<1x196xf32>
    %mul3A_1545 = vector.broadcast %rsqrt3A_1544 : vector<1x196xf32> to vector<32x196xf32>
    %mul3A_1546 = arith.mulf %sub3A_1533, %mul3A_1545 : vector<32x196xf32>
    %slice3A_1547 = vector.extract_strided_slice %max3A_1458 {offsets = [128, 0], sizes = [32, 196], strides = [1, 1]} : vector<256x196xf32> to vector<32x196xf32>
    %reduce_sum3A_1548 = arith.constant dense<0.000000e+00> : vector<196xf32>
    %reduce_sum3A_1549 = vector.multi_reduction <add>, %slice3A_1547, %reduce_sum3A_1548 [0] : vector<32x196xf32> to vector<196xf32>
    %broadcast_in_dim3A_1550 = vector.shape_cast %reduce_sum3A_1549 : vector<196xf32> to vector<1x196xf32>
    %div3A_1551 = arith.constant 3.200000e+01 : f32
    %div3A_1552 = vector.broadcast %div3A_1551 : f32 to vector<1x196xf32>
    %div3A_1553 = arith.divf %broadcast_in_dim3A_1550, %div3A_1552 : vector<1x196xf32>
    %sub3A_1554 = vector.broadcast %div3A_1553 : vector<1x196xf32> to vector<32x196xf32>
    %sub3A_1555 = arith.subf %slice3A_1547, %sub3A_1554 : vector<32x196xf32>
    %mul3A_1556 = arith.mulf %sub3A_1555, %sub3A_1555 : vector<32x196xf32>
    %reduce_sum3A_1557 = arith.constant dense<0.000000e+00> : vector<196xf32>
    %reduce_sum3A_1558 = vector.multi_reduction <add>, %mul3A_1556, %reduce_sum3A_1557 [0] : vector<32x196xf32> to vector<196xf32>
    %broadcast_in_dim3A_1559 = vector.shape_cast %reduce_sum3A_1558 : vector<196xf32> to vector<1x196xf32>
    %div3A_1560 = arith.constant 3.200000e+01 : f32
    %div3A_1561 = vector.broadcast %div3A_1560 : f32 to vector<1x196xf32>
    %div3A_1562 = arith.divf %broadcast_in_dim3A_1559, %div3A_1561 : vector<1x196xf32>
    %add3A_1563 = arith.constant 9.99999974E-6 : f32
    %add3A_1564 = vector.broadcast %add3A_1563 : f32 to vector<1x196xf32>
    %add3A_1565 = arith.addf %div3A_1562, %add3A_1564 : vector<1x196xf32>
    %rsqrt3A_1566 = math.rsqrt %add3A_1565 : vector<1x196xf32>
    %mul3A_1567 = vector.broadcast %rsqrt3A_1566 : vector<1x196xf32> to vector<32x196xf32>
    %mul3A_1568 = arith.mulf %sub3A_1555, %mul3A_1567 : vector<32x196xf32>
    %slice3A_1569 = vector.extract_strided_slice %max3A_1458 {offsets = [160, 0], sizes = [32, 196], strides = [1, 1]} : vector<256x196xf32> to vector<32x196xf32>
    %reduce_sum3A_1570 = arith.constant dense<0.000000e+00> : vector<196xf32>
    %reduce_sum3A_1571 = vector.multi_reduction <add>, %slice3A_1569, %reduce_sum3A_1570 [0] : vector<32x196xf32> to vector<196xf32>
    %broadcast_in_dim3A_1572 = vector.shape_cast %reduce_sum3A_1571 : vector<196xf32> to vector<1x196xf32>
    %div3A_1573 = arith.constant 3.200000e+01 : f32
    %div3A_1574 = vector.broadcast %div3A_1573 : f32 to vector<1x196xf32>
    %div3A_1575 = arith.divf %broadcast_in_dim3A_1572, %div3A_1574 : vector<1x196xf32>
    %sub3A_1576 = vector.broadcast %div3A_1575 : vector<1x196xf32> to vector<32x196xf32>
    %sub3A_1577 = arith.subf %slice3A_1569, %sub3A_1576 : vector<32x196xf32>
    %mul3A_1578 = arith.mulf %sub3A_1577, %sub3A_1577 : vector<32x196xf32>
    %reduce_sum3A_1579 = arith.constant dense<0.000000e+00> : vector<196xf32>
    %reduce_sum3A_1580 = vector.multi_reduction <add>, %mul3A_1578, %reduce_sum3A_1579 [0] : vector<32x196xf32> to vector<196xf32>
    %broadcast_in_dim3A_1581 = vector.shape_cast %reduce_sum3A_1580 : vector<196xf32> to vector<1x196xf32>
    %div3A_1582 = arith.constant 3.200000e+01 : f32
    %div3A_1583 = vector.broadcast %div3A_1582 : f32 to vector<1x196xf32>
    %div3A_1584 = arith.divf %broadcast_in_dim3A_1581, %div3A_1583 : vector<1x196xf32>
    %add3A_1585 = arith.constant 9.99999974E-6 : f32
    %add3A_1586 = vector.broadcast %add3A_1585 : f32 to vector<1x196xf32>
    %add3A_1587 = arith.addf %div3A_1584, %add3A_1586 : vector<1x196xf32>
    %rsqrt3A_1588 = math.rsqrt %add3A_1587 : vector<1x196xf32>
    %mul3A_1589 = vector.broadcast %rsqrt3A_1588 : vector<1x196xf32> to vector<32x196xf32>
    %mul3A_1590 = arith.mulf %sub3A_1577, %mul3A_1589 : vector<32x196xf32>
    %slice3A_1591 = vector.extract_strided_slice %max3A_1458 {offsets = [192, 0], sizes = [32, 196], strides = [1, 1]} : vector<256x196xf32> to vector<32x196xf32>
    %reduce_sum3A_1592 = arith.constant dense<0.000000e+00> : vector<196xf32>
    %reduce_sum3A_1593 = vector.multi_reduction <add>, %slice3A_1591, %reduce_sum3A_1592 [0] : vector<32x196xf32> to vector<196xf32>
    %broadcast_in_dim3A_1594 = vector.shape_cast %reduce_sum3A_1593 : vector<196xf32> to vector<1x196xf32>
    %div3A_1595 = arith.constant 3.200000e+01 : f32
    %div3A_1596 = vector.broadcast %div3A_1595 : f32 to vector<1x196xf32>
    %div3A_1597 = arith.divf %broadcast_in_dim3A_1594, %div3A_1596 : vector<1x196xf32>
    %sub3A_1598 = vector.broadcast %div3A_1597 : vector<1x196xf32> to vector<32x196xf32>
    %sub3A_1599 = arith.subf %slice3A_1591, %sub3A_1598 : vector<32x196xf32>
    %mul3A_1600 = arith.mulf %sub3A_1599, %sub3A_1599 : vector<32x196xf32>
    %reduce_sum3A_1601 = arith.constant dense<0.000000e+00> : vector<196xf32>
    %reduce_sum3A_1602 = vector.multi_reduction <add>, %mul3A_1600, %reduce_sum3A_1601 [0] : vector<32x196xf32> to vector<196xf32>
    %broadcast_in_dim3A_1603 = vector.shape_cast %reduce_sum3A_1602 : vector<196xf32> to vector<1x196xf32>
    %div3A_1604 = arith.constant 3.200000e+01 : f32
    %div3A_1605 = vector.broadcast %div3A_1604 : f32 to vector<1x196xf32>
    %div3A_1606 = arith.divf %broadcast_in_dim3A_1603, %div3A_1605 : vector<1x196xf32>
    %add3A_1607 = arith.constant 9.99999974E-6 : f32
    %add3A_1608 = vector.broadcast %add3A_1607 : f32 to vector<1x196xf32>
    %add3A_1609 = arith.addf %div3A_1606, %add3A_1608 : vector<1x196xf32>
    %rsqrt3A_1610 = math.rsqrt %add3A_1609 : vector<1x196xf32>
    %mul3A_1611 = vector.broadcast %rsqrt3A_1610 : vector<1x196xf32> to vector<32x196xf32>
    %mul3A_1612 = arith.mulf %sub3A_1599, %mul3A_1611 : vector<32x196xf32>
    %slice3A_1613 = vector.extract_strided_slice %max3A_1458 {offsets = [224, 0], sizes = [32, 196], strides = [1, 1]} : vector<256x196xf32> to vector<32x196xf32>
    %reduce_sum3A_1614 = arith.constant dense<0.000000e+00> : vector<196xf32>
    %reduce_sum3A_1615 = vector.multi_reduction <add>, %slice3A_1613, %reduce_sum3A_1614 [0] : vector<32x196xf32> to vector<196xf32>
    %broadcast_in_dim3A_1616 = vector.shape_cast %reduce_sum3A_1615 : vector<196xf32> to vector<1x196xf32>
    %div3A_1617 = arith.constant 3.200000e+01 : f32
    %div3A_1618 = vector.broadcast %div3A_1617 : f32 to vector<1x196xf32>
    %div3A_1619 = arith.divf %broadcast_in_dim3A_1616, %div3A_1618 : vector<1x196xf32>
    %sub3A_1620 = vector.broadcast %div3A_1619 : vector<1x196xf32> to vector<32x196xf32>
    %sub3A_1621 = arith.subf %slice3A_1613, %sub3A_1620 : vector<32x196xf32>
    %mul3A_1622 = arith.mulf %sub3A_1621, %sub3A_1621 : vector<32x196xf32>
    %reduce_sum3A_1623 = arith.constant dense<0.000000e+00> : vector<196xf32>
    %reduce_sum3A_1624 = vector.multi_reduction <add>, %mul3A_1622, %reduce_sum3A_1623 [0] : vector<32x196xf32> to vector<196xf32>
    %broadcast_in_dim3A_1625 = vector.shape_cast %reduce_sum3A_1624 : vector<196xf32> to vector<1x196xf32>
    %div3A_1626 = arith.constant 3.200000e+01 : f32
    %div3A_1627 = vector.broadcast %div3A_1626 : f32 to vector<1x196xf32>
    %div3A_1628 = arith.divf %broadcast_in_dim3A_1625, %div3A_1627 : vector<1x196xf32>
    %add3A_1629 = arith.constant 9.99999974E-6 : f32
    %add3A_1630 = vector.broadcast %add3A_1629 : f32 to vector<1x196xf32>
    %add3A_1631 = arith.addf %div3A_1628, %add3A_1630 : vector<1x196xf32>
    %rsqrt3A_1632 = math.rsqrt %add3A_1631 : vector<1x196xf32>
    %mul3A_1633 = vector.broadcast %rsqrt3A_1632 : vector<1x196xf32> to vector<32x196xf32>
    %mul3A_1634 = arith.mulf %sub3A_1621, %mul3A_1633 : vector<32x196xf32>
    %concatenate3A_1635 = tpu.concatenate %mul3A_1480, %mul3A_1502, %mul3A_1524, %mul3A_1546, %mul3A_1568, %mul3A_1590, %mul3A_1612, %mul3A_1634 in 0 : vector<32x196xf32>, vector<32x196xf32>, vector<32x196xf32>, vector<32x196xf32>, vector<32x196xf32>, vector<32x196xf32>, vector<32x196xf32>, vector<32x196xf32> -> vector<256x196xf32>
    %get3A_1636 = arith.constant 0 : index
    %get3A_1637 = arith.constant 0 : index
    %get3A_1638 = vector.load %arg6[%get3A_1636, %get3A_1637] : memref<256x1xf32, #tpu.memory_space<vmem>>, vector<256x1xf32>
    %mul3A_1639 = vector.broadcast %get3A_1638 : vector<256x1xf32> to vector<256x196xf32>
    %mul3A_1640 = arith.mulf %concatenate3A_1635, %mul3A_1639 : vector<256x196xf32>
    %get3A_1641 = arith.constant 0 : index
    %get3A_1642 = arith.constant 0 : index
    %get3A_1643 = vector.load %arg7[%get3A_1641, %get3A_1642] : memref<256x1xf32, #tpu.memory_space<vmem>>, vector<256x1xf32>
    %add3A_1644 = vector.broadcast %get3A_1643 : vector<256x1xf32> to vector<256x196xf32>
    %add3A_1645 = arith.addf %mul3A_1640, %add3A_1644 : vector<256x196xf32>
    %mul3A_1646 = arith.mulf %add3A_1645, %add3A_1645 : vector<256x196xf32>
    %reduce_sum3A_1647 = arith.constant dense<0.000000e+00> : vector<196xf32>
    %reduce_sum3A_1648 = vector.multi_reduction <add>, %mul3A_1646, %reduce_sum3A_1647 [0] : vector<256x196xf32> to vector<196xf32>
    %broadcast_in_dim3A_1649 = vector.shape_cast %reduce_sum3A_1648 : vector<196xf32> to vector<1x196xf32>
    %dot_general3A_1650 = arith.constant dense<0.000000e+00> : vector<1024x196xf32>
    %dot_general3A_1651 = tpu.matmul %get3A_1, %add3A_1645, %dot_general3A_1650 {dimension_numbers = #tpu.dot_dimension_numbers<[1], [0], [0], [1], [0, 0, 1, 1], [], []>, transpose_lhs_hint = false} : vector<1024x256xf32>, vector<256x196xf32>, vector<1024x196xf32> -> vector<1024x196xf32>
    %mul3A_1652 = arith.constant 2.000000e+00 : f32
    %mul3A_1653 = vector.broadcast %mul3A_1652 : f32 to vector<1024x196xf32>
    %mul3A_1654 = arith.mulf %mul3A_1653, %dot_general3A_1651 : vector<1024x196xf32>
    %sub3A_1655 = vector.broadcast %broadcast_in_dim3A_1649 : vector<1x196xf32> to vector<1024x196xf32>
    %sub3A_1656 = arith.subf %sub3A_1655, %mul3A_1654 : vector<1024x196xf32>
    %add3A_1657 = vector.broadcast %broadcast_in_dim3A : vector<1024x1xf32> to vector<1024x196xf32>
    %add3A_1658 = arith.addf %sub3A_1656, %add3A_1657 : vector<1024x196xf32>
    %reduce_min3A_1659 = arith.constant dense<0x7F800000> : vector<196xf32>
    %reduce_min3A_1660 = vector.multi_reduction <minimumf>, %add3A_1658, %reduce_min3A_1659 [0] : vector<1024x196xf32> to vector<196xf32>
    %broadcast_in_dim3A_1661 = vector.shape_cast %reduce_min3A_1660 : vector<196xf32> to vector<1x196xf32>
    %iota3A_1662 = tpu.iota {dimensions = array<i32: 0>} : vector<1024x196xi32>
    %eq3A_1663 = vector.broadcast %broadcast_in_dim3A_1661 : vector<1x196xf32> to vector<1024x196xf32>
    %eq3A_1664 = arith.cmpf oeq, %add3A_1658, %eq3A_1663 : vector<1024x196xf32>
    %jit3A_1665 = arith.constant 1024 : i32
    %broadcast_in_dim3A_1666 = vector.broadcast %jit3A_1665 : i32 to vector<1024x196xi32>
    %select_n3A_1667 = arith.select %eq3A_1664, %iota3A_1662, %broadcast_in_dim3A_1666 : vector<1024x196xi1>, vector<1024x196xi32>
    %reduce_min3A_1668 = arith.constant dense<2147483647> : vector<196xi32>
    %reduce_min3A_1669 = vector.multi_reduction <minsi>, %select_n3A_1667, %reduce_min3A_1668 [0] : vector<1024x196xi32> to vector<196xi32>
    %get3A_1670 = arith.constant 1344 : index
    %get3A_1671 = arith.constant 0 : index
    %get3A_1672 = vector.load %arg1[%get3A_1670, %get3A_1671] : memref<1536x196xf32, #tpu.memory_space<vmem>>, vector<192x196xf32>
    %get3A_1673 = arith.constant 0 : index
    %get3A_1674 = arith.constant 0 : index
    %get3A_1675 = vector.load %arg2[%get3A_1673, %get3A_1674] : memref<256x192xf32, #tpu.memory_space<vmem>>, vector<256x192xf32>
    %dot_general3A_1676 = arith.constant dense<0.000000e+00> : vector<256x196xf32>
    %dot_general3A_1677 = tpu.matmul %get3A_1675, %get3A_1672, %dot_general3A_1676 {dimension_numbers = #tpu.dot_dimension_numbers<[1], [0], [0], [1], [0, 0, 1, 1], [], []>, transpose_lhs_hint = false} : vector<256x192xf32>, vector<192x196xf32>, vector<256x196xf32> -> vector<256x196xf32>
    %get3A_1678 = arith.constant 0 : index
    %get3A_1679 = arith.constant 0 : index
    %get3A_1680 = vector.load %arg3[%get3A_1678, %get3A_1679] : memref<256x1xf32, #tpu.memory_space<vmem>>, vector<256x1xf32>
    %add3A_1681 = vector.broadcast %get3A_1680 : vector<256x1xf32> to vector<256x196xf32>
    %add3A_1682 = arith.addf %dot_general3A_1677, %add3A_1681 : vector<256x196xf32>
    %max3A_1683 = arith.constant 0.000000e+00 : f32
    %max3A_1684 = vector.broadcast %max3A_1683 : f32 to vector<256x196xf32>
    %max3A_1685 = arith.maximumf %add3A_1682, %max3A_1684 : vector<256x196xf32>
    %get3A_1686 = arith.constant 0 : index
    %get3A_1687 = arith.constant 0 : index
    %get3A_1688 = vector.load %arg4[%get3A_1686, %get3A_1687] : memref<256x256xf32, #tpu.memory_space<vmem>>, vector<256x256xf32>
    %dot_general3A_1689 = arith.constant dense<0.000000e+00> : vector<256x196xf32>
    %dot_general3A_1690 = tpu.matmul %get3A_1688, %max3A_1685, %dot_general3A_1689 {dimension_numbers = #tpu.dot_dimension_numbers<[1], [0], [0], [1], [0, 0, 1, 1], [], []>, transpose_lhs_hint = false} : vector<256x256xf32>, vector<256x196xf32>, vector<256x196xf32> -> vector<256x196xf32>
    %get3A_1691 = arith.constant 0 : index
    %get3A_1692 = arith.constant 0 : index
    %get3A_1693 = vector.load %arg5[%get3A_1691, %get3A_1692] : memref<256x1xf32, #tpu.memory_space<vmem>>, vector<256x1xf32>
    %add3A_1694 = vector.broadcast %get3A_1693 : vector<256x1xf32> to vector<256x196xf32>
    %add3A_1695 = arith.addf %dot_general3A_1690, %add3A_1694 : vector<256x196xf32>
    %max3A_1696 = arith.constant 0.000000e+00 : f32
    %max3A_1697 = vector.broadcast %max3A_1696 : f32 to vector<256x196xf32>
    %max3A_1698 = arith.maximumf %add3A_1695, %max3A_1697 : vector<256x196xf32>
    %slice3A_1699 = vector.extract_strided_slice %max3A_1698 {offsets = [0, 0], sizes = [32, 196], strides = [1, 1]} : vector<256x196xf32> to vector<32x196xf32>
    %reduce_sum3A_1700 = arith.constant dense<0.000000e+00> : vector<196xf32>
    %reduce_sum3A_1701 = vector.multi_reduction <add>, %slice3A_1699, %reduce_sum3A_1700 [0] : vector<32x196xf32> to vector<196xf32>
    %broadcast_in_dim3A_1702 = vector.shape_cast %reduce_sum3A_1701 : vector<196xf32> to vector<1x196xf32>
    %div3A_1703 = arith.constant 3.200000e+01 : f32
    %div3A_1704 = vector.broadcast %div3A_1703 : f32 to vector<1x196xf32>
    %div3A_1705 = arith.divf %broadcast_in_dim3A_1702, %div3A_1704 : vector<1x196xf32>
    %sub3A_1706 = vector.broadcast %div3A_1705 : vector<1x196xf32> to vector<32x196xf32>
    %sub3A_1707 = arith.subf %slice3A_1699, %sub3A_1706 : vector<32x196xf32>
    %mul3A_1708 = arith.mulf %sub3A_1707, %sub3A_1707 : vector<32x196xf32>
    %reduce_sum3A_1709 = arith.constant dense<0.000000e+00> : vector<196xf32>
    %reduce_sum3A_1710 = vector.multi_reduction <add>, %mul3A_1708, %reduce_sum3A_1709 [0] : vector<32x196xf32> to vector<196xf32>
    %broadcast_in_dim3A_1711 = vector.shape_cast %reduce_sum3A_1710 : vector<196xf32> to vector<1x196xf32>
    %div3A_1712 = arith.constant 3.200000e+01 : f32
    %div3A_1713 = vector.broadcast %div3A_1712 : f32 to vector<1x196xf32>
    %div3A_1714 = arith.divf %broadcast_in_dim3A_1711, %div3A_1713 : vector<1x196xf32>
    %add3A_1715 = arith.constant 9.99999974E-6 : f32
    %add3A_1716 = vector.broadcast %add3A_1715 : f32 to vector<1x196xf32>
    %add3A_1717 = arith.addf %div3A_1714, %add3A_1716 : vector<1x196xf32>
    %rsqrt3A_1718 = math.rsqrt %add3A_1717 : vector<1x196xf32>
    %mul3A_1719 = vector.broadcast %rsqrt3A_1718 : vector<1x196xf32> to vector<32x196xf32>
    %mul3A_1720 = arith.mulf %sub3A_1707, %mul3A_1719 : vector<32x196xf32>
    %slice3A_1721 = vector.extract_strided_slice %max3A_1698 {offsets = [32, 0], sizes = [32, 196], strides = [1, 1]} : vector<256x196xf32> to vector<32x196xf32>
    %reduce_sum3A_1722 = arith.constant dense<0.000000e+00> : vector<196xf32>
    %reduce_sum3A_1723 = vector.multi_reduction <add>, %slice3A_1721, %reduce_sum3A_1722 [0] : vector<32x196xf32> to vector<196xf32>
    %broadcast_in_dim3A_1724 = vector.shape_cast %reduce_sum3A_1723 : vector<196xf32> to vector<1x196xf32>
    %div3A_1725 = arith.constant 3.200000e+01 : f32
    %div3A_1726 = vector.broadcast %div3A_1725 : f32 to vector<1x196xf32>
    %div3A_1727 = arith.divf %broadcast_in_dim3A_1724, %div3A_1726 : vector<1x196xf32>
    %sub3A_1728 = vector.broadcast %div3A_1727 : vector<1x196xf32> to vector<32x196xf32>
    %sub3A_1729 = arith.subf %slice3A_1721, %sub3A_1728 : vector<32x196xf32>
    %mul3A_1730 = arith.mulf %sub3A_1729, %sub3A_1729 : vector<32x196xf32>
    %reduce_sum3A_1731 = arith.constant dense<0.000000e+00> : vector<196xf32>
    %reduce_sum3A_1732 = vector.multi_reduction <add>, %mul3A_1730, %reduce_sum3A_1731 [0] : vector<32x196xf32> to vector<196xf32>
    %broadcast_in_dim3A_1733 = vector.shape_cast %reduce_sum3A_1732 : vector<196xf32> to vector<1x196xf32>
    %div3A_1734 = arith.constant 3.200000e+01 : f32
    %div3A_1735 = vector.broadcast %div3A_1734 : f32 to vector<1x196xf32>
    %div3A_1736 = arith.divf %broadcast_in_dim3A_1733, %div3A_1735 : vector<1x196xf32>
    %add3A_1737 = arith.constant 9.99999974E-6 : f32
    %add3A_1738 = vector.broadcast %add3A_1737 : f32 to vector<1x196xf32>
    %add3A_1739 = arith.addf %div3A_1736, %add3A_1738 : vector<1x196xf32>
    %rsqrt3A_1740 = math.rsqrt %add3A_1739 : vector<1x196xf32>
    %mul3A_1741 = vector.broadcast %rsqrt3A_1740 : vector<1x196xf32> to vector<32x196xf32>
    %mul3A_1742 = arith.mulf %sub3A_1729, %mul3A_1741 : vector<32x196xf32>
    %slice3A_1743 = vector.extract_strided_slice %max3A_1698 {offsets = [64, 0], sizes = [32, 196], strides = [1, 1]} : vector<256x196xf32> to vector<32x196xf32>
    %reduce_sum3A_1744 = arith.constant dense<0.000000e+00> : vector<196xf32>
    %reduce_sum3A_1745 = vector.multi_reduction <add>, %slice3A_1743, %reduce_sum3A_1744 [0] : vector<32x196xf32> to vector<196xf32>
    %broadcast_in_dim3A_1746 = vector.shape_cast %reduce_sum3A_1745 : vector<196xf32> to vector<1x196xf32>
    %div3A_1747 = arith.constant 3.200000e+01 : f32
    %div3A_1748 = vector.broadcast %div3A_1747 : f32 to vector<1x196xf32>
    %div3A_1749 = arith.divf %broadcast_in_dim3A_1746, %div3A_1748 : vector<1x196xf32>
    %sub3A_1750 = vector.broadcast %div3A_1749 : vector<1x196xf32> to vector<32x196xf32>
    %sub3A_1751 = arith.subf %slice3A_1743, %sub3A_1750 : vector<32x196xf32>
    %mul3A_1752 = arith.mulf %sub3A_1751, %sub3A_1751 : vector<32x196xf32>
    %reduce_sum3A_1753 = arith.constant dense<0.000000e+00> : vector<196xf32>
    %reduce_sum3A_1754 = vector.multi_reduction <add>, %mul3A_1752, %reduce_sum3A_1753 [0] : vector<32x196xf32> to vector<196xf32>
    %broadcast_in_dim3A_1755 = vector.shape_cast %reduce_sum3A_1754 : vector<196xf32> to vector<1x196xf32>
    %div3A_1756 = arith.constant 3.200000e+01 : f32
    %div3A_1757 = vector.broadcast %div3A_1756 : f32 to vector<1x196xf32>
    %div3A_1758 = arith.divf %broadcast_in_dim3A_1755, %div3A_1757 : vector<1x196xf32>
    %add3A_1759 = arith.constant 9.99999974E-6 : f32
    %add3A_1760 = vector.broadcast %add3A_1759 : f32 to vector<1x196xf32>
    %add3A_1761 = arith.addf %div3A_1758, %add3A_1760 : vector<1x196xf32>
    %rsqrt3A_1762 = math.rsqrt %add3A_1761 : vector<1x196xf32>
    %mul3A_1763 = vector.broadcast %rsqrt3A_1762 : vector<1x196xf32> to vector<32x196xf32>
    %mul3A_1764 = arith.mulf %sub3A_1751, %mul3A_1763 : vector<32x196xf32>
    %slice3A_1765 = vector.extract_strided_slice %max3A_1698 {offsets = [96, 0], sizes = [32, 196], strides = [1, 1]} : vector<256x196xf32> to vector<32x196xf32>
    %reduce_sum3A_1766 = arith.constant dense<0.000000e+00> : vector<196xf32>
    %reduce_sum3A_1767 = vector.multi_reduction <add>, %slice3A_1765, %reduce_sum3A_1766 [0] : vector<32x196xf32> to vector<196xf32>
    %broadcast_in_dim3A_1768 = vector.shape_cast %reduce_sum3A_1767 : vector<196xf32> to vector<1x196xf32>
    %div3A_1769 = arith.constant 3.200000e+01 : f32
    %div3A_1770 = vector.broadcast %div3A_1769 : f32 to vector<1x196xf32>
    %div3A_1771 = arith.divf %broadcast_in_dim3A_1768, %div3A_1770 : vector<1x196xf32>
    %sub3A_1772 = vector.broadcast %div3A_1771 : vector<1x196xf32> to vector<32x196xf32>
    %sub3A_1773 = arith.subf %slice3A_1765, %sub3A_1772 : vector<32x196xf32>
    %mul3A_1774 = arith.mulf %sub3A_1773, %sub3A_1773 : vector<32x196xf32>
    %reduce_sum3A_1775 = arith.constant dense<0.000000e+00> : vector<196xf32>
    %reduce_sum3A_1776 = vector.multi_reduction <add>, %mul3A_1774, %reduce_sum3A_1775 [0] : vector<32x196xf32> to vector<196xf32>
    %broadcast_in_dim3A_1777 = vector.shape_cast %reduce_sum3A_1776 : vector<196xf32> to vector<1x196xf32>
    %div3A_1778 = arith.constant 3.200000e+01 : f32
    %div3A_1779 = vector.broadcast %div3A_1778 : f32 to vector<1x196xf32>
    %div3A_1780 = arith.divf %broadcast_in_dim3A_1777, %div3A_1779 : vector<1x196xf32>
    %add3A_1781 = arith.constant 9.99999974E-6 : f32
    %add3A_1782 = vector.broadcast %add3A_1781 : f32 to vector<1x196xf32>
    %add3A_1783 = arith.addf %div3A_1780, %add3A_1782 : vector<1x196xf32>
    %rsqrt3A_1784 = math.rsqrt %add3A_1783 : vector<1x196xf32>
    %mul3A_1785 = vector.broadcast %rsqrt3A_1784 : vector<1x196xf32> to vector<32x196xf32>
    %mul3A_1786 = arith.mulf %sub3A_1773, %mul3A_1785 : vector<32x196xf32>
    %slice3A_1787 = vector.extract_strided_slice %max3A_1698 {offsets = [128, 0], sizes = [32, 196], strides = [1, 1]} : vector<256x196xf32> to vector<32x196xf32>
    %reduce_sum3A_1788 = arith.constant dense<0.000000e+00> : vector<196xf32>
    %reduce_sum3A_1789 = vector.multi_reduction <add>, %slice3A_1787, %reduce_sum3A_1788 [0] : vector<32x196xf32> to vector<196xf32>
    %broadcast_in_dim3A_1790 = vector.shape_cast %reduce_sum3A_1789 : vector<196xf32> to vector<1x196xf32>
    %div3A_1791 = arith.constant 3.200000e+01 : f32
    %div3A_1792 = vector.broadcast %div3A_1791 : f32 to vector<1x196xf32>
    %div3A_1793 = arith.divf %broadcast_in_dim3A_1790, %div3A_1792 : vector<1x196xf32>
    %sub3A_1794 = vector.broadcast %div3A_1793 : vector<1x196xf32> to vector<32x196xf32>
    %sub3A_1795 = arith.subf %slice3A_1787, %sub3A_1794 : vector<32x196xf32>
    %mul3A_1796 = arith.mulf %sub3A_1795, %sub3A_1795 : vector<32x196xf32>
    %reduce_sum3A_1797 = arith.constant dense<0.000000e+00> : vector<196xf32>
    %reduce_sum3A_1798 = vector.multi_reduction <add>, %mul3A_1796, %reduce_sum3A_1797 [0] : vector<32x196xf32> to vector<196xf32>
    %broadcast_in_dim3A_1799 = vector.shape_cast %reduce_sum3A_1798 : vector<196xf32> to vector<1x196xf32>
    %div3A_1800 = arith.constant 3.200000e+01 : f32
    %div3A_1801 = vector.broadcast %div3A_1800 : f32 to vector<1x196xf32>
    %div3A_1802 = arith.divf %broadcast_in_dim3A_1799, %div3A_1801 : vector<1x196xf32>
    %add3A_1803 = arith.constant 9.99999974E-6 : f32
    %add3A_1804 = vector.broadcast %add3A_1803 : f32 to vector<1x196xf32>
    %add3A_1805 = arith.addf %div3A_1802, %add3A_1804 : vector<1x196xf32>
    %rsqrt3A_1806 = math.rsqrt %add3A_1805 : vector<1x196xf32>
    %mul3A_1807 = vector.broadcast %rsqrt3A_1806 : vector<1x196xf32> to vector<32x196xf32>
    %mul3A_1808 = arith.mulf %sub3A_1795, %mul3A_1807 : vector<32x196xf32>
    %slice3A_1809 = vector.extract_strided_slice %max3A_1698 {offsets = [160, 0], sizes = [32, 196], strides = [1, 1]} : vector<256x196xf32> to vector<32x196xf32>
    %reduce_sum3A_1810 = arith.constant dense<0.000000e+00> : vector<196xf32>
    %reduce_sum3A_1811 = vector.multi_reduction <add>, %slice3A_1809, %reduce_sum3A_1810 [0] : vector<32x196xf32> to vector<196xf32>
    %broadcast_in_dim3A_1812 = vector.shape_cast %reduce_sum3A_1811 : vector<196xf32> to vector<1x196xf32>
    %div3A_1813 = arith.constant 3.200000e+01 : f32
    %div3A_1814 = vector.broadcast %div3A_1813 : f32 to vector<1x196xf32>
    %div3A_1815 = arith.divf %broadcast_in_dim3A_1812, %div3A_1814 : vector<1x196xf32>
    %sub3A_1816 = vector.broadcast %div3A_1815 : vector<1x196xf32> to vector<32x196xf32>
    %sub3A_1817 = arith.subf %slice3A_1809, %sub3A_1816 : vector<32x196xf32>
    %mul3A_1818 = arith.mulf %sub3A_1817, %sub3A_1817 : vector<32x196xf32>
    %reduce_sum3A_1819 = arith.constant dense<0.000000e+00> : vector<196xf32>
    %reduce_sum3A_1820 = vector.multi_reduction <add>, %mul3A_1818, %reduce_sum3A_1819 [0] : vector<32x196xf32> to vector<196xf32>
    %broadcast_in_dim3A_1821 = vector.shape_cast %reduce_sum3A_1820 : vector<196xf32> to vector<1x196xf32>
    %div3A_1822 = arith.constant 3.200000e+01 : f32
    %div3A_1823 = vector.broadcast %div3A_1822 : f32 to vector<1x196xf32>
    %div3A_1824 = arith.divf %broadcast_in_dim3A_1821, %div3A_1823 : vector<1x196xf32>
    %add3A_1825 = arith.constant 9.99999974E-6 : f32
    %add3A_1826 = vector.broadcast %add3A_1825 : f32 to vector<1x196xf32>
    %add3A_1827 = arith.addf %div3A_1824, %add3A_1826 : vector<1x196xf32>
    %rsqrt3A_1828 = math.rsqrt %add3A_1827 : vector<1x196xf32>
    %mul3A_1829 = vector.broadcast %rsqrt3A_1828 : vector<1x196xf32> to vector<32x196xf32>
    %mul3A_1830 = arith.mulf %sub3A_1817, %mul3A_1829 : vector<32x196xf32>
    %slice3A_1831 = vector.extract_strided_slice %max3A_1698 {offsets = [192, 0], sizes = [32, 196], strides = [1, 1]} : vector<256x196xf32> to vector<32x196xf32>
    %reduce_sum3A_1832 = arith.constant dense<0.000000e+00> : vector<196xf32>
    %reduce_sum3A_1833 = vector.multi_reduction <add>, %slice3A_1831, %reduce_sum3A_1832 [0] : vector<32x196xf32> to vector<196xf32>
    %broadcast_in_dim3A_1834 = vector.shape_cast %reduce_sum3A_1833 : vector<196xf32> to vector<1x196xf32>
    %div3A_1835 = arith.constant 3.200000e+01 : f32
    %div3A_1836 = vector.broadcast %div3A_1835 : f32 to vector<1x196xf32>
    %div3A_1837 = arith.divf %broadcast_in_dim3A_1834, %div3A_1836 : vector<1x196xf32>
    %sub3A_1838 = vector.broadcast %div3A_1837 : vector<1x196xf32> to vector<32x196xf32>
    %sub3A_1839 = arith.subf %slice3A_1831, %sub3A_1838 : vector<32x196xf32>
    %mul3A_1840 = arith.mulf %sub3A_1839, %sub3A_1839 : vector<32x196xf32>
    %reduce_sum3A_1841 = arith.constant dense<0.000000e+00> : vector<196xf32>
    %reduce_sum3A_1842 = vector.multi_reduction <add>, %mul3A_1840, %reduce_sum3A_1841 [0] : vector<32x196xf32> to vector<196xf32>
    %broadcast_in_dim3A_1843 = vector.shape_cast %reduce_sum3A_1842 : vector<196xf32> to vector<1x196xf32>
    %div3A_1844 = arith.constant 3.200000e+01 : f32
    %div3A_1845 = vector.broadcast %div3A_1844 : f32 to vector<1x196xf32>
    %div3A_1846 = arith.divf %broadcast_in_dim3A_1843, %div3A_1845 : vector<1x196xf32>
    %add3A_1847 = arith.constant 9.99999974E-6 : f32
    %add3A_1848 = vector.broadcast %add3A_1847 : f32 to vector<1x196xf32>
    %add3A_1849 = arith.addf %div3A_1846, %add3A_1848 : vector<1x196xf32>
    %rsqrt3A_1850 = math.rsqrt %add3A_1849 : vector<1x196xf32>
    %mul3A_1851 = vector.broadcast %rsqrt3A_1850 : vector<1x196xf32> to vector<32x196xf32>
    %mul3A_1852 = arith.mulf %sub3A_1839, %mul3A_1851 : vector<32x196xf32>
    %slice3A_1853 = vector.extract_strided_slice %max3A_1698 {offsets = [224, 0], sizes = [32, 196], strides = [1, 1]} : vector<256x196xf32> to vector<32x196xf32>
    %reduce_sum3A_1854 = arith.constant dense<0.000000e+00> : vector<196xf32>
    %reduce_sum3A_1855 = vector.multi_reduction <add>, %slice3A_1853, %reduce_sum3A_1854 [0] : vector<32x196xf32> to vector<196xf32>
    %broadcast_in_dim3A_1856 = vector.shape_cast %reduce_sum3A_1855 : vector<196xf32> to vector<1x196xf32>
    %div3A_1857 = arith.constant 3.200000e+01 : f32
    %div3A_1858 = vector.broadcast %div3A_1857 : f32 to vector<1x196xf32>
    %div3A_1859 = arith.divf %broadcast_in_dim3A_1856, %div3A_1858 : vector<1x196xf32>
    %sub3A_1860 = vector.broadcast %div3A_1859 : vector<1x196xf32> to vector<32x196xf32>
    %sub3A_1861 = arith.subf %slice3A_1853, %sub3A_1860 : vector<32x196xf32>
    %mul3A_1862 = arith.mulf %sub3A_1861, %sub3A_1861 : vector<32x196xf32>
    %reduce_sum3A_1863 = arith.constant dense<0.000000e+00> : vector<196xf32>
    %reduce_sum3A_1864 = vector.multi_reduction <add>, %mul3A_1862, %reduce_sum3A_1863 [0] : vector<32x196xf32> to vector<196xf32>
    %broadcast_in_dim3A_1865 = vector.shape_cast %reduce_sum3A_1864 : vector<196xf32> to vector<1x196xf32>
    %div3A_1866 = arith.constant 3.200000e+01 : f32
    %div3A_1867 = vector.broadcast %div3A_1866 : f32 to vector<1x196xf32>
    %div3A_1868 = arith.divf %broadcast_in_dim3A_1865, %div3A_1867 : vector<1x196xf32>
    %add3A_1869 = arith.constant 9.99999974E-6 : f32
    %add3A_1870 = vector.broadcast %add3A_1869 : f32 to vector<1x196xf32>
    %add3A_1871 = arith.addf %div3A_1868, %add3A_1870 : vector<1x196xf32>
    %rsqrt3A_1872 = math.rsqrt %add3A_1871 : vector<1x196xf32>
    %mul3A_1873 = vector.broadcast %rsqrt3A_1872 : vector<1x196xf32> to vector<32x196xf32>
    %mul3A_1874 = arith.mulf %sub3A_1861, %mul3A_1873 : vector<32x196xf32>
    %concatenate3A_1875 = tpu.concatenate %mul3A_1720, %mul3A_1742, %mul3A_1764, %mul3A_1786, %mul3A_1808, %mul3A_1830, %mul3A_1852, %mul3A_1874 in 0 : vector<32x196xf32>, vector<32x196xf32>, vector<32x196xf32>, vector<32x196xf32>, vector<32x196xf32>, vector<32x196xf32>, vector<32x196xf32>, vector<32x196xf32> -> vector<256x196xf32>
    %get3A_1876 = arith.constant 0 : index
    %get3A_1877 = arith.constant 0 : index
    %get3A_1878 = vector.load %arg6[%get3A_1876, %get3A_1877] : memref<256x1xf32, #tpu.memory_space<vmem>>, vector<256x1xf32>
    %mul3A_1879 = vector.broadcast %get3A_1878 : vector<256x1xf32> to vector<256x196xf32>
    %mul3A_1880 = arith.mulf %concatenate3A_1875, %mul3A_1879 : vector<256x196xf32>
    %get3A_1881 = arith.constant 0 : index
    %get3A_1882 = arith.constant 0 : index
    %get3A_1883 = vector.load %arg7[%get3A_1881, %get3A_1882] : memref<256x1xf32, #tpu.memory_space<vmem>>, vector<256x1xf32>
    %add3A_1884 = vector.broadcast %get3A_1883 : vector<256x1xf32> to vector<256x196xf32>
    %add3A_1885 = arith.addf %mul3A_1880, %add3A_1884 : vector<256x196xf32>
    %mul3A_1886 = arith.mulf %add3A_1885, %add3A_1885 : vector<256x196xf32>
    %reduce_sum3A_1887 = arith.constant dense<0.000000e+00> : vector<196xf32>
    %reduce_sum3A_1888 = vector.multi_reduction <add>, %mul3A_1886, %reduce_sum3A_1887 [0] : vector<256x196xf32> to vector<196xf32>
    %broadcast_in_dim3A_1889 = vector.shape_cast %reduce_sum3A_1888 : vector<196xf32> to vector<1x196xf32>
    %dot_general3A_1890 = arith.constant dense<0.000000e+00> : vector<1024x196xf32>
    %dot_general3A_1891 = tpu.matmul %get3A_1, %add3A_1885, %dot_general3A_1890 {dimension_numbers = #tpu.dot_dimension_numbers<[1], [0], [0], [1], [0, 0, 1, 1], [], []>, transpose_lhs_hint = false} : vector<1024x256xf32>, vector<256x196xf32>, vector<1024x196xf32> -> vector<1024x196xf32>
    %mul3A_1892 = arith.constant 2.000000e+00 : f32
    %mul3A_1893 = vector.broadcast %mul3A_1892 : f32 to vector<1024x196xf32>
    %mul3A_1894 = arith.mulf %mul3A_1893, %dot_general3A_1891 : vector<1024x196xf32>
    %sub3A_1895 = vector.broadcast %broadcast_in_dim3A_1889 : vector<1x196xf32> to vector<1024x196xf32>
    %sub3A_1896 = arith.subf %sub3A_1895, %mul3A_1894 : vector<1024x196xf32>
    %add3A_1897 = vector.broadcast %broadcast_in_dim3A : vector<1024x1xf32> to vector<1024x196xf32>
    %add3A_1898 = arith.addf %sub3A_1896, %add3A_1897 : vector<1024x196xf32>
    %reduce_min3A_1899 = arith.constant dense<0x7F800000> : vector<196xf32>
    %reduce_min3A_1900 = vector.multi_reduction <minimumf>, %add3A_1898, %reduce_min3A_1899 [0] : vector<1024x196xf32> to vector<196xf32>
    %broadcast_in_dim3A_1901 = vector.shape_cast %reduce_min3A_1900 : vector<196xf32> to vector<1x196xf32>
    %iota3A_1902 = tpu.iota {dimensions = array<i32: 0>} : vector<1024x196xi32>
    %eq3A_1903 = vector.broadcast %broadcast_in_dim3A_1901 : vector<1x196xf32> to vector<1024x196xf32>
    %eq3A_1904 = arith.cmpf oeq, %add3A_1898, %eq3A_1903 : vector<1024x196xf32>
    %jit3A_1905 = arith.constant 1024 : i32
    %broadcast_in_dim3A_1906 = vector.broadcast %jit3A_1905 : i32 to vector<1024x196xi32>
    %select_n3A_1907 = arith.select %eq3A_1904, %iota3A_1902, %broadcast_in_dim3A_1906 : vector<1024x196xi1>, vector<1024x196xi32>
    %reduce_min3A_1908 = arith.constant dense<2147483647> : vector<196xi32>
    %reduce_min3A_1909 = vector.multi_reduction <minsi>, %select_n3A_1907, %reduce_min3A_1908 [0] : vector<1024x196xi32> to vector<196xi32>
    %concatenate3A_1910 = tpu.concatenate %reduce_min3A_229, %reduce_min3A_469, %reduce_min3A_709, %reduce_min3A_949, %reduce_min3A_1189, %reduce_min3A_1429, %reduce_min3A_1669, %reduce_min3A_1909 in 0 : vector<196xi32>, vector<196xi32>, vector<196xi32>, vector<196xi32>, vector<196xi32>, vector<196xi32>, vector<196xi32>, vector<196xi32> -> vector<1568xi32>
    %reshape3A = vector.shape_cast %concatenate3A_1910 : vector<1568xi32> to vector<1x1x1568xi32>
    %swap3A = arith.constant 0 : index
    %swap3A_1911 = arith.constant 0 : index
    %swap3A_1912 = arith.constant 0 : index
    %swap3A_1913 = vector.load %arg9[%swap3A, %swap3A_1911, %swap3A_1912] : memref<1x1x1568xi32, #tpu.memory_space<vmem>>, vector<1x1x1568xi32>
    tpu.vector_store %arg9[%swap3A, %swap3A_1911, %swap3A_1912], %reshape3A {strides = array<i32>} : memref<1x1x1568xi32, #tpu.memory_space<vmem>>, vector<1x1x1568xi32>,
    return
  }
  func.func @transform_0(%arg0: i32) -> (i32, i32) {
    %c0_i32 = arith.constant 0 : i32
    %c0_i32_0 = arith.constant 0 : i32
    return %arg0, %c0_i32 : i32, i32
  }
  func.func @transform_1(%arg0: i32) -> (i32, i32) {
    %c0_i32 = arith.constant 0 : i32
    %c0_i32_0 = arith.constant 0 : i32
    %c0_i32_1 = arith.constant 0 : i32
    return %c0_i32, %c0_i32_0 : i32, i32
  }
  func.func @transform_2(%arg0: i32) -> (i32, i32) {
    %c0_i32 = arith.constant 0 : i32
    %c0_i32_0 = arith.constant 0 : i32
    %c0_i32_1 = arith.constant 0 : i32
    return %c0_i32, %c0_i32_0 : i32, i32
  }
  func.func @transform_3(%arg0: i32) -> (i32, i32) {
    %c0_i32 = arith.constant 0 : i32
    %c0_i32_0 = arith.constant 0 : i32
    %c0_i32_1 = arith.constant 0 : i32
    return %c0_i32, %c0_i32_0 : i32, i32
  }
  func.func @transform_4(%arg0: i32) -> (i32, i32) {
    %c0_i32 = arith.constant 0 : i32
    %c0_i32_0 = arith.constant 0 : i32
    %c0_i32_1 = arith.constant 0 : i32
    return %c0_i32, %c0_i32_0 : i32, i32
  }
  func.func @transform_5(%arg0: i32) -> (i32, i32) {
    %c0_i32 = arith.constant 0 : i32
    %c0_i32_0 = arith.constant 0 : i32
    %c0_i32_1 = arith.constant 0 : i32
    return %c0_i32, %c0_i32_0 : i32, i32
  }
  func.func @transform_6(%arg0: i32) -> (i32, i32) {
    %c0_i32 = arith.constant 0 : i32
    %c0_i32_0 = arith.constant 0 : i32
    %c0_i32_1 = arith.constant 0 : i32
    return %c0_i32, %c0_i32_0 : i32, i32
  }
  func.func @transform_7(%arg0: i32) -> (i32, i32) {
    %c0_i32 = arith.constant 0 : i32
    %c0_i32_0 = arith.constant 0 : i32
    %c0_i32_1 = arith.constant 0 : i32
    return %c0_i32, %c0_i32_0 : i32, i32
  }
  func.func @transform_8(%arg0: i32) -> (i32, i32, i32) {
    %c0_i32 = arith.constant 0 : i32
    %c0_i32_0 = arith.constant 0 : i32
    %c0_i32_1 = arith.constant 0 : i32
    return %arg0, %c0_i32, %c0_i32_0 : i32, i32, i32
  }
}

</mosaic_0001>

<sc_bundles>
// kernel: kernel.5.cloned.1.call-start
scs
__scs_entry_jumppad:
0x0: {  	(pc) =	sbr.rel $0x88, $3  }
0x1: {  	(tag) =	ssettag $0x0;
	lr =	simm.s32 $0x1  }
0x2: {  	[smem:$0x3F97] =	sst lr;
	_ =	strace $0xD0000000  }
0x3: {  	_ = 	snop  }
0x4: {  	_ = 	snop  }
0x5: {  	_ = 	snop  }
0x6: {  	_ = 	snop  }
0x7: {  	_ = 	snop  }
__scs_overlays_trampoline_lowered:
0x8: {  	[smem:$0x3FA6] =	sst s0  }
0x9: {  	[smem:$0x3FA7] =	sst s1  }
0xa: {  	[smem:$0x3FA8] =	sst s2  }
0xb: {  	[smem:$0x3FA9] =	sst s3  }
0xc: {  	[smem:$0x3FAA] =	sst s4  }
0xd: {  	[smem:$0x3FAB] =	sst s5  }
0xe: {  	[smem:$0x3FAC] =	sst s6  }
0xf: {  	[smem:$0x3FAD] =	sst s7  }
0x10: {  	[smem:$0x3FAE] =	sst s8  }
0x11: {  	[smem:$0x3FAF] =	sst s9;
	s0 =	simm.s32 @!p0 $0x0  }
0x12: {  	s1 =	sld [smem:$0x3F95];
	s0 =	simm.s32 @p0 $0x1  }
0x13: {  	[smem:$0x3FB0] =	sst s0;
	s0 =	simm.s32 @!p1 $0x0  }
0x14: {  	s2 =	sld [smem:$0x3F94];
	s0 =	simm.s32 @p1 $0x1  }
0x15: {  	[smem:$0x3FB1] =	sst s0;
	s0 =	simm.s32 @!p2 $0x0  }
0x16: {  	s3 =	sld [smem:$0x3FDB];
	s0 =	simm.s32 @p2 $0x1  }
0x17: {  	s4 =	simm.s32 $0x1BF5;
	[smem:$0x3FB3] =	sst s0  }
0x18: {  	s0 =	sld [smem:$0x3F96];
	_ =	swait.ge [sflag:s4], $0x0  }
0x19: {  	s7 =	sld [smem:$0x3F97]  }
0x1a: {  	s8 =	sadd.s32 $0xFFFFE003, lr  }
0x1b: {  	s9 =	sadd.s32 $0xFFFFFEF7, lr;
	s5 =	simm.s32 $0xFFFFFFFF;
	p2 =	slt.u32 s8, $0xFFFFF086  }
0x1c: {  	p1 =	slt.u32 s9, $0xF7A;
	s5 =	simm.s32 @!p2 $0x0  }
0x1d: {  	s5 =	simm.s32 @p1 $0x1;
	p0 =	seq.s32 s7, s2  }
0x1e: {  	s7 =	smul.u32 @!p0 $0xF7A, s2;
	p2 =	seq.s32 @!p0 s5, $0x0  }
0x1f: {  	s9 =	smul.u32 $0xF7A, s1;
	s8 =	simm.s32 @!p0 $0x1BF5;
	p2 =	por !p2, p0  }
0x20: {  	[sflag:s8] =	ssyncset.s32 @!p0 $0xFFFFF086;
	s6 =	sadd.s32 @!p0 s3, s7;
	s7 =	simm.s32 @!p0 $0x108  }
0x21: {  	s3 =	sadd.s32 s3, s9;
	s6 =	sadd.s32 @!p0 $0x88, s6;
	s7 =	simm.s32 @p2 $0x1082  }
0x22: {  	[simem:s7], [sflag:s8] =	dma.local @!p0 [hbm:s6], $0xF7A  }
0x23: {  	s9 =	sor.u32 $0xD0000000, s2;
	s6 =	simm.s32 $0x108;
	_ =	swait.ge @!p0 [sflag:s8], $0x0  }
0x24: {  	s3 =	sadd.s32 $0x88, s3;
	s6 =	simm.s32 @!p1 $0x1082;
	[sflag:s4] =	ssyncset.s32 $0xFFFFF086  }
0x25: {  	[simem:s6], [sflag:s4] =	dma.local [hbm:s3], $0xF7A  }
0x26: {  	[smem:$0x3F97] =	sst s1;
	(tag) =	ssettag s2;
	_ =	strace s9  }
0x27: {  	s1 =	sld [smem:$0x3FA7]  }
0x28: {  	s2 =	sld [smem:$0x3FA8]  }
0x29: {  	s4 =	sld [smem:$0x3FAA]  }
0x2a: {  	p0 =	seq.s32 s5, $0x0;
	s5 =	sld [smem:$0x3FAB]  }
0x2b: {  	s6 =	sld [smem:$0x3FAC]  }
0x2c: {  	s7 =	sld [smem:$0x3FAD]  }
0x2d: {  	s3 =	simm.s32 $0x108;
	s8 =	sld [smem:$0x3FAE]  }
0x2e: {  	s3 =	simm.s32 @!p0 $0x1082;
	s9 =	sld [smem:$0x3FAF]  }
0x2f: {  	lr =	sadd.s32 s0, s3;
	s0 =	sld [smem:$0x3FA6]  }
0x30: {  	s3 =	sld [smem:$0x3FA9]  }
0x31: {  	[smem:$0x3FB2] =	sst s10  }
0x32: {  	s10 =	sld [smem:$0x3FB0];
	_ =	sdelay $0x3  }
0x33: {  	p0 =	seq.s32 s10, $0x1;
	s10 =	sld [smem:$0x3FB2];
	_ =	sdelay $0x3  }
0x34: {  	[smem:$0x3FB2] =	sst s10  }
0x35: {  	s10 =	sld [smem:$0x3FB1];
	_ =	sdelay $0x3  }
0x36: {  	p1 =	seq.s32 s10, $0x1;
	s10 =	sld [smem:$0x3FB2];
	_ =	sdelay $0x3  }
0x37: {  	[smem:$0x3FB2] =	sst s10  }
0x38: {  	s10 =	sld [smem:$0x3FB3]  }
0x39: {  	_ = 	snop;
	(pc) =	sbr.ind lr, $3  }
0x3a: {  	_ = 	snop  }
0x3b: {  	_ = 	snop  }
0x3c: {  	p2 =	seq.s32 s10, $0x1;
	s10 =	sld [smem:$0x3FB2]  }
0x3d: {  	_ =	shalt  }
0x3e: {  	_ =	shalt  }
0x3f: {  	_ =	shalt  }
0x40: {  	_ =	shalt  }
0x41: {  	_ =	shalt  }
0x42: {  	_ =	shalt  }
0x43: {  	_ =	shalt  }
0x44: {  	_ =	shalt  }
0x45: {  	_ =	shalt  }
0x46: {  	_ =	shalt  }
0x47: {  	_ =	shalt  }
0x48: {  	_ =	shalt  }
0x49: {  	_ =	shalt  }
0x4a: {  	_ =	shalt  }
0x4b: {  	_ =	shalt  }
0x4c: {  	_ =	shalt  }
0x4d: {  	_ =	shalt  }
0x4e: {  	_ =	shalt  }
0x4f: {  	_ =	shalt  }
0x50: {  	_ =	shalt  }
0x51: {  	_ =	shalt  }
0x52: {  	_ =	shalt  }
0x53: {  	_ =	shalt  }
0x54: {  	_ =	shalt  }
0x55: {  	_ =	shalt  }
0x56: {  	_ =	shalt  }
0x57: {  	_ =	shalt  }
0x58: {  	_ =	shalt  }
0x59: {  	_ =	shalt  }
0x5a: {  	_ =	shalt  }
0x5b: {  	_ =	shalt  }
0x5c: {  	_ =	shalt  }
0x5d: {  	_ =	shalt  }
0x5e: {  	_ =	shalt  }
0x5f: {  	_ =	shalt  }
0x60: {  	_ =	shalt  }
0x61: {  	_ =	shalt  }
0x62: {  	_ =	shalt  }
0x63: {  	_ =	shalt  }
0x64: {  	_ =	shalt  }
0x65: {  	_ =	shalt  }
0x66: {  	_ =	shalt  }
0x67: {  	_ =	shalt  }
0x68: {  	_ =	shalt  }
0x69: {  	_ =	shalt  }
0x6a: {  	_ =	shalt  }
0x6b: {  	_ =	shalt  }
0x6c: {  	_ =	shalt  }
0x6d: {  	_ =	shalt  }
0x6e: {  	_ =	shalt  }
0x6f: {  	_ =	shalt  }
0x70: {  	_ =	shalt  }
0x71: {  	_ =	shalt  }
0x72: {  	_ =	shalt  }
0x73: {  	_ =	shalt  }
0x74: {  	_ =	shalt  }
0x75: {  	_ =	shalt  }
0x76: {  	_ =	shalt  }
0x77: {  	_ =	shalt  }
0x78: {  	_ =	shalt  }
0x79: {  	_ =	shalt  }
0x7a: {  	_ =	shalt  }
0x7b: {  	_ =	shalt  }
0x7c: {  	_ =	shalt  }
0x7d: {  	_ =	shalt  }
0x7e: {  	_ =	shalt  }
0x7f: {  	_ =	shalt  }
0x80: {  	_ =	shalt  }
0x81: {  	_ =	shalt  }
0x82: {  	_ =	shalt  }
0x83: {  	_ =	shalt  }
0x84: {  	_ =	shalt  }
0x85: {  	_ =	shalt  }
0x86: {  	_ =	shalt  }
0x87: {  	_ =	shalt  }
.Lfunc_end0:
.L_simem_size_0:
called_computation_lowered:
.L_overlay_start_0:
0x88: {  	s2 =	sld [smem:$0x3FD9]  }
0x89: {  	s3 =	sld [smem:$0x3FFE];
	_ =	sdelay $0x1  }
0x8a: {  	s1 =	srdreg.scid  }
0x8b: {  	s0 =	sand.u32 $0x1, s1  }
0x8c: {  	s17 =	sshll.u32 s0, $0xA;
	s2 =	sadd.s32 s3, s2  }
0x8d: {  	s2 =	sadd.s32 s2, s17  }
0x8e: {  	[smem:$0x3FBE] =	sst s2  }
0x8f: {  	_ = 	snop  }
0x90: {  	s2 =	sld [smem:$0x3FC2]  }
0x91: {  	s18 =	sld [smem:$0x3FD0];
	(tm) =	ssettm $0x1  }
0x92: {  	s4 =	sld [smem:$0x3FFB];
	_ =	sdelay $0x3  }
0x93: {  	_ =	strace s4  }
0x94: {  	s4 =	sld [smem:$0x3FFC];
	_ =	sdelay $0x3  }
0x95: {  	_ =	strace s4  }
0x96: {  	s4 =	sld [smem:$0x3FFD];
	_ =	sdelay $0x3  }
0x97: {  	_ =	strace s4  }
0x98: {  	_ =	strace $0x8FFFFFFF  }
0x99: {  	s19 =	sld [smem:$0x3FDB];
	_ =	sdelay $0x1  }
0x9a: {  	s5 =	simm.s32 $_scs_section_size  }
0x9b: {  	s6 =	simm.s32 $_size__tile_overlayer_lowered;
	s7 =	simm.s32 $_tile_overlayer_lowered  }
0x9c: {  	s22 =	simm.s32 $0x1BFF;
	s21 =	sshll.u32 s7, $0x1;
	s4 =	sadd.s32 s5, s19  }
0x9d: {  	s8 =	simm.s32 $0x0;
	s20 =	sshll.u32 s6, $0x1;
	s6 =	sadd.s32 s21, s4  }
0x9e: {  	[timem:s8], [sflag:s22] =	dma.local [hbm:s6], s20  }
0x9f: {  	_ =	swait.ge [sflag:s22], s20  }
0xa0: {  	s5 =	ssub.s32 $0x0, s20;
	[sflag:s22] =	ssyncset.done $0x0  }
0xa1: {  	[sflag:s22] =	ssyncadd.s32 s5;
	_ =	sdelay $0x1  }
0xa2: {  	s23 =	simm.s32 $0x1B8B  }
0xa3: {  	_ =	swait.ge [sflag:s23], $0x1  }
0xa4: {  	[sflag:s23] =	ssyncset.done $0x0  }
0xa5: {  	s25 =	simm.s32 $0x1B8E;
	s24 =	sld [smem:$0x3FFE];
	[sflag:s23] =	ssyncadd.s32 $0xFFFFFFFF  }
0xa6: {  	s26 =	simm.s32 $execute0_lowered;
	[smem:$0x3FD2] =	sst s25  }
0xa7: {  	s6 =	sshll.u32 s26, $0x1;
	_ =	strace $0x80000046;
	[dreg:$0x1] =	wrdreg $0xFFFFFFFF  }
0xa8: {  	s28 =	simm.s32 $_size_execute0_lowered;
	s4 =	sadd.s32 s4, s6;
	[dreg:$0x0] =	wrdreg $0x0  }
0xa9: {  	s6 =	sshll.u32 s28, $0x1;
	[dreg:$0x2] =	wrdreg s4  }
0xaa: {  	[dreg:$0x3] =	wrdreg s6  }
0xab: {  	[dreg:$0x4] =	wrdreg $0xC0  }
0xac: {  	_ =	task [dreg:s8], $0x5FFFF  }
0xad: {  	[dreg:$0x1] =	wrdreg $0xFFFFFFFF  }
0xae: {  	[dreg:$0x0] =	wrdreg $0x60  }
0xaf: {  	[dreg:$0x2] =	wrdreg s2  }
0xb0: {  	[dreg:$0x3] =	wrdreg s18  }
0xb1: {  	[dreg:$0x4] =	wrdreg s24  }
0xb2: {  	[dreg:$0x5] =	wrdreg $0x9  }
0xb3: {  	_ =	task.clear_ibuf [dreg:s8], $0x6FFFF;
	_ =	strace $0x90000046  }
0xb4: {  	s29 =	simm.s32 $0x9;
	_ =	strace $0x80000048  }
0xb5: {  	_ =	swait.ge [sflag:s29], $0x1  }
0xb6: {  	[sflag:s29] =	ssyncadd.s32 $0xFFFFFFFF  }
0xb7: {  	_ =	strace $0x90000048  }
0xb8: {  	_ =	sfence  }
0xb9: {  	s30 =	sld [smem:$0x0];
	_ =	sdelay $0x2  }
0xba: {  	s31 =	sshll.u32 s1, $0xD;
	s1 =	sshrl.u32 s1, $0x2  }
0xbb: {  	s3 =	sand.u32 $0x4000, s31;
	s1 =	sadd.s32 s1, s30  }
0xbc: {  	s0 =	sor.u32 s3, s0;
	s1 =	sshll.u32 s1, $0x11  }
0xbd: {  	s0 =	sor.u32 s1, s0  }
0xbe: {  	s0 =	sadd.s32 $0x8F2B, s0  }
0xbf: {  	[sflag:s0] =	ssyncadd.remote.s32 $0x1  }
0xc0: {  	_ =	sfence.sel $0xFFFF  }
0xc1: {  	[dreg:$0x0] =	wrdreg $0xFFFFFFFF;
	(pc) =	sbr.abs _section_cstart, $3  }
0xc2: {  	[dreg:$0x1] =	wrdreg $0xFFFFFFFF  }
0xc3: {  	_ =	task.clear_ibuf [dreg:s8], $0x2FFFF;
	_ =	strace $0x9FFFFFFF  }
0xc4: {  	(tm) =	ssettm $0x7FFFFFFF  }
0xc5: {  	_ =	shalt  }
tec
execute0_lowered:
.L_overlay_start_1:
0x0: {  	(tag) =	ssettag $0x1  }
0x1: {  	s0 =	srdreg.scid  }
0x2: {  	s7 =	stileid.u32;
	s4 =	rddreg [dreg:$0x1]  }
0x3: {  	s5 =	rddreg [dreg:$0x2];
	s6 =	simm.s32 $0x1;
	s3 =	simm.s32 $0x0  }
0x4: {  	s10 =	simm.s32 $0xE80;
	s11 =	simm.s32 $0x1680;
	s12 =	simm.s32 $0x1E80  }
0x5: {  	s13 =	simm.s32 $0x2680;
	s14 =	simm.s32 $0x2E80;
	s15 =	simm.s32 $0x3680  }
0x6: {  	s16 =	simm.s32 $0x3E80;
	s17 =	simm.s32 $0x4680;
	s18 =	simm.s32 $0x4E80  }
0x7: {  	s19 =	simm.s32 $0x5680;
	s20 =	simm.s32 $0x5E80;
	s21 =	simm.s32 $0x6680  }
0x8: {  	s22 =	simm.s32 $0x6E80;
	s23 =	simm.s32 $0x7680;
	s28 =	simm.s32 $0x9680  }
0x9: {  	s29 =	simm.s32 $0x9E80;
	s0 =	sand.u32 $0x1, s0;
	s1 =	sshll.u32 s7, $0x1  }
0xa: {  	s30 =	simm.s32 $0xA680;
	s31 =	simm.s32 $0xAE80;
	s2 =	sor.u32 s0, s1  }
0xb: {  	[smem:$0x7FF] =	sst s3;
	p0 =	seq.s32 s0, $0x1;
	p1 =	seq.s32 s2, $0x0  }
0xc: {  	s5 =	sadd.s32 $0xC00, s5;
	s1 =	rddreg [dreg:$0x0];
	p1 =	por !p1, !p0  }
0xd: {  	_ =	strace $0x80000047;
	s0 =	ssub.s32 $0x2, s0;
	p1 =	por !p1, !p1  }
0xe: {  	s24 =	smul.u32 $0x31000, s2;
	s8 =	sshrl.u32 s0, $0x1;
	s6 =	simm.s32 @!p1 $0x0  }
0xf: {  	s2 =	smul.u32 $0x6200, s2;
	s0 =	ssub.s32 s0, s8;
	s6 =	ssub.s32 s7, s6  }
0x10: {  	s8 =	simm.s32 $0xC680;
	s25 =	sshrl.u32 s24, $0x3;
	s6 =	smul.u32 $0x680, s6  }
0x11: {  	s2 =	sadd.s32 s5, s2;
	s24 =	simm.s32 $0x7E80;
	s5 =	sadd.s32 s5, s25  }
0x12: {  	[dreg:$0x5] =	wrdreg s2;
	s26 =	sadd.s32 $0x3100, s5;
	s6 =	sshrl.u32 s6, $0x3  }
0x13: {  	v2 =	vlaneseq.u32;
	s2 =	simm.s32 $0x2;
	[dreg:$0x6] =	wrdreg s26;
	s4 =	sadd.s32 s4, s6  }
0x14: {  	vm0 =	vmmov $0xffff;
	v1 =	vshrl.u32 v2, $0x3;
	s25 =	simm.s32 $0x8680;
	[dreg:$0x4] =	wrdreg s4;
	s4 =	simm.s32 $0x310  }
0x15: {  	v0 =	vand.u32 $0x7, v2;
	v2 =	vor.u32 $0x8, v2;
	v1 =	vmul.u32 $0x8, v1;
	s26 =	simm.s32 $0x8E80;
	s6 =	smax.u32 s0, $0x1;
	s4 =	simm.s32 @!p0 $0x0  }
.LBB2_1:
0x16: {  	s9 =	rddreg [dreg:$0x4]  }
0x17: {  	[tilespmem:s3], [sflag:$0x2] =	stream.linear.gather [hbm4b:s9+s3], $0x680, $0x38;
	[tilespmem:$0x18E80] =	vst v63  }
0x18: {  	_ =	swait.ge [sflag:s2], $0x680  }
0x19: {  	[sflag:s2] =	ssyncset.done $0x0  }
0x1a: {  	[sflag:s2] =	ssyncadd.s32 $0xFFFFF980  }
0x1b: {  	v3 =	vld [tilespmem:s4+$0x0];
	_ =	sdelay $0x4  }
0x1c: {  	v4 =	vshll.u32 v3, $0x1  }
0x1d: {  	v3 =	vand.u32 $0x7, v3;
	v4 =	vand.u32 $0xFFFFFFF0, v4  }
0x1e: {  	v3 =	vor.u32 v3, v4  }
0x1f: {  	v4 =	vperm.xlane v3, v0;
	_ =	sdelay $0x1  }
0x20: {  	v3 =	vperm.xlane v3, v2;
	v4 =	vadd.s32 v1, v4;
	_ =	sdelay $0x1  }
0x21: {  	v3 =	vadd.s32 v1, v3;
	_ =	sdelay $0x1  }
0x22: {  	s0 =	simm.s32 $0x680  }
0x23: {  	[tilespmem:s0], [sflag:$0x1] =	stream.indirect_vreg.gather [hbm4b:s1+s3], $0x80, v4, vm0, $0xb8;
	[tilespmem:$0x18E80] =	vst v63  }
0x24: {  	_ = 	snop  }
0x25: {  	[tilespmem:s10], [sflag:$0x1] =	stream.indirect_vreg.gather [hbm4b:s1+s3], $0x80, v3, vm0, $0xb8;
	[tilespmem:$0x18E80] =	vst v63  }
0x26: {  	v3 =	vld [tilespmem:s4+$0x10];
	_ =	sdelay $0x4  }
0x27: {  	v15 =	vshll.u32 v3, $0x1  }
0x28: {  	v3 =	vand.u32 $0x7, v3;
	v4 =	vand.u32 $0xFFFFFFF0, v15  }
0x29: {  	v3 =	vor.u32 v3, v4  }
0x2a: {  	v4 =	vperm.xlane v3, v0;
	_ =	sdelay $0x1  }
0x2b: {  	v3 =	vperm.xlane v3, v2;
	v4 =	vadd.s32 v1, v4;
	_ =	sdelay $0x1  }
0x2c: {  	v3 =	vadd.s32 v1, v3;
	_ =	sdelay $0x2  }
0x2d: {  	[tilespmem:s11], [sflag:$0x1] =	stream.indirect_vreg.gather [hbm4b:s1+s3], $0x80, v4, vm0, $0xb8;
	[tilespmem:$0x18E80] =	vst v63  }
0x2e: {  	_ = 	snop  }
0x2f: {  	[tilespmem:s12], [sflag:$0x1] =	stream.indirect_vreg.gather [hbm4b:s1+s3], $0x80, v3, vm0, $0xb8;
	[tilespmem:$0x18E80] =	vst v63  }
0x30: {  	v3 =	vld [tilespmem:s4+$0x20];
	_ =	sdelay $0x4  }
0x31: {  	v16 =	vshll.u32 v3, $0x1  }
0x32: {  	v3 =	vand.u32 $0x7, v3;
	v4 =	vand.u32 $0xFFFFFFF0, v16  }
0x33: {  	v3 =	vor.u32 v3, v4  }
0x34: {  	v4 =	vperm.xlane v3, v0;
	_ =	sdelay $0x1  }
0x35: {  	v3 =	vperm.xlane v3, v2;
	v4 =	vadd.s32 v1, v4;
	_ =	sdelay $0x1  }
0x36: {  	v3 =	vadd.s32 v1, v3;
	_ =	sdelay $0x2  }
0x37: {  	[tilespmem:s13], [sflag:$0x1] =	stream.indirect_vreg.gather [hbm4b:s1+s3], $0x80, v4, vm0, $0xb8;
	[tilespmem:$0x18E80] =	vst v63  }
0x38: {  	_ = 	snop  }
0x39: {  	[tilespmem:s14], [sflag:$0x1] =	stream.indirect_vreg.gather [hbm4b:s1+s3], $0x80, v3, vm0, $0xb8;
	[tilespmem:$0x18E80] =	vst v63  }
0x3a: {  	v3 =	vld [tilespmem:s4+$0x30];
	_ =	sdelay $0x4  }
0x3b: {  	v17 =	vshll.u32 v3, $0x1  }
0x3c: {  	v3 =	vand.u32 $0x7, v3;
	v4 =	vand.u32 $0xFFFFFFF0, v17  }
0x3d: {  	v3 =	vor.u32 v3, v4  }
0x3e: {  	v4 =	vperm.xlane v3, v0;
	_ =	sdelay $0x1  }
0x3f: {  	v3 =	vperm.xlane v3, v2;
	v4 =	vadd.s32 v1, v4;
	_ =	sdelay $0x1  }
0x40: {  	v3 =	vadd.s32 v1, v3;
	_ =	sdelay $0x2  }
0x41: {  	[tilespmem:s15], [sflag:$0x1] =	stream.indirect_vreg.gather [hbm4b:s1+s3], $0x80, v4, vm0, $0xb8;
	[tilespmem:$0x18E80] =	vst v63  }
0x42: {  	_ = 	snop  }
0x43: {  	[tilespmem:s16], [sflag:$0x1] =	stream.indirect_vreg.gather [hbm4b:s1+s3], $0x80, v3, vm0, $0xb8;
	[tilespmem:$0x18E80] =	vst v63  }
0x44: {  	v3 =	vld [tilespmem:s4+$0x40];
	_ =	sdelay $0x4  }
0x45: {  	v18 =	vshll.u32 v3, $0x1  }
0x46: {  	v3 =	vand.u32 $0x7, v3;
	v4 =	vand.u32 $0xFFFFFFF0, v18  }
0x47: {  	v3 =	vor.u32 v3, v4  }
0x48: {  	v4 =	vperm.xlane v3, v0;
	_ =	sdelay $0x1  }
0x49: {  	v3 =	vperm.xlane v3, v2;
	v4 =	vadd.s32 v1, v4;
	_ =	sdelay $0x1  }
0x4a: {  	v3 =	vadd.s32 v1, v3;
	_ =	sdelay $0x2  }
0x4b: {  	[tilespmem:s17], [sflag:$0x1] =	stream.indirect_vreg.gather [hbm4b:s1+s3], $0x80, v4, vm0, $0xb8;
	[tilespmem:$0x18E80] =	vst v63  }
0x4c: {  	_ = 	snop  }
0x4d: {  	[tilespmem:s18], [sflag:$0x1] =	stream.indirect_vreg.gather [hbm4b:s1+s3], $0x80, v3, vm0, $0xb8;
	[tilespmem:$0x18E80] =	vst v63  }
0x4e: {  	v3 =	vld [tilespmem:s4+$0x50];
	_ =	sdelay $0x4  }
0x4f: {  	v19 =	vshll.u32 v3, $0x1  }
0x50: {  	v3 =	vand.u32 $0x7, v3;
	v4 =	vand.u32 $0xFFFFFFF0, v19  }
0x51: {  	v3 =	vor.u32 v3, v4  }
0x52: {  	v4 =	vperm.xlane v3, v0;
	_ =	sdelay $0x1  }
0x53: {  	v3 =	vperm.xlane v3, v2;
	v4 =	vadd.s32 v1, v4;
	_ =	sdelay $0x1  }
0x54: {  	v3 =	vadd.s32 v1, v3;
	_ =	sdelay $0x2  }
0x55: {  	[tilespmem:s19], [sflag:$0x1] =	stream.indirect_vreg.gather [hbm4b:s1+s3], $0x80, v4, vm0, $0xb8;
	[tilespmem:$0x18E80] =	vst v63  }
0x56: {  	_ = 	snop  }
0x57: {  	[tilespmem:s20], [sflag:$0x1] =	stream.indirect_vreg.gather [hbm4b:s1+s3], $0x80, v3, vm0, $0xb8;
	[tilespmem:$0x18E80] =	vst v63  }
0x58: {  	v3 =	vld [tilespmem:s4+$0x60];
	_ =	sdelay $0x4  }
0x59: {  	v20 =	vshll.u32 v3, $0x1  }
0x5a: {  	v3 =	vand.u32 $0x7, v3;
	v4 =	vand.u32 $0xFFFFFFF0, v20  }
0x5b: {  	v3 =	vor.u32 v3, v4  }
0x5c: {  	v4 =	vperm.xlane v3, v0;
	_ =	sdelay $0x1  }
0x5d: {  	v3 =	vperm.xlane v3, v2;
	v4 =	vadd.s32 v1, v4;
	_ =	sdelay $0x1  }
0x5e: {  	v3 =	vadd.s32 v1, v3;
	_ =	sdelay $0x2  }
0x5f: {  	[tilespmem:s21], [sflag:$0x1] =	stream.indirect_vreg.gather [hbm4b:s1+s3], $0x80, v4, vm0, $0xb8;
	[tilespmem:$0x18E80] =	vst v63  }
0x60: {  	_ = 	snop  }
0x61: {  	[tilespmem:s22], [sflag:$0x1] =	stream.indirect_vreg.gather [hbm4b:s1+s3], $0x80, v3, vm0, $0xb8;
	[tilespmem:$0x18E80] =	vst v63  }
0x62: {  	v3 =	vld [tilespmem:s4+$0x70];
	_ =	sdelay $0x4  }
0x63: {  	v21 =	vshll.u32 v3, $0x1  }
0x64: {  	v3 =	vand.u32 $0x7, v3;
	v4 =	vand.u32 $0xFFFFFFF0, v21  }
0x65: {  	v3 =	vor.u32 v3, v4  }
0x66: {  	v4 =	vperm.xlane v3, v0;
	_ =	sdelay $0x1  }
0x67: {  	v3 =	vperm.xlane v3, v2;
	v4 =	vadd.s32 v1, v4;
	_ =	sdelay $0x1  }
0x68: {  	v3 =	vadd.s32 v1, v3;
	_ =	sdelay $0x2  }
0x69: {  	[tilespmem:s23], [sflag:$0x1] =	stream.indirect_vreg.gather [hbm4b:s1+s3], $0x80, v4, vm0, $0xb8;
	[tilespmem:$0x18E80] =	vst v63  }
0x6a: {  	_ = 	snop  }
0x6b: {  	[tilespmem:s24], [sflag:$0x1] =	stream.indirect_vreg.gather [hbm4b:s1+s3], $0x80, v3, vm0, $0xb8;
	[tilespmem:$0x18E80] =	vst v63  }
0x6c: {  	v3 =	vld [tilespmem:s4+$0x80];
	_ =	sdelay $0x4  }
0x6d: {  	v22 =	vshll.u32 v3, $0x1  }
0x6e: {  	v3 =	vand.u32 $0x7, v3;
	v4 =	vand.u32 $0xFFFFFFF0, v22  }
0x6f: {  	v3 =	vor.u32 v3, v4  }
0x70: {  	v4 =	vperm.xlane v3, v0;
	_ =	sdelay $0x1  }
0x71: {  	v3 =	vperm.xlane v3, v2;
	v4 =	vadd.s32 v1, v4;
	_ =	sdelay $0x1  }
0x72: {  	v3 =	vadd.s32 v1, v3;
	_ =	sdelay $0x2  }
0x73: {  	[tilespmem:s25], [sflag:$0x1] =	stream.indirect_vreg.gather [hbm4b:s1+s3], $0x80, v4, vm0, $0xb8;
	[tilespmem:$0x18E80] =	vst v63  }
0x74: {  	_ = 	snop  }
0x75: {  	[tilespmem:s26], [sflag:$0x1] =	stream.indirect_vreg.gather [hbm4b:s1+s3], $0x80, v3, vm0, $0xb8;
	[tilespmem:$0x18E80] =	vst v63  }
0x76: {  	v3 =	vld [tilespmem:s4+$0x90];
	_ =	sdelay $0x4  }
0x77: {  	v23 =	vshll.u32 v3, $0x1  }
0x78: {  	v3 =	vand.u32 $0x7, v3;
	v4 =	vand.u32 $0xFFFFFFF0, v23  }
0x79: {  	v3 =	vor.u32 v3, v4  }
0x7a: {  	v4 =	vperm.xlane v3, v0;
	_ =	sdelay $0x1  }
0x7b: {  	v3 =	vperm.xlane v3, v2;
	v4 =	vadd.s32 v1, v4;
	_ =	sdelay $0x1  }
0x7c: {  	v3 =	vadd.s32 v1, v3;
	_ =	sdelay $0x2  }
0x7d: {  	[tilespmem:s28], [sflag:$0x1] =	stream.indirect_vreg.gather [hbm4b:s1+s3], $0x80, v4, vm0, $0xb8;
	[tilespmem:$0x18E80] =	vst v63  }
0x7e: {  	_ = 	snop  }
0x7f: {  	[tilespmem:s29], [sflag:$0x1] =	stream.indirect_vreg.gather [hbm4b:s1+s3], $0x80, v3, vm0, $0xb8;
	[tilespmem:$0x18E80] =	vst v63  }
0x80: {  	v3 =	vld [tilespmem:s4+$0xA0];
	_ =	sdelay $0x4  }
0x81: {  	v24 =	vshll.u32 v3, $0x1  }
0x82: {  	v3 =	vand.u32 $0x7, v3;
	v4 =	vand.u32 $0xFFFFFFF0, v24  }
0x83: {  	v3 =	vor.u32 v3, v4  }
0x84: {  	v4 =	vperm.xlane v3, v0;
	_ =	sdelay $0x1  }
0x85: {  	v3 =	vperm.xlane v3, v2;
	v4 =	vadd.s32 v1, v4;
	_ =	sdelay $0x1  }
0x86: {  	v3 =	vadd.s32 v1, v3;
	_ =	sdelay $0x2  }
0x87: {  	[tilespmem:s30], [sflag:$0x1] =	stream.indirect_vreg.gather [hbm4b:s1+s3], $0x80, v4, vm0, $0xb8;
	[tilespmem:$0x18E80] =	vst v63  }
0x88: {  	_ = 	snop  }
0x89: {  	[tilespmem:s31], [sflag:$0x1] =	stream.indirect_vreg.gather [hbm4b:s1+s3], $0x80, v3, vm0, $0xb8;
	[tilespmem:$0x18E80] =	vst v63  }
0x8a: {  	v3 =	vld [tilespmem:s4+$0xB0];
	_ =	sdelay $0x4  }
0x8b: {  	v25 =	vshll.u32 v3, $0x1  }
0x8c: {  	v3 =	vand.u32 $0x7, v3;
	v4 =	vand.u32 $0xFFFFFFF0, v25  }
0x8d: {  	v3 =	vor.u32 v3, v4  }
0x8e: {  	v4 =	vperm.xlane v3, v0;
	_ =	sdelay $0x1  }
0x8f: {  	v3 =	vperm.xlane v3, v2;
	v4 =	vadd.s32 v1, v4;
	_ =	sdelay $0x1  }
0x90: {  	v3 =	vadd.s32 v1, v3;
	_ =	sdelay $0x1  }
0x91: {  	s9 =	simm.s32 $0xB680  }
0x92: {  	[tilespmem:s9], [sflag:$0x1] =	stream.indirect_vreg.gather [hbm4b:s1+s3], $0x80, v4, vm0, $0xb8;
	[tilespmem:$0x18E80] =	vst v63  }
0x93: {  	s5 =	simm.s32 $0xBE80  }
0x94: {  	[tilespmem:s5], [sflag:$0x1] =	stream.indirect_vreg.gather [hbm4b:s1+s3], $0x80, v3, vm0, $0xb8;
	[tilespmem:$0x18E80] =	vst v63  }
0x95: {  	v3 =	vld [tilespmem:s4+$0xC0];
	_ =	sdelay $0x4  }
0x96: {  	v26 =	vshll.u32 v3, $0x1  }
0x97: {  	v3 =	vand.u32 $0x7, v3;
	v4 =	vand.u32 $0xFFFFFFF0, v26  }
0x98: {  	v3 =	vor.u32 v3, v4  }
0x99: {  	v4 =	vperm.xlane v3, v0;
	_ =	sdelay $0x1  }
0x9a: {  	v3 =	vperm.xlane v3, v2;
	v4 =	vadd.s32 v1, v4;
	_ =	sdelay $0x1  }
0x9b: {  	v3 =	vadd.s32 v1, v3;
	_ =	sdelay $0x2  }
0x9c: {  	[tilespmem:s8], [sflag:$0x1] =	stream.indirect_vreg.gather [hbm4b:s1+s3], $0x80, v4, vm0, $0xb8;
	[tilespmem:$0x18E80] =	vst v63  }
0x9d: {  	s5 =	simm.s32 $0xCE80  }
0x9e: {  	[tilespmem:s5], [sflag:$0x1] =	stream.indirect_vreg.gather [hbm4b:s1+s3], $0x80, v3, vm0, $0xb8;
	[tilespmem:$0x18E80] =	vst v63  }
0x9f: {  	v3 =	vld [tilespmem:s4+$0xD0];
	_ =	sdelay $0x4  }
0xa0: {  	v27 =	vshll.u32 v3, $0x1  }
0xa1: {  	v3 =	vand.u32 $0x7, v3;
	v4 =	vand.u32 $0xFFFFFFF0, v27  }
0xa2: {  	v3 =	vor.u32 v3, v4  }
0xa3: {  	v4 =	vperm.xlane v3, v0;
	_ =	sdelay $0x1  }
0xa4: {  	v3 =	vperm.xlane v3, v2;
	v4 =	vadd.s32 v1, v4;
	_ =	sdelay $0x1  }
0xa5: {  	v3 =	vadd.s32 v1, v3;
	_ =	sdelay $0x1  }
0xa6: {  	s7 =	simm.s32 $0xD680  }
0xa7: {  	[tilespmem:s7], [sflag:$0x1] =	stream.indirect_vreg.gather [hbm4b:s1+s3], $0x80, v4, vm0, $0xb8;
	[tilespmem:$0x18E80] =	vst v63  }
0xa8: {  	s9 =	simm.s32 $0xDE80  }
0xa9: {  	[tilespmem:s9], [sflag:$0x1] =	stream.indirect_vreg.gather [hbm4b:s1+s3], $0x80, v3, vm0, $0xb8;
	[tilespmem:$0x18E80] =	vst v63  }
0xaa: {  	v3 =	vld [tilespmem:s4+$0xE0];
	_ =	sdelay $0x4  }
0xab: {  	v28 =	vshll.u32 v3, $0x1  }
0xac: {  	v3 =	vand.u32 $0x7, v3;
	v4 =	vand.u32 $0xFFFFFFF0, v28  }
0xad: {  	v3 =	vor.u32 v3, v4  }
0xae: {  	v4 =	vperm.xlane v3, v0;
	_ =	sdelay $0x1  }
0xaf: {  	v3 =	vperm.xlane v3, v2;
	v4 =	vadd.s32 v1, v4;
	_ =	sdelay $0x1  }
0xb0: {  	v3 =	vadd.s32 v1, v3;
	_ =	sdelay $0x1  }
0xb1: {  	s7 =	simm.s32 $0xE680  }
0xb2: {  	[tilespmem:s7], [sflag:$0x1] =	stream.indirect_vreg.gather [hbm4b:s1+s3], $0x80, v4, vm0, $0xb8;
	[tilespmem:$0x18E80] =	vst v63  }
0xb3: {  	s9 =	simm.s32 $0xEE80  }
0xb4: {  	[tilespmem:s9], [sflag:$0x1] =	stream.indirect_vreg.gather [hbm4b:s1+s3], $0x80, v3, vm0, $0xb8;
	[tilespmem:$0x18E80] =	vst v63  }
0xb5: {  	v3 =	vld [tilespmem:s4+$0xF0];
	_ =	sdelay $0x4  }
0xb6: {  	v29 =	vshll.u32 v3, $0x1  }
0xb7: {  	v3 =	vand.u32 $0x7, v3;
	v4 =	vand.u32 $0xFFFFFFF0, v29  }
0xb8: {  	v3 =	vor.u32 v3, v4  }
0xb9: {  	v4 =	vperm.xlane v3, v0;
	_ =	sdelay $0x1  }
0xba: {  	v3 =	vperm.xlane v3, v2;
	v4 =	vadd.s32 v1, v4;
	_ =	sdelay $0x1  }
0xbb: {  	v3 =	vadd.s32 v1, v3;
	_ =	sdelay $0x1  }
0xbc: {  	s7 =	simm.s32 $0xF680  }
0xbd: {  	[tilespmem:s7], [sflag:$0x1] =	stream.indirect_vreg.gather [hbm4b:s1+s3], $0x80, v4, vm0, $0xb8;
	[tilespmem:$0x18E80] =	vst v63  }
0xbe: {  	s9 =	simm.s32 $0xFE80  }
0xbf: {  	[tilespmem:s9], [sflag:$0x1] =	stream.indirect_vreg.gather [hbm4b:s1+s3], $0x80, v3, vm0, $0xb8;
	[tilespmem:$0x18E80] =	vst v63  }
0xc0: {  	v3 =	vld [tilespmem:s4+$0x100];
	_ =	sdelay $0x4  }
0xc1: {  	v30 =	vshll.u32 v3, $0x1  }
0xc2: {  	v3 =	vand.u32 $0x7, v3;
	v4 =	vand.u32 $0xFFFFFFF0, v30  }
0xc3: {  	v3 =	vor.u32 v3, v4  }
0xc4: {  	v4 =	vperm.xlane v3, v0;
	_ =	sdelay $0x1  }
0xc5: {  	v3 =	vperm.xlane v3, v2;
	v4 =	vadd.s32 v1, v4;
	_ =	sdelay $0x1  }
0xc6: {  	v3 =	vadd.s32 v1, v3;
	_ =	sdelay $0x1  }
0xc7: {  	s7 =	simm.s32 $0x10680  }
0xc8: {  	[tilespmem:s7], [sflag:$0x1] =	stream.indirect_vreg.gather [hbm4b:s1+s3], $0x80, v4, vm0, $0xb8;
	[tilespmem:$0x18E80] =	vst v63  }
0xc9: {  	s9 =	simm.s32 $0x10E80  }
0xca: {  	[tilespmem:s9], [sflag:$0x1] =	stream.indirect_vreg.gather [hbm4b:s1+s3], $0x80, v3, vm0, $0xb8;
	[tilespmem:$0x18E80] =	vst v63  }
0xcb: {  	v3 =	vld [tilespmem:s4+$0x110];
	_ =	sdelay $0x4  }
0xcc: {  	v31 =	vshll.u32 v3, $0x1  }
0xcd: {  	v3 =	vand.u32 $0x7, v3;
	v4 =	vand.u32 $0xFFFFFFF0, v31  }
0xce: {  	v3 =	vor.u32 v3, v4  }
0xcf: {  	v4 =	vperm.xlane v3, v0;
	_ =	sdelay $0x1  }
0xd0: {  	v3 =	vperm.xlane v3, v2;
	v4 =	vadd.s32 v1, v4;
	_ =	sdelay $0x1  }
0xd1: {  	v3 =	vadd.s32 v1, v3;
	_ =	sdelay $0x1  }
0xd2: {  	s7 =	simm.s32 $0x11680  }
0xd3: {  	[tilespmem:s7], [sflag:$0x1] =	stream.indirect_vreg.gather [hbm4b:s1+s3], $0x80, v4, vm0, $0xb8;
	[tilespmem:$0x18E80] =	vst v63  }
0xd4: {  	s9 =	simm.s32 $0x11E80  }
0xd5: {  	[tilespmem:s9], [sflag:$0x1] =	stream.indirect_vreg.gather [hbm4b:s1+s3], $0x80, v3, vm0, $0xb8;
	[tilespmem:$0x18E80] =	vst v63  }
0xd6: {  	v3 =	vld [tilespmem:s4+$0x120];
	_ =	sdelay $0x4  }
0xd7: {  	v32 =	vshll.u32 v3, $0x1  }
0xd8: {  	v3 =	vand.u32 $0x7, v3;
	v4 =	vand.u32 $0xFFFFFFF0, v32  }
0xd9: {  	v3 =	vor.u32 v3, v4  }
0xda: {  	v4 =	vperm.xlane v3, v0;
	_ =	sdelay $0x1  }
0xdb: {  	v3 =	vperm.xlane v3, v2;
	v4 =	vadd.s32 v1, v4;
	_ =	sdelay $0x1  }
0xdc: {  	v3 =	vadd.s32 v1, v3;
	_ =	sdelay $0x1  }
0xdd: {  	s7 =	simm.s32 $0x12680  }
0xde: {  	[tilespmem:s7], [sflag:$0x1] =	stream.indirect_vreg.gather [hbm4b:s1+s3], $0x80, v4, vm0, $0xb8;
	[tilespmem:$0x18E80] =	vst v63  }
0xdf: {  	s9 =	simm.s32 $0x12E80  }
0xe0: {  	[tilespmem:s9], [sflag:$0x1] =	stream.indirect_vreg.gather [hbm4b:s1+s3], $0x80, v3, vm0, $0xb8;
	[tilespmem:$0x18E80] =	vst v63  }
0xe1: {  	v3 =	vld [tilespmem:s4+$0x130];
	_ =	sdelay $0x4  }
0xe2: {  	v33 =	vshll.u32 v3, $0x1  }
0xe3: {  	v3 =	vand.u32 $0x7, v3;
	v4 =	vand.u32 $0xFFFFFFF0, v33  }
0xe4: {  	v3 =	vor.u32 v3, v4  }
0xe5: {  	v4 =	vperm.xlane v3, v0;
	_ =	sdelay $0x1  }
0xe6: {  	v3 =	vperm.xlane v3, v2;
	v4 =	vadd.s32 v1, v4;
	_ =	sdelay $0x1  }
0xe7: {  	v3 =	vadd.s32 v1, v3;
	_ =	sdelay $0x1  }
0xe8: {  	s7 =	simm.s32 $0x13680  }
0xe9: {  	[tilespmem:s7], [sflag:$0x1] =	stream.indirect_vreg.gather [hbm4b:s1+s3], $0x80, v4, vm0, $0xb8;
	[tilespmem:$0x18E80] =	vst v63  }
0xea: {  	s9 =	simm.s32 $0x13E80  }
0xeb: {  	[tilespmem:s9], [sflag:$0x1] =	stream.indirect_vreg.gather [hbm4b:s1+s3], $0x80, v3, vm0, $0xb8;
	[tilespmem:$0x18E80] =	vst v63  }
0xec: {  	v3 =	vld [tilespmem:s4+$0x140];
	_ =	sdelay $0x4  }
0xed: {  	v34 =	vshll.u32 v3, $0x1  }
0xee: {  	v3 =	vand.u32 $0x7, v3;
	v4 =	vand.u32 $0xFFFFFFF0, v34  }
0xef: {  	v3 =	vor.u32 v3, v4  }
0xf0: {  	v4 =	vperm.xlane v3, v0;
	_ =	sdelay $0x1  }
0xf1: {  	v3 =	vperm.xlane v3, v2;
	v4 =	vadd.s32 v1, v4;
	_ =	sdelay $0x1  }
0xf2: {  	v3 =	vadd.s32 v1, v3;
	_ =	sdelay $0x1  }
0xf3: {  	s7 =	simm.s32 $0x14680  }
0xf4: {  	[tilespmem:s7], [sflag:$0x1] =	stream.indirect_vreg.gather [hbm4b:s1+s3], $0x80, v4, vm0, $0xb8;
	[tilespmem:$0x18E80] =	vst v63  }
0xf5: {  	s9 =	simm.s32 $0x14E80  }
0xf6: {  	[tilespmem:s9], [sflag:$0x1] =	stream.indirect_vreg.gather [hbm4b:s1+s3], $0x80, v3, vm0, $0xb8;
	[tilespmem:$0x18E80] =	vst v63  }
0xf7: {  	v3 =	vld [tilespmem:s4+$0x150];
	_ =	sdelay $0x4  }
0xf8: {  	v35 =	vshll.u32 v3, $0x1  }
0xf9: {  	v3 =	vand.u32 $0x7, v3;
	v4 =	vand.u32 $0xFFFFFFF0, v35  }
0xfa: {  	v3 =	vor.u32 v3, v4  }
0xfb: {  	v4 =	vperm.xlane v3, v0;
	_ =	sdelay $0x1  }
0xfc: {  	v3 =	vperm.xlane v3, v2;
	v4 =	vadd.s32 v1, v4;
	_ =	sdelay $0x1  }
0xfd: {  	v3 =	vadd.s32 v1, v3;
	_ =	sdelay $0x1  }
0xfe: {  	s7 =	simm.s32 $0x15680  }
0xff: {  	[tilespmem:s7], [sflag:$0x1] =	stream.indirect_vreg.gather [hbm4b:s1+s3], $0x80, v4, vm0, $0xb8;
	[tilespmem:$0x18E80] =	vst v63  }
0x100: {  	s9 =	simm.s32 $0x15E80  }
0x101: {  	[tilespmem:s9], [sflag:$0x1] =	stream.indirect_vreg.gather [hbm4b:s1+s3], $0x80, v3, vm0, $0xb8;
	[tilespmem:$0x18E80] =	vst v63  }
0x102: {  	v3 =	vld [tilespmem:s4+$0x160];
	_ =	sdelay $0x4  }
0x103: {  	v36 =	vshll.u32 v3, $0x1  }
0x104: {  	v3 =	vand.u32 $0x7, v3;
	v4 =	vand.u32 $0xFFFFFFF0, v36  }
0x105: {  	v3 =	vor.u32 v3, v4  }
0x106: {  	v4 =	vperm.xlane v3, v0;
	_ =	sdelay $0x1  }
0x107: {  	v3 =	vperm.xlane v3, v2;
	v4 =	vadd.s32 v1, v4;
	_ =	sdelay $0x1  }
0x108: {  	v3 =	vadd.s32 v1, v3;
	_ =	sdelay $0x1  }
0x109: {  	s7 =	simm.s32 $0x16680  }
0x10a: {  	[tilespmem:s7], [sflag:$0x1] =	stream.indirect_vreg.gather [hbm4b:s1+s3], $0x80, v4, vm0, $0xb8;
	[tilespmem:$0x18E80] =	vst v63  }
0x10b: {  	s9 =	simm.s32 $0x16E80  }
0x10c: {  	[tilespmem:s9], [sflag:$0x1] =	stream.indirect_vreg.gather [hbm4b:s1+s3], $0x80, v3, vm0, $0xb8;
	[tilespmem:$0x18E80] =	vst v63  }
0x10d: {  	v3 =	vld [tilespmem:s4+$0x170];
	_ =	sdelay $0x4  }
0x10e: {  	v37 =	vshll.u32 v3, $0x1  }
0x10f: {  	v3 =	vand.u32 $0x7, v3;
	v4 =	vand.u32 $0xFFFFFFF0, v37  }
0x110: {  	v3 =	vor.u32 v3, v4  }
0x111: {  	v4 =	vperm.xlane v3, v0;
	_ =	sdelay $0x1  }
0x112: {  	v3 =	vperm.xlane v3, v2;
	v4 =	vadd.s32 v1, v4;
	_ =	sdelay $0x1  }
0x113: {  	v3 =	vadd.s32 v1, v3;
	_ =	sdelay $0x1  }
0x114: {  	s7 =	simm.s32 $0x17680  }
0x115: {  	[tilespmem:s7], [sflag:$0x1] =	stream.indirect_vreg.gather [hbm4b:s1+s3], $0x80, v4, vm0, $0xb8;
	[tilespmem:$0x18E80] =	vst v63  }
0x116: {  	s9 =	simm.s32 $0x17E80  }
0x117: {  	[tilespmem:s9], [sflag:$0x1] =	stream.indirect_vreg.gather [hbm4b:s1+s3], $0x80, v3, vm0, $0xb8;
	[tilespmem:$0x18E80] =	vst v63  }
0x118: {  	v3 =	vld.msk [tilespmem:s4+$0x180], $0xff;
	_ =	sdelay $0x4  }
0x119: {  	v38 =	vshll.u32 v3, $0x1  }
0x11a: {  	v3 =	vand.u32 $0x7, v3;
	v4 =	vand.u32 $0xFFFFFFF0, v38  }
0x11b: {  	v3 =	vor.u32 v3, v4  }
0x11c: {  	v3 =	vperm.xlane v3, v0;
	_ =	sdelay $0x1  }
0x11d: {  	v3 =	vadd.s32 v1, v3;
	_ =	sdelay $0x3  }
0x11e: {  	s0 =	simm.s32 $0x1;
	s7 =	simm.s32 $0x18680  }
0x11f: {  	[tilespmem:s7], [sflag:$0x1] =	stream.indirect_vreg.gather [hbm4b:s1+s3], $0x80, v3, vm0, $0xb8;
	[tilespmem:$0x18E80] =	vst v63  }
0x120: {  	_ =	swait.ge [sflag:s0], $0x18800  }
0x121: {  	[sflag:s0] =	ssyncset.done $0x0  }
0x122: {  	s7 =	simm.s32 $0x680;
	s9 =	rddreg [dreg:$0x5];
	[sflag:s0] =	ssyncadd.s32 $0xFFFE7800  }
0x123: {  	[hbm4b:s9+s3] =	stream.linear.scatter [tilespmem:s7], [sflag:$0x2], $0x18800, $0x38;
	[tilespmem:$0x18E80] =	vst v63  }
0x124: {  	_ =	swait.ge [sflag:s2], $0x18800  }
0x125: {  	[sflag:s2] =	ssyncset.done $0x0  }
0x126: {  	[sflag:s2] =	ssyncadd.s32 $0xFFFE7800  }
0x127: {  	v3 =	vld [tilespmem:s4+$0x188];
	_ =	sdelay $0x4  }
0x128: {  	v39 =	vshll.u32 v3, $0x1  }
0x129: {  	v3 =	vand.u32 $0x7, v3;
	v4 =	vand.u32 $0xFFFFFFF0, v39  }
0x12a: {  	v3 =	vor.u32 v3, v4  }
0x12b: {  	v4 =	vperm.xlane v3, v0;
	_ =	sdelay $0x1  }
0x12c: {  	v3 =	vperm.xlane v3, v2;
	v4 =	vadd.s32 v1, v4;
	_ =	sdelay $0x1  }
0x12d: {  	v3 =	vadd.s32 v1, v3;
	_ =	sdelay $0x2  }
0x12e: {  	[tilespmem:s7], [sflag:$0x1] =	stream.indirect_vreg.gather [hbm4b:s1+s3], $0x80, v4, vm0, $0xb8;
	[tilespmem:$0x18E80] =	vst v63  }
0x12f: {  	_ = 	snop  }
0x130: {  	[tilespmem:s10], [sflag:$0x1] =	stream.indirect_vreg.gather [hbm4b:s1+s3], $0x80, v3, vm0, $0xb8;
	[tilespmem:$0x18E80] =	vst v63  }
0x131: {  	v3 =	vld [tilespmem:s4+$0x198];
	_ =	sdelay $0x4  }
0x132: {  	v40 =	vshll.u32 v3, $0x1  }
0x133: {  	v3 =	vand.u32 $0x7, v3;
	v4 =	vand.u32 $0xFFFFFFF0, v40  }
0x134: {  	v3 =	vor.u32 v3, v4  }
0x135: {  	v4 =	vperm.xlane v3, v0;
	_ =	sdelay $0x1  }
0x136: {  	v3 =	vperm.xlane v3, v2;
	v4 =	vadd.s32 v1, v4;
	_ =	sdelay $0x1  }
0x137: {  	v3 =	vadd.s32 v1, v3;
	_ =	sdelay $0x2  }
0x138: {  	[tilespmem:s11], [sflag:$0x1] =	stream.indirect_vreg.gather [hbm4b:s1+s3], $0x80, v4, vm0, $0xb8;
	[tilespmem:$0x18E80] =	vst v63  }
0x139: {  	_ = 	snop  }
0x13a: {  	[tilespmem:s12], [sflag:$0x1] =	stream.indirect_vreg.gather [hbm4b:s1+s3], $0x80, v3, vm0, $0xb8;
	[tilespmem:$0x18E80] =	vst v63  }
0x13b: {  	v3 =	vld [tilespmem:s4+$0x1A8];
	_ =	sdelay $0x4  }
0x13c: {  	v41 =	vshll.u32 v3, $0x1  }
0x13d: {  	v3 =	vand.u32 $0x7, v3;
	v4 =	vand.u32 $0xFFFFFFF0, v41  }
0x13e: {  	v3 =	vor.u32 v3, v4  }
0x13f: {  	v4 =	vperm.xlane v3, v0;
	_ =	sdelay $0x1  }
0x140: {  	v3 =	vperm.xlane v3, v2;
	v4 =	vadd.s32 v1, v4;
	_ =	sdelay $0x1  }
0x141: {  	v3 =	vadd.s32 v1, v3;
	_ =	sdelay $0x2  }
0x142: {  	[tilespmem:s13], [sflag:$0x1] =	stream.indirect_vreg.gather [hbm4b:s1+s3], $0x80, v4, vm0, $0xb8;
	[tilespmem:$0x18E80] =	vst v63  }
0x143: {  	_ = 	snop  }
0x144: {  	[tilespmem:s14], [sflag:$0x1] =	stream.indirect_vreg.gather [hbm4b:s1+s3], $0x80, v3, vm0, $0xb8;
	[tilespmem:$0x18E80] =	vst v63  }
0x145: {  	v3 =	vld [tilespmem:s4+$0x1B8];
	_ =	sdelay $0x4  }
0x146: {  	v42 =	vshll.u32 v3, $0x1  }
0x147: {  	v3 =	vand.u32 $0x7, v3;
	v4 =	vand.u32 $0xFFFFFFF0, v42  }
0x148: {  	v3 =	vor.u32 v3, v4  }
0x149: {  	v4 =	vperm.xlane v3, v0;
	_ =	sdelay $0x1  }
0x14a: {  	v3 =	vperm.xlane v3, v2;
	v4 =	vadd.s32 v1, v4;
	_ =	sdelay $0x1  }
0x14b: {  	v3 =	vadd.s32 v1, v3;
	_ =	sdelay $0x2  }
0x14c: {  	[tilespmem:s15], [sflag:$0x1] =	stream.indirect_vreg.gather [hbm4b:s1+s3], $0x80, v4, vm0, $0xb8;
	[tilespmem:$0x18E80] =	vst v63  }
0x14d: {  	_ = 	snop  }
0x14e: {  	[tilespmem:s16], [sflag:$0x1] =	stream.indirect_vreg.gather [hbm4b:s1+s3], $0x80, v3, vm0, $0xb8;
	[tilespmem:$0x18E80] =	vst v63  }
0x14f: {  	v3 =	vld [tilespmem:s4+$0x1C8];
	_ =	sdelay $0x4  }
0x150: {  	v43 =	vshll.u32 v3, $0x1  }
0x151: {  	v3 =	vand.u32 $0x7, v3;
	v4 =	vand.u32 $0xFFFFFFF0, v43  }
0x152: {  	v3 =	vor.u32 v3, v4  }
0x153: {  	v4 =	vperm.xlane v3, v0;
	_ =	sdelay $0x1  }
0x154: {  	v3 =	vperm.xlane v3, v2;
	v4 =	vadd.s32 v1, v4;
	_ =	sdelay $0x1  }
0x155: {  	v3 =	vadd.s32 v1, v3;
	_ =	sdelay $0x2  }
0x156: {  	[tilespmem:s17], [sflag:$0x1] =	stream.indirect_vreg.gather [hbm4b:s1+s3], $0x80, v4, vm0, $0xb8;
	[tilespmem:$0x18E80] =	vst v63  }
0x157: {  	_ = 	snop  }
0x158: {  	[tilespmem:s18], [sflag:$0x1] =	stream.indirect_vreg.gather [hbm4b:s1+s3], $0x80, v3, vm0, $0xb8;
	[tilespmem:$0x18E80] =	vst v63  }
0x159: {  	v3 =	vld [tilespmem:s4+$0x1D8];
	_ =	sdelay $0x4  }
0x15a: {  	v44 =	vshll.u32 v3, $0x1  }
0x15b: {  	v3 =	vand.u32 $0x7, v3;
	v4 =	vand.u32 $0xFFFFFFF0, v44  }
0x15c: {  	v3 =	vor.u32 v3, v4  }
0x15d: {  	v4 =	vperm.xlane v3, v0;
	_ =	sdelay $0x1  }
0x15e: {  	v3 =	vperm.xlane v3, v2;
	v4 =	vadd.s32 v1, v4;
	_ =	sdelay $0x1  }
0x15f: {  	v3 =	vadd.s32 v1, v3;
	_ =	sdelay $0x2  }
0x160: {  	[tilespmem:s19], [sflag:$0x1] =	stream.indirect_vreg.gather [hbm4b:s1+s3], $0x80, v4, vm0, $0xb8;
	[tilespmem:$0x18E80] =	vst v63  }
0x161: {  	_ = 	snop  }
0x162: {  	[tilespmem:s20], [sflag:$0x1] =	stream.indirect_vreg.gather [hbm4b:s1+s3], $0x80, v3, vm0, $0xb8;
	[tilespmem:$0x18E80] =	vst v63  }
0x163: {  	v3 =	vld [tilespmem:s4+$0x1E8];
	_ =	sdelay $0x4  }
0x164: {  	v45 =	vshll.u32 v3, $0x1  }
0x165: {  	v3 =	vand.u32 $0x7, v3;
	v4 =	vand.u32 $0xFFFFFFF0, v45  }
0x166: {  	v3 =	vor.u32 v3, v4  }
0x167: {  	v4 =	vperm.xlane v3, v0;
	_ =	sdelay $0x1  }
0x168: {  	v3 =	vperm.xlane v3, v2;
	v4 =	vadd.s32 v1, v4;
	_ =	sdelay $0x1  }
0x169: {  	v3 =	vadd.s32 v1, v3;
	_ =	sdelay $0x2  }
0x16a: {  	[tilespmem:s21], [sflag:$0x1] =	stream.indirect_vreg.gather [hbm4b:s1+s3], $0x80, v4, vm0, $0xb8;
	[tilespmem:$0x18E80] =	vst v63  }
0x16b: {  	_ = 	snop  }
0x16c: {  	[tilespmem:s22], [sflag:$0x1] =	stream.indirect_vreg.gather [hbm4b:s1+s3], $0x80, v3, vm0, $0xb8;
	[tilespmem:$0x18E80] =	vst v63  }
0x16d: {  	v3 =	vld [tilespmem:s4+$0x1F8];
	_ =	sdelay $0x4  }
0x16e: {  	v46 =	vshll.u32 v3, $0x1  }
0x16f: {  	v3 =	vand.u32 $0x7, v3;
	v4 =	vand.u32 $0xFFFFFFF0, v46  }
0x170: {  	v3 =	vor.u32 v3, v4  }
0x171: {  	v4 =	vperm.xlane v3, v0;
	_ =	sdelay $0x1  }
0x172: {  	v3 =	vperm.xlane v3, v2;
	v4 =	vadd.s32 v1, v4;
	_ =	sdelay $0x1  }
0x173: {  	v3 =	vadd.s32 v1, v3;
	_ =	sdelay $0x2  }
0x174: {  	[tilespmem:s23], [sflag:$0x1] =	stream.indirect_vreg.gather [hbm4b:s1+s3], $0x80, v4, vm0, $0xb8;
	[tilespmem:$0x18E80] =	vst v63  }
0x175: {  	_ = 	snop  }
0x176: {  	[tilespmem:s24], [sflag:$0x1] =	stream.indirect_vreg.gather [hbm4b:s1+s3], $0x80, v3, vm0, $0xb8;
	[tilespmem:$0x18E80] =	vst v63  }
0x177: {  	v3 =	vld [tilespmem:s4+$0x208];
	_ =	sdelay $0x4  }
0x178: {  	v47 =	vshll.u32 v3, $0x1  }
0x179: {  	v3 =	vand.u32 $0x7, v3;
	v4 =	vand.u32 $0xFFFFFFF0, v47  }
0x17a: {  	v3 =	vor.u32 v3, v4  }
0x17b: {  	v4 =	vperm.xlane v3, v0;
	_ =	sdelay $0x1  }
0x17c: {  	v3 =	vperm.xlane v3, v2;
	v4 =	vadd.s32 v1, v4;
	_ =	sdelay $0x1  }
0x17d: {  	v3 =	vadd.s32 v1, v3;
	_ =	sdelay $0x2  }
0x17e: {  	[tilespmem:s25], [sflag:$0x1] =	stream.indirect_vreg.gather [hbm4b:s1+s3], $0x80, v4, vm0, $0xb8;
	[tilespmem:$0x18E80] =	vst v63  }
0x17f: {  	_ = 	snop  }
0x180: {  	[tilespmem:s26], [sflag:$0x1] =	stream.indirect_vreg.gather [hbm4b:s1+s3], $0x80, v3, vm0, $0xb8;
	[tilespmem:$0x18E80] =	vst v63  }
0x181: {  	v3 =	vld [tilespmem:s4+$0x218];
	_ =	sdelay $0x4  }
0x182: {  	v48 =	vshll.u32 v3, $0x1  }
0x183: {  	v3 =	vand.u32 $0x7, v3;
	v4 =	vand.u32 $0xFFFFFFF0, v48  }
0x184: {  	v3 =	vor.u32 v3, v4  }
0x185: {  	v4 =	vperm.xlane v3, v0;
	_ =	sdelay $0x1  }
0x186: {  	v3 =	vperm.xlane v3, v2;
	v4 =	vadd.s32 v1, v4;
	_ =	sdelay $0x1  }
0x187: {  	v3 =	vadd.s32 v1, v3;
	_ =	sdelay $0x2  }
0x188: {  	[tilespmem:s28], [sflag:$0x1] =	stream.indirect_vreg.gather [hbm4b:s1+s3], $0x80, v4, vm0, $0xb8;
	[tilespmem:$0x18E80] =	vst v63  }
0x189: {  	_ = 	snop  }
0x18a: {  	[tilespmem:s29], [sflag:$0x1] =	stream.indirect_vreg.gather [hbm4b:s1+s3], $0x80, v3, vm0, $0xb8;
	[tilespmem:$0x18E80] =	vst v63  }
0x18b: {  	v3 =	vld [tilespmem:s4+$0x228];
	_ =	sdelay $0x4  }
0x18c: {  	v49 =	vshll.u32 v3, $0x1  }
0x18d: {  	v3 =	vand.u32 $0x7, v3;
	v4 =	vand.u32 $0xFFFFFFF0, v49  }
0x18e: {  	v3 =	vor.u32 v3, v4  }
0x18f: {  	v4 =	vperm.xlane v3, v0;
	_ =	sdelay $0x1  }
0x190: {  	v3 =	vperm.xlane v3, v2;
	v4 =	vadd.s32 v1, v4;
	_ =	sdelay $0x1  }
0x191: {  	v3 =	vadd.s32 v1, v3;
	_ =	sdelay $0x2  }
0x192: {  	[tilespmem:s30], [sflag:$0x1] =	stream.indirect_vreg.gather [hbm4b:s1+s3], $0x80, v4, vm0, $0xb8;
	[tilespmem:$0x18E80] =	vst v63  }
0x193: {  	_ = 	snop  }
0x194: {  	[tilespmem:s31], [sflag:$0x1] =	stream.indirect_vreg.gather [hbm4b:s1+s3], $0x80, v3, vm0, $0xb8;
	[tilespmem:$0x18E80] =	vst v63  }
0x195: {  	v3 =	vld [tilespmem:s4+$0x238];
	_ =	sdelay $0x4  }
0x196: {  	v50 =	vshll.u32 v3, $0x1  }
0x197: {  	v3 =	vand.u32 $0x7, v3;
	v4 =	vand.u32 $0xFFFFFFF0, v50  }
0x198: {  	v3 =	vor.u32 v3, v4  }
0x199: {  	v4 =	vperm.xlane v3, v0;
	_ =	sdelay $0x1  }
0x19a: {  	v3 =	vperm.xlane v3, v2;
	v4 =	vadd.s32 v1, v4;
	_ =	sdelay $0x1  }
0x19b: {  	v3 =	vadd.s32 v1, v3;
	_ =	sdelay $0x1  }
0x19c: {  	s9 =	simm.s32 $0xB680  }
0x19d: {  	[tilespmem:s9], [sflag:$0x1] =	stream.indirect_vreg.gather [hbm4b:s1+s3], $0x80, v4, vm0, $0xb8;
	[tilespmem:$0x18E80] =	vst v63  }
0x19e: {  	s9 =	simm.s32 $0xBE80  }
0x19f: {  	[tilespmem:s9], [sflag:$0x1] =	stream.indirect_vreg.gather [hbm4b:s1+s3], $0x80, v3, vm0, $0xb8;
	[tilespmem:$0x18E80] =	vst v63  }
0x1a0: {  	v3 =	vld [tilespmem:s4+$0x248];
	_ =	sdelay $0x4  }
0x1a1: {  	v51 =	vshll.u32 v3, $0x1  }
0x1a2: {  	v3 =	vand.u32 $0x7, v3;
	v4 =	vand.u32 $0xFFFFFFF0, v51  }
0x1a3: {  	v3 =	vor.u32 v3, v4  }
0x1a4: {  	v4 =	vperm.xlane v3, v0;
	_ =	sdelay $0x1  }
0x1a5: {  	v3 =	vperm.xlane v3, v2;
	v4 =	vadd.s32 v1, v4;
	_ =	sdelay $0x1  }
0x1a6: {  	v3 =	vadd.s32 v1, v3;
	_ =	sdelay $0x2  }
0x1a7: {  	[tilespmem:s8], [sflag:$0x1] =	stream.indirect_vreg.gather [hbm4b:s1+s3], $0x80, v4, vm0, $0xb8;
	[tilespmem:$0x18E80] =	vst v63  }
0x1a8: {  	_ = 	snop  }
0x1a9: {  	[tilespmem:s5], [sflag:$0x1] =	stream.indirect_vreg.gather [hbm4b:s1+s3], $0x80, v3, vm0, $0xb8;
	[tilespmem:$0x18E80] =	vst v63  }
0x1aa: {  	v3 =	vld [tilespmem:s4+$0x258];
	_ =	sdelay $0x4  }
0x1ab: {  	v52 =	vshll.u32 v3, $0x1  }
0x1ac: {  	v3 =	vand.u32 $0x7, v3;
	v4 =	vand.u32 $0xFFFFFFF0, v52  }
0x1ad: {  	v3 =	vor.u32 v3, v4  }
0x1ae: {  	v4 =	vperm.xlane v3, v0;
	_ =	sdelay $0x1  }
0x1af: {  	v3 =	vperm.xlane v3, v2;
	v4 =	vadd.s32 v1, v4;
	_ =	sdelay $0x1  }
0x1b0: {  	v3 =	vadd.s32 v1, v3;
	_ =	sdelay $0x1  }
0x1b1: {  	s9 =	simm.s32 $0xD680  }
0x1b2: {  	[tilespmem:s9], [sflag:$0x1] =	stream.indirect_vreg.gather [hbm4b:s1+s3], $0x80, v4, vm0, $0xb8;
	[tilespmem:$0x18E80] =	vst v63  }
0x1b3: {  	s7 =	simm.s32 $0xDE80  }
0x1b4: {  	[tilespmem:s7], [sflag:$0x1] =	stream.indirect_vreg.gather [hbm4b:s1+s3], $0x80, v3, vm0, $0xb8;
	[tilespmem:$0x18E80] =	vst v63  }
0x1b5: {  	v3 =	vld [tilespmem:s4+$0x268];
	_ =	sdelay $0x4  }
0x1b6: {  	v53 =	vshll.u32 v3, $0x1  }
0x1b7: {  	v3 =	vand.u32 $0x7, v3;
	v4 =	vand.u32 $0xFFFFFFF0, v53  }
0x1b8: {  	v3 =	vor.u32 v3, v4  }
0x1b9: {  	v4 =	vperm.xlane v3, v0;
	_ =	sdelay $0x1  }
0x1ba: {  	v3 =	vperm.xlane v3, v2;
	v4 =	vadd.s32 v1, v4;
	_ =	sdelay $0x1  }
0x1bb: {  	v3 =	vadd.s32 v1, v3;
	_ =	sdelay $0x1  }
0x1bc: {  	s9 =	simm.s32 $0xE680  }
0x1bd: {  	[tilespmem:s9], [sflag:$0x1] =	stream.indirect_vreg.gather [hbm4b:s1+s3], $0x80, v4, vm0, $0xb8;
	[tilespmem:$0x18E80] =	vst v63  }
0x1be: {  	s7 =	simm.s32 $0xEE80  }
0x1bf: {  	[tilespmem:s7], [sflag:$0x1] =	stream.indirect_vreg.gather [hbm4b:s1+s3], $0x80, v3, vm0, $0xb8;
	[tilespmem:$0x18E80] =	vst v63  }
0x1c0: {  	v3 =	vld [tilespmem:s4+$0x278];
	_ =	sdelay $0x4  }
0x1c1: {  	v54 =	vshll.u32 v3, $0x1  }
0x1c2: {  	v3 =	vand.u32 $0x7, v3;
	v4 =	vand.u32 $0xFFFFFFF0, v54  }
0x1c3: {  	v3 =	vor.u32 v3, v4  }
0x1c4: {  	v4 =	vperm.xlane v3, v0;
	_ =	sdelay $0x1  }
0x1c5: {  	v3 =	vperm.xlane v3, v2;
	v4 =	vadd.s32 v1, v4;
	_ =	sdelay $0x1  }
0x1c6: {  	v3 =	vadd.s32 v1, v3;
	_ =	sdelay $0x1  }
0x1c7: {  	s9 =	simm.s32 $0xF680  }
0x1c8: {  	[tilespmem:s9], [sflag:$0x1] =	stream.indirect_vreg.gather [hbm4b:s1+s3], $0x80, v4, vm0, $0xb8;
	[tilespmem:$0x18E80] =	vst v63  }
0x1c9: {  	s7 =	simm.s32 $0xFE80  }
0x1ca: {  	[tilespmem:s7], [sflag:$0x1] =	stream.indirect_vreg.gather [hbm4b:s1+s3], $0x80, v3, vm0, $0xb8;
	[tilespmem:$0x18E80] =	vst v63  }
0x1cb: {  	v3 =	vld [tilespmem:s4+$0x288];
	_ =	sdelay $0x4  }
0x1cc: {  	v55 =	vshll.u32 v3, $0x1  }
0x1cd: {  	v3 =	vand.u32 $0x7, v3;
	v4 =	vand.u32 $0xFFFFFFF0, v55  }
0x1ce: {  	v3 =	vor.u32 v3, v4  }
0x1cf: {  	v4 =	vperm.xlane v3, v0;
	_ =	sdelay $0x1  }
0x1d0: {  	v3 =	vperm.xlane v3, v2;
	v4 =	vadd.s32 v1, v4;
	_ =	sdelay $0x1  }
0x1d1: {  	v3 =	vadd.s32 v1, v3;
	_ =	sdelay $0x1  }
0x1d2: {  	s9 =	simm.s32 $0x10680  }
0x1d3: {  	[tilespmem:s9], [sflag:$0x1] =	stream.indirect_vreg.gather [hbm4b:s1+s3], $0x80, v4, vm0, $0xb8;
	[tilespmem:$0x18E80] =	vst v63  }
0x1d4: {  	s7 =	simm.s32 $0x10E80  }
0x1d5: {  	[tilespmem:s7], [sflag:$0x1] =	stream.indirect_vreg.gather [hbm4b:s1+s3], $0x80, v3, vm0, $0xb8;
	[tilespmem:$0x18E80] =	vst v63  }
0x1d6: {  	v3 =	vld [tilespmem:s4+$0x298];
	_ =	sdelay $0x4  }
0x1d7: {  	v56 =	vshll.u32 v3, $0x1  }
0x1d8: {  	v3 =	vand.u32 $0x7, v3;
	v4 =	vand.u32 $0xFFFFFFF0, v56  }
0x1d9: {  	v3 =	vor.u32 v3, v4  }
0x1da: {  	v4 =	vperm.xlane v3, v0;
	_ =	sdelay $0x1  }
0x1db: {  	v3 =	vperm.xlane v3, v2;
	v4 =	vadd.s32 v1, v4;
	_ =	sdelay $0x1  }
0x1dc: {  	v3 =	vadd.s32 v1, v3;
	_ =	sdelay $0x1  }
0x1dd: {  	s9 =	simm.s32 $0x11680  }
0x1de: {  	[tilespmem:s9], [sflag:$0x1] =	stream.indirect_vreg.gather [hbm4b:s1+s3], $0x80, v4, vm0, $0xb8;
	[tilespmem:$0x18E80] =	vst v63  }
0x1df: {  	s7 =	simm.s32 $0x11E80  }
0x1e0: {  	[tilespmem:s7], [sflag:$0x1] =	stream.indirect_vreg.gather [hbm4b:s1+s3], $0x80, v3, vm0, $0xb8;
	[tilespmem:$0x18E80] =	vst v63  }
0x1e1: {  	v3 =	vld [tilespmem:s4+$0x2A8];
	_ =	sdelay $0x4  }
0x1e2: {  	v57 =	vshll.u32 v3, $0x1  }
0x1e3: {  	v3 =	vand.u32 $0x7, v3;
	v4 =	vand.u32 $0xFFFFFFF0, v57  }
0x1e4: {  	v3 =	vor.u32 v3, v4  }
0x1e5: {  	v4 =	vperm.xlane v3, v0;
	_ =	sdelay $0x1  }
0x1e6: {  	v3 =	vperm.xlane v3, v2;
	v4 =	vadd.s32 v1, v4;
	_ =	sdelay $0x1  }
0x1e7: {  	v3 =	vadd.s32 v1, v3;
	_ =	sdelay $0x1  }
0x1e8: {  	s9 =	simm.s32 $0x12680  }
0x1e9: {  	[tilespmem:s9], [sflag:$0x1] =	stream.indirect_vreg.gather [hbm4b:s1+s3], $0x80, v4, vm0, $0xb8;
	[tilespmem:$0x18E80] =	vst v63  }
0x1ea: {  	s7 =	simm.s32 $0x12E80  }
0x1eb: {  	[tilespmem:s7], [sflag:$0x1] =	stream.indirect_vreg.gather [hbm4b:s1+s3], $0x80, v3, vm0, $0xb8;
	[tilespmem:$0x18E80] =	vst v63  }
0x1ec: {  	v3 =	vld [tilespmem:s4+$0x2B8];
	_ =	sdelay $0x4  }
0x1ed: {  	v58 =	vshll.u32 v3, $0x1  }
0x1ee: {  	v3 =	vand.u32 $0x7, v3;
	v4 =	vand.u32 $0xFFFFFFF0, v58  }
0x1ef: {  	v3 =	vor.u32 v3, v4  }
0x1f0: {  	v4 =	vperm.xlane v3, v0;
	_ =	sdelay $0x1  }
0x1f1: {  	v3 =	vperm.xlane v3, v2;
	v4 =	vadd.s32 v1, v4;
	_ =	sdelay $0x1  }
0x1f2: {  	v3 =	vadd.s32 v1, v3;
	_ =	sdelay $0x1  }
0x1f3: {  	s9 =	simm.s32 $0x13680  }
0x1f4: {  	[tilespmem:s9], [sflag:$0x1] =	stream.indirect_vreg.gather [hbm4b:s1+s3], $0x80, v4, vm0, $0xb8;
	[tilespmem:$0x18E80] =	vst v63  }
0x1f5: {  	s7 =	simm.s32 $0x13E80  }
0x1f6: {  	[tilespmem:s7], [sflag:$0x1] =	stream.indirect_vreg.gather [hbm4b:s1+s3], $0x80, v3, vm0, $0xb8;
	[tilespmem:$0x18E80] =	vst v63  }
0x1f7: {  	v3 =	vld [tilespmem:s4+$0x2C8];
	_ =	sdelay $0x4  }
0x1f8: {  	v59 =	vshll.u32 v3, $0x1  }
0x1f9: {  	v3 =	vand.u32 $0x7, v3;
	v4 =	vand.u32 $0xFFFFFFF0, v59  }
0x1fa: {  	v3 =	vor.u32 v3, v4  }
0x1fb: {  	v4 =	vperm.xlane v3, v0;
	_ =	sdelay $0x1  }
0x1fc: {  	v3 =	vperm.xlane v3, v2;
	v4 =	vadd.s32 v1, v4;
	_ =	sdelay $0x1  }
0x1fd: {  	v3 =	vadd.s32 v1, v3;
	_ =	sdelay $0x1  }
0x1fe: {  	s9 =	simm.s32 $0x14680  }
0x1ff: {  	[tilespmem:s9], [sflag:$0x1] =	stream.indirect_vreg.gather [hbm4b:s1+s3], $0x80, v4, vm0, $0xb8;
	[tilespmem:$0x18E80] =	vst v63  }
0x200: {  	s7 =	simm.s32 $0x14E80  }
0x201: {  	[tilespmem:s7], [sflag:$0x1] =	stream.indirect_vreg.gather [hbm4b:s1+s3], $0x80, v3, vm0, $0xb8;
	[tilespmem:$0x18E80] =	vst v63  }
0x202: {  	v3 =	vld [tilespmem:s4+$0x2D8];
	_ =	sdelay $0x4  }
0x203: {  	v60 =	vshll.u32 v3, $0x1  }
0x204: {  	v3 =	vand.u32 $0x7, v3;
	v4 =	vand.u32 $0xFFFFFFF0, v60  }
0x205: {  	v3 =	vor.u32 v3, v4  }
0x206: {  	v4 =	vperm.xlane v3, v0;
	_ =	sdelay $0x1  }
0x207: {  	v3 =	vperm.xlane v3, v2;
	v4 =	vadd.s32 v1, v4;
	_ =	sdelay $0x1  }
0x208: {  	v3 =	vadd.s32 v1, v3;
	_ =	sdelay $0x1  }
0x209: {  	s9 =	simm.s32 $0x15680  }
0x20a: {  	[tilespmem:s9], [sflag:$0x1] =	stream.indirect_vreg.gather [hbm4b:s1+s3], $0x80, v4, vm0, $0xb8;
	[tilespmem:$0x18E80] =	vst v63  }
0x20b: {  	s7 =	simm.s32 $0x15E80  }
0x20c: {  	[tilespmem:s7], [sflag:$0x1] =	stream.indirect_vreg.gather [hbm4b:s1+s3], $0x80, v3, vm0, $0xb8;
	[tilespmem:$0x18E80] =	vst v63  }
0x20d: {  	v3 =	vld [tilespmem:s4+$0x2E8];
	_ =	sdelay $0x4  }
0x20e: {  	v61 =	vshll.u32 v3, $0x1  }
0x20f: {  	v3 =	vand.u32 $0x7, v3;
	v4 =	vand.u32 $0xFFFFFFF0, v61  }
0x210: {  	v3 =	vor.u32 v3, v4  }
0x211: {  	v4 =	vperm.xlane v3, v0;
	_ =	sdelay $0x1  }
0x212: {  	v3 =	vperm.xlane v3, v2;
	v4 =	vadd.s32 v1, v4;
	_ =	sdelay $0x1  }
0x213: {  	v3 =	vadd.s32 v1, v3;
	_ =	sdelay $0x1  }
0x214: {  	s9 =	simm.s32 $0x16680  }
0x215: {  	[tilespmem:s9], [sflag:$0x1] =	stream.indirect_vreg.gather [hbm4b:s1+s3], $0x80, v4, vm0, $0xb8;
	[tilespmem:$0x18E80] =	vst v63  }
0x216: {  	s7 =	simm.s32 $0x16E80  }
0x217: {  	[tilespmem:s7], [sflag:$0x1] =	stream.indirect_vreg.gather [hbm4b:s1+s3], $0x80, v3, vm0, $0xb8;
	[tilespmem:$0x18E80] =	vst v63  }
0x218: {  	v3 =	vld [tilespmem:s4+$0x2F8];
	_ =	sdelay $0x4  }
0x219: {  	v62 =	vshll.u32 v3, $0x1  }
0x21a: {  	v3 =	vand.u32 $0x7, v3;
	v4 =	vand.u32 $0xFFFFFFF0, v62  }
0x21b: {  	v3 =	vor.u32 v3, v4  }
0x21c: {  	v4 =	vperm.xlane v3, v0;
	_ =	sdelay $0x1  }
0x21d: {  	v3 =	vperm.xlane v3, v2;
	v4 =	vadd.s32 v1, v4;
	_ =	sdelay $0x1  }
0x21e: {  	v3 =	vadd.s32 v1, v3;
	_ =	sdelay $0x1  }
0x21f: {  	s9 =	simm.s32 $0x17680  }
0x220: {  	[tilespmem:s9], [sflag:$0x1] =	stream.indirect_vreg.gather [hbm4b:s1+s3], $0x80, v4, vm0, $0xb8;
	[tilespmem:$0x18E80] =	vst v63  }
0x221: {  	s7 =	simm.s32 $0x17E80  }
0x222: {  	[tilespmem:s7], [sflag:$0x1] =	stream.indirect_vreg.gather [hbm4b:s1+s3], $0x80, v3, vm0, $0xb8;
	[tilespmem:$0x18E80] =	vst v63  }
0x223: {  	v3 =	vld.msk [tilespmem:s4+$0x308], $0xff;
	_ =	sdelay $0x4  }
0x224: {  	v63 =	vshll.u32 v3, $0x1  }
0x225: {  	v3 =	vand.u32 $0x7, v3;
	v4 =	vand.u32 $0xFFFFFFF0, v63  }
0x226: {  	v3 =	vor.u32 v3, v4  }
0x227: {  	v3 =	vperm.xlane v3, v0;
	_ =	sdelay $0x1  }
0x228: {  	v3 =	vadd.s32 v1, v3;
	_ =	sdelay $0x3  }
0x229: {  	s9 =	simm.s32 $0x18680  }
0x22a: {  	[tilespmem:s9], [sflag:$0x1] =	stream.indirect_vreg.gather [hbm4b:s1+s3], $0x80, v3, vm0, $0xb8;
	[tilespmem:$0x18E80] =	vst v63  }
0x22b: {  	_ =	swait.ge [sflag:s0], $0x18800  }
0x22c: {  	p0 =	sne.s32 s6, $0x1;
	s7 =	simm.s32 $0x680;
	[sflag:s0] =	ssyncset.done $0x0  }
.Ltmp0:
0x22d: {  	s5 =	rddreg [dreg:$0x6];
	[sflag:s0] =	ssyncadd.s32 $0xFFFE7800;
	(pc) =	sbr.rel @p0 .LBB2_1-.Ltmp0, $4  }
0x22e: {  	[hbm4b:s5+s3] =	stream.linear.scatter [tilespmem:s7], [sflag:$0x2], $0x18800, $0x38;
	[tilespmem:$0x18E80] =	vst v63  }
0x22f: {  	_ =	swait.ge [sflag:s2], $0x18800  }
0x230: {  	[sflag:s2] =	ssyncset.done $0x0  }
0x231: {  	s6 =	sadd.s32 $0xFFFFFFFF, s6;
	[sflag:s2] =	ssyncadd.s32 $0xFFFE7800  }
0x232: {  	_ =	sfence.sel $0x180000  }
0x233: {  	[bflag:$0x0] =	sbarrier.arrive $0xFFFF  }
0x234: {  	_ =	strace $0x90000047  }
0x235: {  	s0 =	stileid.u32;
	[bflag:$0x2] =	sbarrier.arrive $0xFFFF  }
0x236: {  	p0 =	sne.s32 s0, $0x0;
	s0 =	rddreg [dreg:$0x3]  }
0x237: {  	s0 =	sadd.s32 @!p0 $0x100000, s0  }
0x238: {  	[sflag:s0] =	ssyncadd.tile.s32 @!p0 $0x1;
	_ =	shalt  }
.Lfunc_end2:
_tile_overlayer_lowered:
.L_overlay_start_2:
0x239: {  	(tag) =	ssettag $0x2  }
0x23a: {  	s0 =	rddreg [dreg:$0x0];
	s2 =	stileid.u32  }
0x23b: {  	s1 =	rddreg [dreg:$0x1];
	p0 =	sne.s32 s2, $0x0  }
0x23c: {  	s3 =	rddreg [dreg:$0x2];
	[bflag:$0x3] =	sbarrier.arrive $0xFFFF;
	s2 =	simm.s32 @!p0 $0x1C02  }
0x23d: {  	[timem:s3], [sflag:s2] =	dma.local @!p0 [hbm:s0], s1  }
0x23e: {  	s0 =	simm.s32 @!p0 $0x2  }
0x23f: {  	_ =	swait.ge @!p0 [sflag:s0], s1  }
0x240: {  	s1 =	ssub.s32 @!p0 $0x0, s1;
	[sflag:s0] =	ssyncset.done @!p0 $0x0  }
0x241: {  	[sflag:s0] =	ssyncadd.s32 @!p0 s1  }
0x242: {  	[bflag:$0x3] =	sbarrier.arrive $0xFFFF  }
0x243: {  	_ =	shalt  }

</sc_bundles>
